<compile_context>
chip_gen: v7x
topology: tpu7x:2x2x1
jax: 0.10.2.dev20260603
libtpu: 0.0.44.dev20260713+nightly
codegen_flags: <defaults>
</compile_context>

<pallas_src>
import functools

import jax
import jax.numpy as jnp
from jax import lax
from jax.experimental import pallas as pl
from jax.experimental.pallas import tpu as pltpu, tpu_sc as plsc

N = 4096
D = 64
PERPLEXITY = 30.0
TOL = 1e-05
K = int(PERPLEXITY * 3)
N_CATEGORIES = 8
N_TRIES = 50

G = 4
GN = N // G
TILE_A = 256
TILE_C = 512
PAD = 128
XW = 2 * N
NW = 32
RPW = GN // NW
L = 16
NB = 128
NBLK = N // NB

_MAX_FINITE_BITS = 0x7F7FFFFF
_PADVAL = 1e38


def _tc_a_kernel(goff, x_ref, xt_ref, bl_ref, out_ref):
    pid = pl.program_id(0)
    x = x_ref[...]
    xt = xt_ref[...]

    dot = lax.dot_general(
        x, xt, (((1,), (0,)), ((), ())), preferred_element_type=jnp.float32)
    sq_row = jnp.sum(x * x, axis=1, keepdims=True)
    sq_lane = jnp.sum(xt * xt, axis=0, keepdims=True)
    d2 = jnp.maximum(sq_row + sq_lane - 2.0 * dot, 0.0)

    row_ids = goff + pid * TILE_A + lax.broadcasted_iota(
        jnp.int32, (TILE_A, N), 0)
    col_ids = lax.broadcasted_iota(jnp.int32, (TILE_A, N), 1)
    d2 = jnp.where(row_ids == col_ids, jnp.inf, d2)

    bits = lax.bitcast_convert_type(d2, jnp.int32)

    def bisect_body(_, state):
        lo, hi = state
        mid = lo + lax.shift_right_logical(hi - lo, 1)
        cnt = jnp.sum((bits <= mid).astype(jnp.int32), axis=1, keepdims=True)
        ge = cnt >= K
        return jnp.where(ge, lo, mid + 1), jnp.where(ge, mid, hi)

    lo0 = jnp.full((TILE_A, 1), -1, dtype=jnp.int32)
    hi0 = jnp.full((TILE_A, 1), _MAX_FINITE_BITS, dtype=jnp.int32)
    _, vbits = lax.fori_loop(0, 31, bisect_body, (lo0, hi0))

    maskf = jnp.where(bits <= vbits, 1.0, 0.0)

    i128a = lax.broadcasted_iota(jnp.int32, (NB, NB), 0)
    i128b = lax.broadcasted_iota(jnp.int32, (NB, NB), 1)
    T = jnp.where(i128a < i128b, 1.0, 0.0)
    m2 = maskf.reshape(TILE_A * NBLK, NB)
    p_in = lax.dot_general(
        m2, T, (((1,), (0,)), ((), ())),
        preferred_element_type=jnp.float32).reshape(TILE_A, N)

    colb = lax.shift_right_logical(
        lax.broadcasted_iota(jnp.int32, (N, NBLK), 0), 7)
    blkid = lax.broadcasted_iota(jnp.int32, (N, NBLK), 1)
    C = jnp.where(colb == blkid, 1.0, 0.0)
    t32 = lax.dot_general(
        maskf, C, (((1,), (0,)), ((), ())),
        preferred_element_type=jnp.float32)
    ia = lax.broadcasted_iota(jnp.int32, (NBLK, NBLK), 0)
    ib = lax.broadcasted_iota(jnp.int32, (NBLK, NBLK), 1)
    S = jnp.where(ia < ib, 1.0, 0.0)
    base32 = lax.dot_general(
        t32, S, (((1,), (0,)), ((), ())),
        preferred_element_type=jnp.float32)
    rowb = lax.broadcasted_iota(jnp.int32, (NBLK, N), 0)
    colb2 = lax.shift_right_logical(
        lax.broadcasted_iota(jnp.int32, (NBLK, N), 1), 7)
    E = jnp.where(rowb == colb2, 1.0, 0.0)
    base = lax.dot_general(
        base32, E, (((1,), (0,)), ((), ())),
        preferred_element_type=jnp.float32)

    rank = base + p_in
    sel = jnp.logical_and(maskf > 0.0, rank < float(PAD))
    rankv = jnp.where(sel, rank, -1.0)

    labs = bl_ref[...]
    packed = lax.bitcast_convert_type(
        jnp.bitwise_or(jnp.bitwise_and(bits, ~7), labs), jnp.float32)

    out_ref[...] = jnp.concatenate([packed, rankv], axis=1)


def _tc_a(X, XT, BL, g):
    gblk = GN // TILE_A
    return pl.pallas_call(
        functools.partial(_tc_a_kernel, g * GN),
        grid=(gblk,),
        in_specs=[
            pl.BlockSpec((TILE_A, D), lambda i, _g=g: (i + _g * gblk, 0)),
            pl.BlockSpec((D, N), lambda i: (0, 0)),
            pl.BlockSpec((1, N), lambda i: (0, 0)),
        ],
        out_specs=pl.BlockSpec((TILE_A, XW), lambda i: (i, 0)),
        out_shape=jax.ShapeDtypeStruct((GN, XW), jnp.float32),
    )(X, XT, BL)


def _sc_body(d2x_hbm, out_hbm, rowbuf0, rowbuf1, outbuf, sem0, sem1):
    wid = lax.axis_index("s") * 2 + lax.axis_index("c")
    base = wid * RPW

    def prefill(r, _):
        def inner(j, _):
            outbuf[r, pl.ds(j * L, L)] = jnp.full((L,), _PADVAL, jnp.float32)
            return 0
        return lax.fori_loop(0, PAD // L, inner, 0)
    lax.fori_loop(0, RPW, prefill, 0)

    def process(buf, lr):
        rsplat = jnp.broadcast_to(lr, (L,)).astype(jnp.int32)

        @plsc.parallel_loop(0, N // L, unroll=8)
        def chunk(c):
            vals = buf[pl.ds(c * L, L)]
            rk = buf[pl.ds(N + c * L, L)]
            m = rk >= 0.0
            idx = jnp.maximum(rk, 0.0).astype(jnp.int32)
            plsc.store_scatter(outbuf, [rsplat, idx], vals, mask=m)

    pltpu.async_copy(d2x_hbm.at[base], rowbuf0, sem0)

    def pair(p, _):
        r0 = 2 * p
        r1 = r0 + 1
        pltpu.make_async_copy(d2x_hbm.at[base + r0], rowbuf0, sem0).wait()
        pltpu.async_copy(d2x_hbm.at[base + r1], rowbuf1, sem1)
        process(rowbuf0, r0)
        pltpu.make_async_copy(d2x_hbm.at[base + r1], rowbuf1, sem1).wait()

        @pl.when(p < RPW // 2 - 1)
        def _():
            pltpu.async_copy(d2x_hbm.at[base + r0 + 2], rowbuf0, sem0)

        process(rowbuf1, r1)
        return 0

    lax.fori_loop(0, RPW // 2, pair, 0)

    pltpu.sync_copy(outbuf, out_hbm.at[pl.ds(base, RPW)])


def _sc_compact(d2x):
    run = pl.kernel(
        _sc_body,
        out_type=jax.ShapeDtypeStruct((GN, PAD), jnp.float32),
        mesh=plsc.VectorSubcoreMesh(core_axis_name="c", subcore_axis_name="s"),
        scratch_types=(
            pltpu.VMEM((XW,), jnp.float32),
            pltpu.VMEM((XW,), jnp.float32),
            pltpu.VMEM((RPW, PAD), jnp.float32),
            pltpu.SemaphoreType.DMA,
            pltpu.SemaphoreType.DMA,
        ),
        compiler_params=pltpu.CompilerParams(needs_layout_passes=False),
    )
    return run(d2x)


def _tc_c_kernel(d_ref, out_ref):
    pbits = lax.bitcast_convert_type(d_ref[...], jnp.int32)
    labs = jnp.bitwise_and(pbits, 7)
    d2c = lax.bitcast_convert_type(jnp.bitwise_and(pbits, ~7), jnp.float32)
    dist = jnp.sqrt(jnp.maximum(d2c, 1e-12))
    logU = jnp.log(jnp.float32(PERPLEXITY))

    def hbeta(beta):
        E = jnp.exp(-dist * beta)
        Ps = jnp.sum(E, axis=1, keepdims=True)
        S = jnp.sum(dist * E, axis=1, keepdims=True)
        Ps_safe = jnp.where(Ps > 0, Ps, 1.0)
        H = jnp.where(Ps > 0, jnp.log(Ps_safe) + beta * S / Ps_safe, 0.0)
        return E, Ps, Ps_safe, H

    def search_body(_, state):
        beta, bmin, bmax = state
        _, _, _, H = hbeta(beta)
        Hdiff = H - logU
        done = jnp.abs(Hdiff) < TOL
        bmin_n = jnp.where(Hdiff > 0, beta, bmin)
        bmax_n = jnp.where(Hdiff > 0, bmax, beta)
        beta_up = jnp.where(jnp.isfinite(bmax), (beta + bmax) / 2.0, beta * 2.0)
        beta_dn = jnp.where(jnp.isfinite(bmin), (beta + bmin) / 2.0, beta / 2.0)
        beta_n = jnp.where(Hdiff > 0, beta_up, beta_dn)
        beta_n = jnp.where(done, beta, beta_n)
        bmin_n = jnp.where(done, bmin, bmin_n)
        bmax_n = jnp.where(done, bmax, bmax_n)
        return beta_n, bmin_n, bmax_n

    init = (jnp.full((TILE_C, 1), 1.0, jnp.float32),
            jnp.full((TILE_C, 1), -jnp.inf, jnp.float32),
            jnp.full((TILE_C, 1), jnp.inf, jnp.float32))
    beta, _, _ = lax.fori_loop(0, N_TRIES, search_body, init)

    E, Ps, Ps_safe, H = hbeta(beta)
    P = jnp.where(Ps > 0, E / Ps_safe, 0.0)

    simpson = jnp.zeros((TILE_C, 1), jnp.float32)
    for c in range(N_CATEGORIES):
        pc = jnp.sum(jnp.where(labs == c, P, 0.0), axis=1, keepdims=True)
        simpson = simpson + pc * pc
    simpson = jnp.where(H == 0.0, -1.0, simpson)
    out_ref[...] = 1.0 / simpson


def _tc_c(dcomp):
    return pl.pallas_call(
        _tc_c_kernel,
        grid=(GN // TILE_C,),
        in_specs=[pl.BlockSpec((TILE_C, PAD), lambda i: (i, 0))],
        out_specs=pl.BlockSpec((TILE_C, 1), lambda i: (i, 0)),
        out_shape=jax.ShapeDtypeStruct((GN, 1), jnp.float32),
    )(dcomp)


@jax.jit
def kernel(X, batch_id):
    XT = X.T
    BL = batch_id.astype(jnp.int32).reshape(1, N)
    parts = []
    for g in range(G):
        d2x = _tc_a(X, XT, BL, g)
        dcomp = _sc_compact(d2x)
        parts.append(_tc_c(dcomp))
    return jnp.concatenate(parts, axis=0).reshape(N)

# --- scband reference (transcript-rebuilt; emitter-appended) ---
"""Pipeline reference for scband-lisiloss-58506044506816 (READ-ONLY COPY).

The authoritative reference and input builder live on the scoring server;
editing this copy changes nothing except your own understanding.
"""

import jax, jax.numpy as jnp
import numpy as np

PERPLEXITY = 30.0
TOL = 1e-05
K = int(PERPLEXITY * 3)
N_TRIES = 50
N_CATEGORIES = 8


def setup_inputs(seed: int = 0) -> dict:
    key = jax.random.key(seed)
    k1, k2 = jax.random.split(key)
    X = jax.random.normal(k1, (4096, 64), dtype=jnp.float32)
    batch_id = jax.random.randint(k2, (4096,), 0, N_CATEGORIES, dtype=jnp.int64 if jax.config.jax_enable_x64 else jnp.int32)
    return {"X": X, "batch_id": batch_id}


def _knn(X):
    # brute-force kNN (replaces sklearn kd_tree): euclidean distances, top-(K+1), drop self
    sq = jnp.sum(X * X, axis=1)
    d2 = sq[:, None] + sq[None, :] - 2.0 * (X @ X.T)
    d2 = jnp.maximum(d2, 0.0)
    neg_vals, idx = jax.lax.top_k(-d2, K + 1)
    dist = jnp.sqrt(jnp.maximum(-neg_vals[:, 1:], 1e-12))
    return dist, idx[:, 1:]


def _hbeta(d, beta):
    P = jnp.exp(-d * beta)
    Ps = jnp.sum(P)
    Ps_safe = jnp.where(Ps > 0, Ps, 1.0)
    H = jnp.where(Ps > 0, jnp.log(Ps_safe) + beta * jnp.sum(d * P) / Ps_safe, 0.0)
    P = jnp.where(Ps > 0, P / Ps_safe, jnp.zeros_like(P))
    return H, P


def _search(d):
    # binary search for beta s.t. entropy H == log(perplexity), mirroring compute_hdiff
    logU = jnp.log(jnp.float32(PERPLEXITY))

    def body(_, state):
        beta, bmin, bmax = state
        H, _P = _hbeta(d, beta)
        Hdiff = H - logU
        done = jnp.abs(Hdiff) < TOL
        bmin_n = jnp.where(Hdiff > 0, beta, bmin)
        bmax_n = jnp.where(Hdiff > 0, bmax, beta)
        beta_up = jnp.where(jnp.isfinite(bmax), (beta + bmax) / 2.0, beta * 2.0)
        beta_dn = jnp.where(jnp.isfinite(bmin), (beta + bmin) / 2.0, beta / 2.0)
        beta_n = jnp.where(Hdiff > 0, beta_up, beta_dn)
        beta_n = jnp.where(done, beta, beta_n)
        bmin_n = jnp.where(done, bmin, bmin_n)
        bmax_n = jnp.where(done, bmax, bmax_n)
        return beta_n, bmin_n, bmax_n

    init = (jnp.float32(1.0), jnp.float32(-jnp.inf), jnp.float32(jnp.inf))
    beta, _, _ = jax.lax.fori_loop(0, N_TRIES, body, init)
    return _hbeta(d, beta)


def reference(X, batch_id):
    dist, idx = _knn(X)                      # [N,K], [N,K]
    H, P = jax.vmap(_search)(dist)           # H: [N], P: [N,K]
    labels = batch_id[idx]                   # gather neighbor batch labels [N,K]
    onehot = jax.nn.one_hot(labels, N_CATEGORIES, dtype=P.dtype)  # [N,K,C]
    psum = jnp.einsum('nk,nkc->nc', P, onehot)                     # per-category prob mass
    simpson = jnp.sum(psum * psum, axis=1)   # [N]
    simpson = jnp.where(H == 0, -1.0, simpson)  # degenerate cells marked -1 as in original
    return 1.0 / simpson

if __name__ == "__main__":
    import jax
    _d = setup_inputs()
    print(jax.jit(kernel)(*tuple(_d.values())))

</pallas_src>

<mosaic_0001>
#map = affine_map<(d0, d1) -> (0, 0)>
module attributes {stable_mosaic.version = 14 : i64} {
  func.func @_sc_body(%arg0: i32, %arg1: i32, %arg2: memref<1024x8192xf32, #tpu.memory_space<hbm>>, %arg3: memref<1024x128xf32, #tpu.memory_space<hbm>>, %arg4: memref<8192xf32, #tpu.memory_space<vmem>>, %arg5: memref<8192xf32, #tpu.memory_space<vmem>>, %arg6: memref<32x128xf32, #tpu.memory_space<vmem>>, %arg7: memref<!tpu.dma_semaphore, #tpu.memory_space<semaphore_mem>>, %arg8: memref<!tpu.dma_semaphore, #tpu.memory_space<semaphore_mem>>) attributes {dimension_semantics = [#tpu.dimension_semantics<core_parallel>, #tpu.dimension_semantics<subcore_parallel>], iteration_bounds = array<i64: 2, 16>, scalar_prefetch = 0 : i64, scratch_operands = 5 : i64, tpu.core_type = #tpu.core_type<sc_vector_subcore>, window_params = [{transform_indices = #map}, {transform_indices = #map}]} {
    %mul3A = arith.constant 2 : i32
    %mul3A_0 = arith.muli %arg1, %mul3A : i32
    %add3A = arith.addi %mul3A_0, %arg0 : i32
    %mul3A_1 = arith.constant 32 : i32
    %mul3A_2 = arith.muli %add3A, %mul3A_1 : i32
    %scan3A = arith.constant 0 : i32
    %scan3A_3 = arith.constant 0 : i32
    %scan3A_4 = arith.constant 32 : i32
    %scan3A_5 = arith.addi %scan3A_3, %scan3A_4 : i32
    %scan3A_6 = arith.constant 1 : i32
    %scan3A_7 = scf.for %scan3A_21 = %scan3A_3 to %scan3A_5 step %scan3A_6 iter_args(%scan3A_22 = %scan3A) -> (i32)  : i32 {
      %scan3A_23 = arith.constant 0 : i32
      %scan3A_24 = arith.constant 0 : i32
      %scan3A_25 = arith.constant 8 : i32
      %scan3A_26 = arith.addi %scan3A_24, %scan3A_25 : i32
      %scan3A_27 = arith.constant 1 : i32
      %scan3A_28 = scf.for %scan3A_30 = %scan3A_24 to %scan3A_26 step %scan3A_27 iter_args(%scan3A_31 = %scan3A_23) -> (i32)  : i32 {
        %broadcast_in_dim3A = arith.constant 9.99999968E+37 : f32
        %broadcast_in_dim3A_32 = vector.broadcast %broadcast_in_dim3A : f32 to vector<16xf32>
        %mul3A_33 = arith.constant 16 : i32
        %mul3A_34 = arith.muli %scan3A_30, %mul3A_33 : i32
        %swap3A = arith.index_cast %scan3A_21 : i32 to index
        %swap3A_35 = arith.index_cast %mul3A_34 : i32 to index
        %swap3A_36 = tpu.vector_load %arg6[%swap3A, %swap3A_35] {strides = array<i32>} : memref<32x128xf32, #tpu.memory_space<vmem>>, vector<16xf32>,
        tpu.vector_store %arg6[%swap3A, %swap3A_35], %broadcast_in_dim3A_32 {strides = array<i32>} : memref<32x128xf32, #tpu.memory_space<vmem>>, vector<16xf32>,
        %scan3A_37 = arith.constant 0 : i32
        scf.yield %scan3A_37 : i32
      }
      %scan3A_29 = arith.constant 8 : i32
      scf.yield %scan3A_28 : i32
    }
    %scan3A_8 = arith.constant 32 : i32
    %dma_start3A = arith.constant 0 : i32
    %dma_start3A_9 = tpu.memref_slice %arg2[%mul3A_2, %dma_start3A] : memref<1024x8192xf32, #tpu.memory_space<hbm>> -> memref<1x8192xf32, #tpu.memory_space<hbm>>
    %dma_start3A_10 = tpu.memref_squeeze %dma_start3A_9 : memref<1x8192xf32, #tpu.memory_space<hbm>> -> memref<8192xf32, #tpu.memory_space<hbm>>
    %dma_start3A_11 = arith.constant 0 : i32
    %dma_start3A_12 = tpu.memref_slice %arg2[%mul3A_2, %dma_start3A_11] : memref<1024x8192xf32, #tpu.memory_space<hbm>> -> memref<1x8192xf32, #tpu.memory_space<hbm>>
    %dma_start3A_13 = tpu.memref_squeeze %dma_start3A_12 : memref<1x8192xf32, #tpu.memory_space<hbm>> -> memref<8192xf32, #tpu.memory_space<hbm>>
    tpu.enqueue_dma source(%dma_start3A_13 : memref<8192xf32, #tpu.memory_space<hbm>>) target(%arg4 : memref<8192xf32, #tpu.memory_space<vmem>>) target_semaphore(%arg7 : memref<!tpu.dma_semaphore, #tpu.memory_space<semaphore_mem>>)
    %scan3A_14 = arith.constant 0 : i32
    %scan3A_15 = arith.constant 0 : i32
    %scan3A_16 = arith.constant 16 : i32
    %scan3A_17 = arith.addi %scan3A_15, %scan3A_16 : i32
    %scan3A_18 = arith.constant 1 : i32
    %scan3A_19 = scf.for %scan3A_21 = %scan3A_15 to %scan3A_17 step %scan3A_18 iter_args(%scan3A_22 = %scan3A_14) -> (i32)  : i32 {
      %mul3A_23 = arith.constant 2 : i32
      %mul3A_24 = arith.muli %mul3A_23, %scan3A_21 : i32
      %add3A_25 = arith.constant 1 : i32
      %add3A_26 = arith.addi %mul3A_24, %add3A_25 : i32
      %add3A_27 = arith.addi %mul3A_2, %mul3A_24 : i32
      %dma_wait3A = arith.constant 0 : i32
      %dma_wait3A_28 = tpu.memref_slice %arg2[%add3A_27, %dma_wait3A] : memref<1024x8192xf32, #tpu.memory_space<hbm>> -> memref<1x8192xf32, #tpu.memory_space<hbm>>
      %dma_wait3A_29 = tpu.memref_squeeze %dma_wait3A_28 : memref<1x8192xf32, #tpu.memory_space<hbm>> -> memref<8192xf32, #tpu.memory_space<hbm>>
      %dma_wait3A_30 = arith.constant 0 : i32
      %dma_wait3A_31 = tpu.memref_slice %arg2[%add3A_27, %dma_wait3A_30] : memref<1024x8192xf32, #tpu.memory_space<hbm>> -> memref<1x8192xf32, #tpu.memory_space<hbm>>
      %dma_wait3A_32 = tpu.memref_squeeze %dma_wait3A_31 : memref<1x8192xf32, #tpu.memory_space<hbm>> -> memref<8192xf32, #tpu.memory_space<hbm>>
      tpu.wait_dma2 semaphore(%arg7 : memref<!tpu.dma_semaphore, #tpu.memory_space<semaphore_mem>>) src(%dma_wait3A_32 : memref<8192xf32, #tpu.memory_space<hbm>>) dst(%arg4 : memref<8192xf32, #tpu.memory_space<vmem>>)
      %add3A_33 = arith.addi %mul3A_2, %add3A_26 : i32
      %dma_start3A_34 = arith.constant 0 : i32
      %dma_start3A_35 = tpu.memref_slice %arg2[%add3A_33, %dma_start3A_34] : memref<1024x8192xf32, #tpu.memory_space<hbm>> -> memref<1x8192xf32, #tpu.memory_space<hbm>>
      %dma_start3A_36 = tpu.memref_squeeze %dma_start3A_35 : memref<1x8192xf32, #tpu.memory_space<hbm>> -> memref<8192xf32, #tpu.memory_space<hbm>>
      %dma_start3A_37 = arith.constant 0 : i32
      %dma_start3A_38 = tpu.memref_slice %arg2[%add3A_33, %dma_start3A_37] : memref<1024x8192xf32, #tpu.memory_space<hbm>> -> memref<1x8192xf32, #tpu.memory_space<hbm>>
      %dma_start3A_39 = tpu.memref_squeeze %dma_start3A_38 : memref<1x8192xf32, #tpu.memory_space<hbm>> -> memref<8192xf32, #tpu.memory_space<hbm>>
      tpu.enqueue_dma source(%dma_start3A_39 : memref<8192xf32, #tpu.memory_space<hbm>>) target(%arg5 : memref<8192xf32, #tpu.memory_space<vmem>>) target_semaphore(%arg8 : memref<!tpu.dma_semaphore, #tpu.memory_space<semaphore_mem>>)
      %broadcast_in_dim3A = vector.broadcast %mul3A_24 : i32 to vector<16xi32>
      %parallel_loop3A = arith.constant 0 : i32
      %parallel_loop3A_40 = arith.constant 256 : i32
      %parallel_loop3A_41 = arith.constant 1 : i32
      scf.for %parallel_loop3A_56 = %parallel_loop3A to %parallel_loop3A_40 step %parallel_loop3A_41  : i32 {
        %parallel_loop3A_57 = arith.constant 16 : i32
        %parallel_loop3A_58 = arith.muli %parallel_loop3A_56, %parallel_loop3A_57 : i32
        %parallel_loop3A_59 = arith.index_cast %parallel_loop3A_58 : i32 to index
        %parallel_loop3A_60 = tpu.vector_load %arg4[%parallel_loop3A_59] {strides = array<i32>} : memref<8192xf32, #tpu.memory_space<vmem>>, vector<16xf32>,
        %parallel_loop3A_61 = arith.constant 16 : i32
        %parallel_loop3A_62 = arith.muli %parallel_loop3A_56, %parallel_loop3A_61 : i32
        %parallel_loop3A_63 = arith.constant 4096 : i32
        %parallel_loop3A_64 = arith.addi %parallel_loop3A_63, %parallel_loop3A_62 : i32
        %parallel_loop3A_65 = arith.index_cast %parallel_loop3A_64 : i32 to index
        %parallel_loop3A_66 = tpu.vector_load %arg4[%parallel_loop3A_65] {strides = array<i32>} : memref<8192xf32, #tpu.memory_space<vmem>>, vector<16xf32>,
        %parallel_loop3A_67 = arith.constant 0.000000e+00 : f32
        %parallel_loop3A_68 = vector.broadcast %parallel_loop3A_67 : f32 to vector<16xf32>
        %parallel_loop3A_69 = arith.cmpf oge, %parallel_loop3A_66, %parallel_loop3A_68 : vector<16xf32>
        %parallel_loop3A_70 = arith.constant 0.000000e+00 : f32
        %parallel_loop3A_71 = vector.broadcast %parallel_loop3A_70 : f32 to vector<16xf32>
        %parallel_loop3A_72 = arith.maximumf %parallel_loop3A_66, %parallel_loop3A_71 : vector<16xf32>
        %parallel_loop3A_73 = arith.fptosi %parallel_loop3A_72 : vector<16xf32> to vector<16xi32>
        tpu.vector_store_idx %arg6[%broadcast_in_dim3A, %parallel_loop3A_73], %parallel_loop3A_60 masked %parallel_loop3A_69 : memref<32x128xf32, #tpu.memory_space<vmem>>[vector<16xi32>, vector<16xi32>], vector<16xf32>, vector<16xi1>
      } {sc.loop_unroll_factor = 8 : i64, sc.parallel_access}
      %add3A_42 = arith.addi %mul3A_2, %add3A_26 : i32
      %dma_wait3A_43 = arith.constant 0 : i32
      %dma_wait3A_44 = tpu.memref_slice %arg2[%add3A_42, %dma_wait3A_43] : memref<1024x8192xf32, #tpu.memory_space<hbm>> -> memref<1x8192xf32, #tpu.memory_space<hbm>>
      %dma_wait3A_45 = tpu.memref_squeeze %dma_wait3A_44 : memref<1x8192xf32, #tpu.memory_space<hbm>> -> memref<8192xf32, #tpu.memory_space<hbm>>
      %dma_wait3A_46 = arith.constant 0 : i32
      %dma_wait3A_47 = tpu.memref_slice %arg2[%add3A_42, %dma_wait3A_46] : memref<1024x8192xf32, #tpu.memory_space<hbm>> -> memref<1x8192xf32, #tpu.memory_space<hbm>>
      %dma_wait3A_48 = tpu.memref_squeeze %dma_wait3A_47 : memref<1x8192xf32, #tpu.memory_space<hbm>> -> memref<8192xf32, #tpu.memory_space<hbm>>
      tpu.wait_dma2 semaphore(%arg8 : memref<!tpu.dma_semaphore, #tpu.memory_space<semaphore_mem>>) src(%dma_wait3A_48 : memref<8192xf32, #tpu.memory_space<hbm>>) dst(%arg5 : memref<8192xf32, #tpu.memory_space<vmem>>)
      %lt3A = arith.constant 15 : i32
      %lt3A_49 = arith.cmpi slt, %scan3A_21, %lt3A : i32
      %convert_element_type3A = arith.extui %lt3A_49 : i1 to i32
      %cond3A = arith.constant 0 : i32
      %cond3A_50 = arith.cmpi ne, %convert_element_type3A, %cond3A : i32
      scf.if %cond3A_50 {
        %add3A_56 = arith.addi %mul3A_2, %mul3A_24 : i32
        %add3A_57 = arith.constant 2 : i32
        %add3A_58 = arith.addi %add3A_56, %add3A_57 : i32
        %dma_start3A_59 = arith.constant 0 : i32
        %dma_start3A_60 = tpu.memref_slice %arg2[%add3A_58, %dma_start3A_59] : memref<1024x8192xf32, #tpu.memory_space<hbm>> -> memref<1x8192xf32, #tpu.memory_space<hbm>>
        %dma_start3A_61 = tpu.memref_squeeze %dma_start3A_60 : memref<1x8192xf32, #tpu.memory_space<hbm>> -> memref<8192xf32, #tpu.memory_space<hbm>>
        %dma_start3A_62 = arith.constant 0 : i32
        %dma_start3A_63 = tpu.memref_slice %arg2[%add3A_58, %dma_start3A_62] : memref<1024x8192xf32, #tpu.memory_space<hbm>> -> memref<1x8192xf32, #tpu.memory_space<hbm>>
        %dma_start3A_64 = tpu.memref_squeeze %dma_start3A_63 : memref<1x8192xf32, #tpu.memory_space<hbm>> -> memref<8192xf32, #tpu.memory_space<hbm>>
        tpu.enqueue_dma source(%dma_start3A_64 : memref<8192xf32, #tpu.memory_space<hbm>>) target(%arg4 : memref<8192xf32, #tpu.memory_space<vmem>>) target_semaphore(%arg7 : memref<!tpu.dma_semaphore, #tpu.memory_space<semaphore_mem>>)
      } else {
      }
      %broadcast_in_dim3A_51 = vector.broadcast %add3A_26 : i32 to vector<16xi32>
      %parallel_loop3A_52 = arith.constant 0 : i32
      %parallel_loop3A_53 = arith.constant 256 : i32
      %parallel_loop3A_54 = arith.constant 1 : i32
      scf.for %parallel_loop3A_56 = %parallel_loop3A_52 to %parallel_loop3A_53 step %parallel_loop3A_54  : i32 {
        %parallel_loop3A_57 = arith.constant 16 : i32
        %parallel_loop3A_58 = arith.muli %parallel_loop3A_56, %parallel_loop3A_57 : i32
        %parallel_loop3A_59 = arith.index_cast %parallel_loop3A_58 : i32 to index
        %parallel_loop3A_60 = tpu.vector_load %arg5[%parallel_loop3A_59] {strides = array<i32>} : memref<8192xf32, #tpu.memory_space<vmem>>, vector<16xf32>,
        %parallel_loop3A_61 = arith.constant 16 : i32
        %parallel_loop3A_62 = arith.muli %parallel_loop3A_56, %parallel_loop3A_61 : i32
        %parallel_loop3A_63 = arith.constant 4096 : i32
        %parallel_loop3A_64 = arith.addi %parallel_loop3A_63, %parallel_loop3A_62 : i32
        %parallel_loop3A_65 = arith.index_cast %parallel_loop3A_64 : i32 to index
        %parallel_loop3A_66 = tpu.vector_load %arg5[%parallel_loop3A_65] {strides = array<i32>} : memref<8192xf32, #tpu.memory_space<vmem>>, vector<16xf32>,
        %parallel_loop3A_67 = arith.constant 0.000000e+00 : f32
        %parallel_loop3A_68 = vector.broadcast %parallel_loop3A_67 : f32 to vector<16xf32>
        %parallel_loop3A_69 = arith.cmpf oge, %parallel_loop3A_66, %parallel_loop3A_68 : vector<16xf32>
        %parallel_loop3A_70 = arith.constant 0.000000e+00 : f32
        %parallel_loop3A_71 = vector.broadcast %parallel_loop3A_70 : f32 to vector<16xf32>
        %parallel_loop3A_72 = arith.maximumf %parallel_loop3A_66, %parallel_loop3A_71 : vector<16xf32>
        %parallel_loop3A_73 = arith.fptosi %parallel_loop3A_72 : vector<16xf32> to vector<16xi32>
        tpu.vector_store_idx %arg6[%broadcast_in_dim3A_51, %parallel_loop3A_73], %parallel_loop3A_60 masked %parallel_loop3A_69 : memref<32x128xf32, #tpu.memory_space<vmem>>[vector<16xi32>, vector<16xi32>], vector<16xf32>, vector<16xi1>
      } {sc.loop_unroll_factor = 8 : i64, sc.parallel_access}
      %scan3A_55 = arith.constant 0 : i32
      scf.yield %scan3A_55 : i32
    }
    %scan3A_20 = arith.constant 16 : i32
    "tpu.region"() ({
      %run_scoped3A = tpu.sem_alloc : memref<!tpu.dma_semaphore, #tpu.memory_space<semaphore_mem>>
      %dma_start3A_21 = arith.constant 0 : i32
      %dma_start3A_22 = tpu.memref_slice %arg3[%mul3A_2, %dma_start3A_21] : memref<1024x128xf32, #tpu.memory_space<hbm>> -> memref<32x128xf32, #tpu.memory_space<hbm>>
      %dma_start3A_23 = arith.constant 0 : i32
      %dma_start3A_24 = tpu.memref_slice %arg3[%mul3A_2, %dma_start3A_23] : memref<1024x128xf32, #tpu.memory_space<hbm>> -> memref<32x128xf32, #tpu.memory_space<hbm>>
      tpu.enqueue_dma source(%arg6 : memref<32x128xf32, #tpu.memory_space<vmem>>) target(%dma_start3A_24 : memref<32x128xf32, #tpu.memory_space<hbm>>) target_semaphore(%run_scoped3A : memref<!tpu.dma_semaphore, #tpu.memory_space<semaphore_mem>>)
      %dma_wait3A = arith.constant 0 : i32
      %dma_wait3A_25 = tpu.memref_slice %arg3[%mul3A_2, %dma_wait3A] : memref<1024x128xf32, #tpu.memory_space<hbm>> -> memref<32x128xf32, #tpu.memory_space<hbm>>
      %dma_wait3A_26 = arith.constant 0 : i32
      %dma_wait3A_27 = tpu.memref_slice %arg3[%mul3A_2, %dma_wait3A_26] : memref<1024x128xf32, #tpu.memory_space<hbm>> -> memref<32x128xf32, #tpu.memory_space<hbm>>
      tpu.wait_dma2 semaphore(%run_scoped3A : memref<!tpu.dma_semaphore, #tpu.memory_space<semaphore_mem>>) src(%arg6 : memref<32x128xf32, #tpu.memory_space<vmem>>) dst(%dma_wait3A_27 : memref<32x128xf32, #tpu.memory_space<hbm>>)
      tpu.yield
    }) : () -> ()
    return
  }
}

#map = affine_map<(d0, d1) -> (0, 0)>
module attributes {stable_mosaic.version = 14 : i64} {
  func.func @_sc_body(%arg0: i32, %arg1: i32, %arg2: memref<1024x8192xf32, #tpu.memory_space<hbm>>, %arg3: memref<1024x128xf32, #tpu.memory_space<hbm>>, %arg4: memref<8192xf32, #tpu.memory_space<vmem>>, %arg5: memref<8192xf32, #tpu.memory_space<vmem>>, %arg6: memref<32x128xf32, #tpu.memory_space<vmem>>, %arg7: memref<!tpu.dma_semaphore, #tpu.memory_space<semaphore_mem>>, %arg8: memref<!tpu.dma_semaphore, #tpu.memory_space<semaphore_mem>>) attributes {dimension_semantics = [#tpu.dimension_semantics<core_parallel>, #tpu.dimension_semantics<subcore_parallel>], iteration_bounds = array<i64: 2, 16>, scalar_prefetch = 0 : i64, scratch_operands = 5 : i64, tpu.core_type = #tpu.core_type<sc_vector_subcore>, window_params = [{transform_indices = #map}, {transform_indices = #map}]} {
    %mul3A = arith.constant 2 : i32
    %mul3A_0 = arith.muli %arg1, %mul3A : i32
    %add3A = arith.addi %mul3A_0, %arg0 : i32
    %mul3A_1 = arith.constant 32 : i32
    %mul3A_2 = arith.muli %add3A, %mul3A_1 : i32
    %scan3A = arith.constant 0 : i32
    %scan3A_3 = arith.constant 0 : i32
    %scan3A_4 = arith.constant 32 : i32
    %scan3A_5 = arith.addi %scan3A_3, %scan3A_4 : i32
    %scan3A_6 = arith.constant 1 : i32
    %scan3A_7 = scf.for %scan3A_21 = %scan3A_3 to %scan3A_5 step %scan3A_6 iter_args(%scan3A_22 = %scan3A) -> (i32)  : i32 {
      %scan3A_23 = arith.constant 0 : i32
      %scan3A_24 = arith.constant 0 : i32
      %scan3A_25 = arith.constant 8 : i32
      %scan3A_26 = arith.addi %scan3A_24, %scan3A_25 : i32
      %scan3A_27 = arith.constant 1 : i32
      %scan3A_28 = scf.for %scan3A_30 = %scan3A_24 to %scan3A_26 step %scan3A_27 iter_args(%scan3A_31 = %scan3A_23) -> (i32)  : i32 {
        %broadcast_in_dim3A = arith.constant 9.99999968E+37 : f32
        %broadcast_in_dim3A_32 = vector.broadcast %broadcast_in_dim3A : f32 to vector<16xf32>
        %mul3A_33 = arith.constant 16 : i32
        %mul3A_34 = arith.muli %scan3A_30, %mul3A_33 : i32
        %swap3A = arith.index_cast %scan3A_21 : i32 to index
        %swap3A_35 = arith.index_cast %mul3A_34 : i32 to index
        %swap3A_36 = tpu.vector_load %arg6[%swap3A, %swap3A_35] {strides = array<i32>} : memref<32x128xf32, #tpu.memory_space<vmem>>, vector<16xf32>,
        tpu.vector_store %arg6[%swap3A, %swap3A_35], %broadcast_in_dim3A_32 {strides = array<i32>} : memref<32x128xf32, #tpu.memory_space<vmem>>, vector<16xf32>,
        %scan3A_37 = arith.constant 0 : i32
        scf.yield %scan3A_37 : i32
      }
      %scan3A_29 = arith.constant 8 : i32
      scf.yield %scan3A_28 : i32
    }
    %scan3A_8 = arith.constant 32 : i32
    %dma_start3A = arith.constant 0 : i32
    %dma_start3A_9 = tpu.memref_slice %arg2[%mul3A_2, %dma_start3A] : memref<1024x8192xf32, #tpu.memory_space<hbm>> -> memref<1x8192xf32, #tpu.memory_space<hbm>>
    %dma_start3A_10 = tpu.memref_squeeze %dma_start3A_9 : memref<1x8192xf32, #tpu.memory_space<hbm>> -> memref<8192xf32, #tpu.memory_space<hbm>>
    %dma_start3A_11 = arith.constant 0 : i32
    %dma_start3A_12 = tpu.memref_slice %arg2[%mul3A_2, %dma_start3A_11] : memref<1024x8192xf32, #tpu.memory_space<hbm>> -> memref<1x8192xf32, #tpu.memory_space<hbm>>
    %dma_start3A_13 = tpu.memref_squeeze %dma_start3A_12 : memref<1x8192xf32, #tpu.memory_space<hbm>> -> memref<8192xf32, #tpu.memory_space<hbm>>
    tpu.enqueue_dma source(%dma_start3A_13 : memref<8192xf32, #tpu.memory_space<hbm>>) target(%arg4 : memref<8192xf32, #tpu.memory_space<vmem>>) target_semaphore(%arg7 : memref<!tpu.dma_semaphore, #tpu.memory_space<semaphore_mem>>)
    %scan3A_14 = arith.constant 0 : i32
    %scan3A_15 = arith.constant 0 : i32
    %scan3A_16 = arith.constant 16 : i32
    %scan3A_17 = arith.addi %scan3A_15, %scan3A_16 : i32
    %scan3A_18 = arith.constant 1 : i32
    %scan3A_19 = scf.for %scan3A_21 = %scan3A_15 to %scan3A_17 step %scan3A_18 iter_args(%scan3A_22 = %scan3A_14) -> (i32)  : i32 {
      %mul3A_23 = arith.constant 2 : i32
      %mul3A_24 = arith.muli %mul3A_23, %scan3A_21 : i32
      %add3A_25 = arith.constant 1 : i32
      %add3A_26 = arith.addi %mul3A_24, %add3A_25 : i32
      %add3A_27 = arith.addi %mul3A_2, %mul3A_24 : i32
      %dma_wait3A = arith.constant 0 : i32
      %dma_wait3A_28 = tpu.memref_slice %arg2[%add3A_27, %dma_wait3A] : memref<1024x8192xf32, #tpu.memory_space<hbm>> -> memref<1x8192xf32, #tpu.memory_space<hbm>>
      %dma_wait3A_29 = tpu.memref_squeeze %dma_wait3A_28 : memref<1x8192xf32, #tpu.memory_space<hbm>> -> memref<8192xf32, #tpu.memory_space<hbm>>
      %dma_wait3A_30 = arith.constant 0 : i32
      %dma_wait3A_31 = tpu.memref_slice %arg2[%add3A_27, %dma_wait3A_30] : memref<1024x8192xf32, #tpu.memory_space<hbm>> -> memref<1x8192xf32, #tpu.memory_space<hbm>>
      %dma_wait3A_32 = tpu.memref_squeeze %dma_wait3A_31 : memref<1x8192xf32, #tpu.memory_space<hbm>> -> memref<8192xf32, #tpu.memory_space<hbm>>
      tpu.wait_dma2 semaphore(%arg7 : memref<!tpu.dma_semaphore, #tpu.memory_space<semaphore_mem>>) src(%dma_wait3A_32 : memref<8192xf32, #tpu.memory_space<hbm>>) dst(%arg4 : memref<8192xf32, #tpu.memory_space<vmem>>)
      %add3A_33 = arith.addi %mul3A_2, %add3A_26 : i32
      %dma_start3A_34 = arith.constant 0 : i32
      %dma_start3A_35 = tpu.memref_slice %arg2[%add3A_33, %dma_start3A_34] : memref<1024x8192xf32, #tpu.memory_space<hbm>> -> memref<1x8192xf32, #tpu.memory_space<hbm>>
      %dma_start3A_36 = tpu.memref_squeeze %dma_start3A_35 : memref<1x8192xf32, #tpu.memory_space<hbm>> -> memref<8192xf32, #tpu.memory_space<hbm>>
      %dma_start3A_37 = arith.constant 0 : i32
      %dma_start3A_38 = tpu.memref_slice %arg2[%add3A_33, %dma_start3A_37] : memref<1024x8192xf32, #tpu.memory_space<hbm>> -> memref<1x8192xf32, #tpu.memory_space<hbm>>
      %dma_start3A_39 = tpu.memref_squeeze %dma_start3A_38 : memref<1x8192xf32, #tpu.memory_space<hbm>> -> memref<8192xf32, #tpu.memory_space<hbm>>
      tpu.enqueue_dma source(%dma_start3A_39 : memref<8192xf32, #tpu.memory_space<hbm>>) target(%arg5 : memref<8192xf32, #tpu.memory_space<vmem>>) target_semaphore(%arg8 : memref<!tpu.dma_semaphore, #tpu.memory_space<semaphore_mem>>)
      %broadcast_in_dim3A = vector.broadcast %mul3A_24 : i32 to vector<16xi32>
      %parallel_loop3A = arith.constant 0 : i32
      %parallel_loop3A_40 = arith.constant 256 : i32
      %parallel_loop3A_41 = arith.constant 1 : i32
      scf.for %parallel_loop3A_56 = %parallel_loop3A to %parallel_loop3A_40 step %parallel_loop3A_41  : i32 {
        %parallel_loop3A_57 = arith.constant 16 : i32
        %parallel_loop3A_58 = arith.muli %parallel_loop3A_56, %parallel_loop3A_57 : i32
        %parallel_loop3A_59 = arith.index_cast %parallel_loop3A_58 : i32 to index
        %parallel_loop3A_60 = tpu.vector_load %arg4[%parallel_loop3A_59] {strides = array<i32>} : memref<8192xf32, #tpu.memory_space<vmem>>, vector<16xf32>,
        %parallel_loop3A_61 = arith.constant 16 : i32
        %parallel_loop3A_62 = arith.muli %parallel_loop3A_56, %parallel_loop3A_61 : i32
        %parallel_loop3A_63 = arith.constant 4096 : i32
        %parallel_loop3A_64 = arith.addi %parallel_loop3A_63, %parallel_loop3A_62 : i32
        %parallel_loop3A_65 = arith.index_cast %parallel_loop3A_64 : i32 to index
        %parallel_loop3A_66 = tpu.vector_load %arg4[%parallel_loop3A_65] {strides = array<i32>} : memref<8192xf32, #tpu.memory_space<vmem>>, vector<16xf32>,
        %parallel_loop3A_67 = arith.constant 0.000000e+00 : f32
        %parallel_loop3A_68 = vector.broadcast %parallel_loop3A_67 : f32 to vector<16xf32>
        %parallel_loop3A_69 = arith.cmpf oge, %parallel_loop3A_66, %parallel_loop3A_68 : vector<16xf32>
        %parallel_loop3A_70 = arith.constant 0.000000e+00 : f32
        %parallel_loop3A_71 = vector.broadcast %parallel_loop3A_70 : f32 to vector<16xf32>
        %parallel_loop3A_72 = arith.maximumf %parallel_loop3A_66, %parallel_loop3A_71 : vector<16xf32>
        %parallel_loop3A_73 = arith.fptosi %parallel_loop3A_72 : vector<16xf32> to vector<16xi32>
        tpu.vector_store_idx %arg6[%broadcast_in_dim3A, %parallel_loop3A_73], %parallel_loop3A_60 masked %parallel_loop3A_69 : memref<32x128xf32, #tpu.memory_space<vmem>>[vector<16xi32>, vector<16xi32>], vector<16xf32>, vector<16xi1>
      } {sc.loop_unroll_factor = 8 : i64, sc.parallel_access}
      %add3A_42 = arith.addi %mul3A_2, %add3A_26 : i32
      %dma_wait3A_43 = arith.constant 0 : i32
      %dma_wait3A_44 = tpu.memref_slice %arg2[%add3A_42, %dma_wait3A_43] : memref<1024x8192xf32, #tpu.memory_space<hbm>> -> memref<1x8192xf32, #tpu.memory_space<hbm>>
      %dma_wait3A_45 = tpu.memref_squeeze %dma_wait3A_44 : memref<1x8192xf32, #tpu.memory_space<hbm>> -> memref<8192xf32, #tpu.memory_space<hbm>>
      %dma_wait3A_46 = arith.constant 0 : i32
      %dma_wait3A_47 = tpu.memref_slice %arg2[%add3A_42, %dma_wait3A_46] : memref<1024x8192xf32, #tpu.memory_space<hbm>> -> memref<1x8192xf32, #tpu.memory_space<hbm>>
      %dma_wait3A_48 = tpu.memref_squeeze %dma_wait3A_47 : memref<1x8192xf32, #tpu.memory_space<hbm>> -> memref<8192xf32, #tpu.memory_space<hbm>>
      tpu.wait_dma2 semaphore(%arg8 : memref<!tpu.dma_semaphore, #tpu.memory_space<semaphore_mem>>) src(%dma_wait3A_48 : memref<8192xf32, #tpu.memory_space<hbm>>) dst(%arg5 : memref<8192xf32, #tpu.memory_space<vmem>>)
      %lt3A = arith.constant 15 : i32
      %lt3A_49 = arith.cmpi slt, %scan3A_21, %lt3A : i32
      %convert_element_type3A = arith.extui %lt3A_49 : i1 to i32
      %cond3A = arith.constant 0 : i32
      %cond3A_50 = arith.cmpi ne, %convert_element_type3A, %cond3A : i32
      scf.if %cond3A_50 {
        %add3A_56 = arith.addi %mul3A_2, %mul3A_24 : i32
        %add3A_57 = arith.constant 2 : i32
        %add3A_58 = arith.addi %add3A_56, %add3A_57 : i32
        %dma_start3A_59 = arith.constant 0 : i32
        %dma_start3A_60 = tpu.memref_slice %arg2[%add3A_58, %dma_start3A_59] : memref<1024x8192xf32, #tpu.memory_space<hbm>> -> memref<1x8192xf32, #tpu.memory_space<hbm>>
        %dma_start3A_61 = tpu.memref_squeeze %dma_start3A_60 : memref<1x8192xf32, #tpu.memory_space<hbm>> -> memref<8192xf32, #tpu.memory_space<hbm>>
        %dma_start3A_62 = arith.constant 0 : i32
        %dma_start3A_63 = tpu.memref_slice %arg2[%add3A_58, %dma_start3A_62] : memref<1024x8192xf32, #tpu.memory_space<hbm>> -> memref<1x8192xf32, #tpu.memory_space<hbm>>
        %dma_start3A_64 = tpu.memref_squeeze %dma_start3A_63 : memref<1x8192xf32, #tpu.memory_space<hbm>> -> memref<8192xf32, #tpu.memory_space<hbm>>
        tpu.enqueue_dma source(%dma_start3A_64 : memref<8192xf32, #tpu.memory_space<hbm>>) target(%arg4 : memref<8192xf32, #tpu.memory_space<vmem>>) target_semaphore(%arg7 : memref<!tpu.dma_semaphore, #tpu.memory_space<semaphore_mem>>)
      } else {
      }
      %broadcast_in_dim3A_51 = vector.broadcast %add3A_26 : i32 to vector<16xi32>
      %parallel_loop3A_52 = arith.constant 0 : i32
      %parallel_loop3A_53 = arith.constant 256 : i32
      %parallel_loop3A_54 = arith.constant 1 : i32
      scf.for %parallel_loop3A_56 = %parallel_loop3A_52 to %parallel_loop3A_53 step %parallel_loop3A_54  : i32 {
        %parallel_loop3A_57 = arith.constant 16 : i32
        %parallel_loop3A_58 = arith.muli %parallel_loop3A_56, %parallel_loop3A_57 : i32
        %parallel_loop3A_59 = arith.index_cast %parallel_loop3A_58 : i32 to index
        %parallel_loop3A_60 = tpu.vector_load %arg5[%parallel_loop3A_59] {strides = array<i32>} : memref<8192xf32, #tpu.memory_space<vmem>>, vector<16xf32>,
        %parallel_loop3A_61 = arith.constant 16 : i32
        %parallel_loop3A_62 = arith.muli %parallel_loop3A_56, %parallel_loop3A_61 : i32
        %parallel_loop3A_63 = arith.constant 4096 : i32
        %parallel_loop3A_64 = arith.addi %parallel_loop3A_63, %parallel_loop3A_62 : i32
        %parallel_loop3A_65 = arith.index_cast %parallel_loop3A_64 : i32 to index
        %parallel_loop3A_66 = tpu.vector_load %arg5[%parallel_loop3A_65] {strides = array<i32>} : memref<8192xf32, #tpu.memory_space<vmem>>, vector<16xf32>,
        %parallel_loop3A_67 = arith.constant 0.000000e+00 : f32
        %parallel_loop3A_68 = vector.broadcast %parallel_loop3A_67 : f32 to vector<16xf32>
        %parallel_loop3A_69 = arith.cmpf oge, %parallel_loop3A_66, %parallel_loop3A_68 : vector<16xf32>
        %parallel_loop3A_70 = arith.constant 0.000000e+00 : f32
        %parallel_loop3A_71 = vector.broadcast %parallel_loop3A_70 : f32 to vector<16xf32>
        %parallel_loop3A_72 = arith.maximumf %parallel_loop3A_66, %parallel_loop3A_71 : vector<16xf32>
        %parallel_loop3A_73 = arith.fptosi %parallel_loop3A_72 : vector<16xf32> to vector<16xi32>
        tpu.vector_store_idx %arg6[%broadcast_in_dim3A_51, %parallel_loop3A_73], %parallel_loop3A_60 masked %parallel_loop3A_69 : memref<32x128xf32, #tpu.memory_space<vmem>>[vector<16xi32>, vector<16xi32>], vector<16xf32>, vector<16xi1>
      } {sc.loop_unroll_factor = 8 : i64, sc.parallel_access}
      %scan3A_55 = arith.constant 0 : i32
      scf.yield %scan3A_55 : i32
    }
    %scan3A_20 = arith.constant 16 : i32
    "tpu.region"() ({
      %run_scoped3A = tpu.sem_alloc : memref<!tpu.dma_semaphore, #tpu.memory_space<semaphore_mem>>
      %dma_start3A_21 = arith.constant 0 : i32
      %dma_start3A_22 = tpu.memref_slice %arg3[%mul3A_2, %dma_start3A_21] : memref<1024x128xf32, #tpu.memory_space<hbm>> -> memref<32x128xf32, #tpu.memory_space<hbm>>
      %dma_start3A_23 = arith.constant 0 : i32
      %dma_start3A_24 = tpu.memref_slice %arg3[%mul3A_2, %dma_start3A_23] : memref<1024x128xf32, #tpu.memory_space<hbm>> -> memref<32x128xf32, #tpu.memory_space<hbm>>
      tpu.enqueue_dma source(%arg6 : memref<32x128xf32, #tpu.memory_space<vmem>>) target(%dma_start3A_24 : memref<32x128xf32, #tpu.memory_space<hbm>>) target_semaphore(%run_scoped3A : memref<!tpu.dma_semaphore, #tpu.memory_space<semaphore_mem>>)
      %dma_wait3A = arith.constant 0 : i32
      %dma_wait3A_25 = tpu.memref_slice %arg3[%mul3A_2, %dma_wait3A] : memref<1024x128xf32, #tpu.memory_space<hbm>> -> memref<32x128xf32, #tpu.memory_space<hbm>>
      %dma_wait3A_26 = arith.constant 0 : i32
      %dma_wait3A_27 = tpu.memref_slice %arg3[%mul3A_2, %dma_wait3A_26] : memref<1024x128xf32, #tpu.memory_space<hbm>> -> memref<32x128xf32, #tpu.memory_space<hbm>>
      tpu.wait_dma2 semaphore(%run_scoped3A : memref<!tpu.dma_semaphore, #tpu.memory_space<semaphore_mem>>) src(%arg6 : memref<32x128xf32, #tpu.memory_space<vmem>>) dst(%dma_wait3A_27 : memref<32x128xf32, #tpu.memory_space<hbm>>)
      tpu.yield
    }) : () -> ()
    return
  }
}

#map = affine_map<(d0, d1) -> (0, 0)>
module attributes {stable_mosaic.version = 14 : i64} {
  func.func @_sc_body(%arg0: i32, %arg1: i32, %arg2: memref<1024x8192xf32, #tpu.memory_space<hbm>>, %arg3: memref<1024x128xf32, #tpu.memory_space<hbm>>, %arg4: memref<8192xf32, #tpu.memory_space<vmem>>, %arg5: memref<8192xf32, #tpu.memory_space<vmem>>, %arg6: memref<32x128xf32, #tpu.memory_space<vmem>>, %arg7: memref<!tpu.dma_semaphore, #tpu.memory_space<semaphore_mem>>, %arg8: memref<!tpu.dma_semaphore, #tpu.memory_space<semaphore_mem>>) attributes {dimension_semantics = [#tpu.dimension_semantics<core_parallel>, #tpu.dimension_semantics<subcore_parallel>], iteration_bounds = array<i64: 2, 16>, scalar_prefetch = 0 : i64, scratch_operands = 5 : i64, tpu.core_type = #tpu.core_type<sc_vector_subcore>, window_params = [{transform_indices = #map}, {transform_indices = #map}]} {
    %mul3A = arith.constant 2 : i32
    %mul3A_0 = arith.muli %arg1, %mul3A : i32
    %add3A = arith.addi %mul3A_0, %arg0 : i32
    %mul3A_1 = arith.constant 32 : i32
    %mul3A_2 = arith.muli %add3A, %mul3A_1 : i32
    %scan3A = arith.constant 0 : i32
    %scan3A_3 = arith.constant 0 : i32
    %scan3A_4 = arith.constant 32 : i32
    %scan3A_5 = arith.addi %scan3A_3, %scan3A_4 : i32
    %scan3A_6 = arith.constant 1 : i32
    %scan3A_7 = scf.for %scan3A_21 = %scan3A_3 to %scan3A_5 step %scan3A_6 iter_args(%scan3A_22 = %scan3A) -> (i32)  : i32 {
      %scan3A_23 = arith.constant 0 : i32
      %scan3A_24 = arith.constant 0 : i32
      %scan3A_25 = arith.constant 8 : i32
      %scan3A_26 = arith.addi %scan3A_24, %scan3A_25 : i32
      %scan3A_27 = arith.constant 1 : i32
      %scan3A_28 = scf.for %scan3A_30 = %scan3A_24 to %scan3A_26 step %scan3A_27 iter_args(%scan3A_31 = %scan3A_23) -> (i32)  : i32 {
        %broadcast_in_dim3A = arith.constant 9.99999968E+37 : f32
        %broadcast_in_dim3A_32 = vector.broadcast %broadcast_in_dim3A : f32 to vector<16xf32>
        %mul3A_33 = arith.constant 16 : i32
        %mul3A_34 = arith.muli %scan3A_30, %mul3A_33 : i32
        %swap3A = arith.index_cast %scan3A_21 : i32 to index
        %swap3A_35 = arith.index_cast %mul3A_34 : i32 to index
        %swap3A_36 = tpu.vector_load %arg6[%swap3A, %swap3A_35] {strides = array<i32>} : memref<32x128xf32, #tpu.memory_space<vmem>>, vector<16xf32>,
        tpu.vector_store %arg6[%swap3A, %swap3A_35], %broadcast_in_dim3A_32 {strides = array<i32>} : memref<32x128xf32, #tpu.memory_space<vmem>>, vector<16xf32>,
        %scan3A_37 = arith.constant 0 : i32
        scf.yield %scan3A_37 : i32
      }
      %scan3A_29 = arith.constant 8 : i32
      scf.yield %scan3A_28 : i32
    }
    %scan3A_8 = arith.constant 32 : i32
    %dma_start3A = arith.constant 0 : i32
    %dma_start3A_9 = tpu.memref_slice %arg2[%mul3A_2, %dma_start3A] : memref<1024x8192xf32, #tpu.memory_space<hbm>> -> memref<1x8192xf32, #tpu.memory_space<hbm>>
    %dma_start3A_10 = tpu.memref_squeeze %dma_start3A_9 : memref<1x8192xf32, #tpu.memory_space<hbm>> -> memref<8192xf32, #tpu.memory_space<hbm>>
    %dma_start3A_11 = arith.constant 0 : i32
    %dma_start3A_12 = tpu.memref_slice %arg2[%mul3A_2, %dma_start3A_11] : memref<1024x8192xf32, #tpu.memory_space<hbm>> -> memref<1x8192xf32, #tpu.memory_space<hbm>>
    %dma_start3A_13 = tpu.memref_squeeze %dma_start3A_12 : memref<1x8192xf32, #tpu.memory_space<hbm>> -> memref<8192xf32, #tpu.memory_space<hbm>>
    tpu.enqueue_dma source(%dma_start3A_13 : memref<8192xf32, #tpu.memory_space<hbm>>) target(%arg4 : memref<8192xf32, #tpu.memory_space<vmem>>) target_semaphore(%arg7 : memref<!tpu.dma_semaphore, #tpu.memory_space<semaphore_mem>>)
    %scan3A_14 = arith.constant 0 : i32
    %scan3A_15 = arith.constant 0 : i32
    %scan3A_16 = arith.constant 16 : i32
    %scan3A_17 = arith.addi %scan3A_15, %scan3A_16 : i32
    %scan3A_18 = arith.constant 1 : i32
    %scan3A_19 = scf.for %scan3A_21 = %scan3A_15 to %scan3A_17 step %scan3A_18 iter_args(%scan3A_22 = %scan3A_14) -> (i32)  : i32 {
      %mul3A_23 = arith.constant 2 : i32
      %mul3A_24 = arith.muli %mul3A_23, %scan3A_21 : i32
      %add3A_25 = arith.constant 1 : i32
      %add3A_26 = arith.addi %mul3A_24, %add3A_25 : i32
      %add3A_27 = arith.addi %mul3A_2, %mul3A_24 : i32
      %dma_wait3A = arith.constant 0 : i32
      %dma_wait3A_28 = tpu.memref_slice %arg2[%add3A_27, %dma_wait3A] : memref<1024x8192xf32, #tpu.memory_space<hbm>> -> memref<1x8192xf32, #tpu.memory_space<hbm>>
      %dma_wait3A_29 = tpu.memref_squeeze %dma_wait3A_28 : memref<1x8192xf32, #tpu.memory_space<hbm>> -> memref<8192xf32, #tpu.memory_space<hbm>>
      %dma_wait3A_30 = arith.constant 0 : i32
      %dma_wait3A_31 = tpu.memref_slice %arg2[%add3A_27, %dma_wait3A_30] : memref<1024x8192xf32, #tpu.memory_space<hbm>> -> memref<1x8192xf32, #tpu.memory_space<hbm>>
      %dma_wait3A_32 = tpu.memref_squeeze %dma_wait3A_31 : memref<1x8192xf32, #tpu.memory_space<hbm>> -> memref<8192xf32, #tpu.memory_space<hbm>>
      tpu.wait_dma2 semaphore(%arg7 : memref<!tpu.dma_semaphore, #tpu.memory_space<semaphore_mem>>) src(%dma_wait3A_32 : memref<8192xf32, #tpu.memory_space<hbm>>) dst(%arg4 : memref<8192xf32, #tpu.memory_space<vmem>>)
      %add3A_33 = arith.addi %mul3A_2, %add3A_26 : i32
      %dma_start3A_34 = arith.constant 0 : i32
      %dma_start3A_35 = tpu.memref_slice %arg2[%add3A_33, %dma_start3A_34] : memref<1024x8192xf32, #tpu.memory_space<hbm>> -> memref<1x8192xf32, #tpu.memory_space<hbm>>
      %dma_start3A_36 = tpu.memref_squeeze %dma_start3A_35 : memref<1x8192xf32, #tpu.memory_space<hbm>> -> memref<8192xf32, #tpu.memory_space<hbm>>
      %dma_start3A_37 = arith.constant 0 : i32
      %dma_start3A_38 = tpu.memref_slice %arg2[%add3A_33, %dma_start3A_37] : memref<1024x8192xf32, #tpu.memory_space<hbm>> -> memref<1x8192xf32, #tpu.memory_space<hbm>>
      %dma_start3A_39 = tpu.memref_squeeze %dma_start3A_38 : memref<1x8192xf32, #tpu.memory_space<hbm>> -> memref<8192xf32, #tpu.memory_space<hbm>>
      tpu.enqueue_dma source(%dma_start3A_39 : memref<8192xf32, #tpu.memory_space<hbm>>) target(%arg5 : memref<8192xf32, #tpu.memory_space<vmem>>) target_semaphore(%arg8 : memref<!tpu.dma_semaphore, #tpu.memory_space<semaphore_mem>>)
      %broadcast_in_dim3A = vector.broadcast %mul3A_24 : i32 to vector<16xi32>
      %parallel_loop3A = arith.constant 0 : i32
      %parallel_loop3A_40 = arith.constant 256 : i32
      %parallel_loop3A_41 = arith.constant 1 : i32
      scf.for %parallel_loop3A_56 = %parallel_loop3A to %parallel_loop3A_40 step %parallel_loop3A_41  : i32 {
        %parallel_loop3A_57 = arith.constant 16 : i32
        %parallel_loop3A_58 = arith.muli %parallel_loop3A_56, %parallel_loop3A_57 : i32
        %parallel_loop3A_59 = arith.index_cast %parallel_loop3A_58 : i32 to index
        %parallel_loop3A_60 = tpu.vector_load %arg4[%parallel_loop3A_59] {strides = array<i32>} : memref<8192xf32, #tpu.memory_space<vmem>>, vector<16xf32>,
        %parallel_loop3A_61 = arith.constant 16 : i32
        %parallel_loop3A_62 = arith.muli %parallel_loop3A_56, %parallel_loop3A_61 : i32
        %parallel_loop3A_63 = arith.constant 4096 : i32
        %parallel_loop3A_64 = arith.addi %parallel_loop3A_63, %parallel_loop3A_62 : i32
        %parallel_loop3A_65 = arith.index_cast %parallel_loop3A_64 : i32 to index
        %parallel_loop3A_66 = tpu.vector_load %arg4[%parallel_loop3A_65] {strides = array<i32>} : memref<8192xf32, #tpu.memory_space<vmem>>, vector<16xf32>,
        %parallel_loop3A_67 = arith.constant 0.000000e+00 : f32
        %parallel_loop3A_68 = vector.broadcast %parallel_loop3A_67 : f32 to vector<16xf32>
        %parallel_loop3A_69 = arith.cmpf oge, %parallel_loop3A_66, %parallel_loop3A_68 : vector<16xf32>
        %parallel_loop3A_70 = arith.constant 0.000000e+00 : f32
        %parallel_loop3A_71 = vector.broadcast %parallel_loop3A_70 : f32 to vector<16xf32>
        %parallel_loop3A_72 = arith.maximumf %parallel_loop3A_66, %parallel_loop3A_71 : vector<16xf32>
        %parallel_loop3A_73 = arith.fptosi %parallel_loop3A_72 : vector<16xf32> to vector<16xi32>
        tpu.vector_store_idx %arg6[%broadcast_in_dim3A, %parallel_loop3A_73], %parallel_loop3A_60 masked %parallel_loop3A_69 : memref<32x128xf32, #tpu.memory_space<vmem>>[vector<16xi32>, vector<16xi32>], vector<16xf32>, vector<16xi1>
      } {sc.loop_unroll_factor = 8 : i64, sc.parallel_access}
      %add3A_42 = arith.addi %mul3A_2, %add3A_26 : i32
      %dma_wait3A_43 = arith.constant 0 : i32
      %dma_wait3A_44 = tpu.memref_slice %arg2[%add3A_42, %dma_wait3A_43] : memref<1024x8192xf32, #tpu.memory_space<hbm>> -> memref<1x8192xf32, #tpu.memory_space<hbm>>
      %dma_wait3A_45 = tpu.memref_squeeze %dma_wait3A_44 : memref<1x8192xf32, #tpu.memory_space<hbm>> -> memref<8192xf32, #tpu.memory_space<hbm>>
      %dma_wait3A_46 = arith.constant 0 : i32
      %dma_wait3A_47 = tpu.memref_slice %arg2[%add3A_42, %dma_wait3A_46] : memref<1024x8192xf32, #tpu.memory_space<hbm>> -> memref<1x8192xf32, #tpu.memory_space<hbm>>
      %dma_wait3A_48 = tpu.memref_squeeze %dma_wait3A_47 : memref<1x8192xf32, #tpu.memory_space<hbm>> -> memref<8192xf32, #tpu.memory_space<hbm>>
      tpu.wait_dma2 semaphore(%arg8 : memref<!tpu.dma_semaphore, #tpu.memory_space<semaphore_mem>>) src(%dma_wait3A_48 : memref<8192xf32, #tpu.memory_space<hbm>>) dst(%arg5 : memref<8192xf32, #tpu.memory_space<vmem>>)
      %lt3A = arith.constant 15 : i32
      %lt3A_49 = arith.cmpi slt, %scan3A_21, %lt3A : i32
      %convert_element_type3A = arith.extui %lt3A_49 : i1 to i32
      %cond3A = arith.constant 0 : i32
      %cond3A_50 = arith.cmpi ne, %convert_element_type3A, %cond3A : i32
      scf.if %cond3A_50 {
        %add3A_56 = arith.addi %mul3A_2, %mul3A_24 : i32
        %add3A_57 = arith.constant 2 : i32
        %add3A_58 = arith.addi %add3A_56, %add3A_57 : i32
        %dma_start3A_59 = arith.constant 0 : i32
        %dma_start3A_60 = tpu.memref_slice %arg2[%add3A_58, %dma_start3A_59] : memref<1024x8192xf32, #tpu.memory_space<hbm>> -> memref<1x8192xf32, #tpu.memory_space<hbm>>
        %dma_start3A_61 = tpu.memref_squeeze %dma_start3A_60 : memref<1x8192xf32, #tpu.memory_space<hbm>> -> memref<8192xf32, #tpu.memory_space<hbm>>
        %dma_start3A_62 = arith.constant 0 : i32
        %dma_start3A_63 = tpu.memref_slice %arg2[%add3A_58, %dma_start3A_62] : memref<1024x8192xf32, #tpu.memory_space<hbm>> -> memref<1x8192xf32, #tpu.memory_space<hbm>>
        %dma_start3A_64 = tpu.memref_squeeze %dma_start3A_63 : memref<1x8192xf32, #tpu.memory_space<hbm>> -> memref<8192xf32, #tpu.memory_space<hbm>>
        tpu.enqueue_dma source(%dma_start3A_64 : memref<8192xf32, #tpu.memory_space<hbm>>) target(%arg4 : memref<8192xf32, #tpu.memory_space<vmem>>) target_semaphore(%arg7 : memref<!tpu.dma_semaphore, #tpu.memory_space<semaphore_mem>>)
      } else {
      }
      %broadcast_in_dim3A_51 = vector.broadcast %add3A_26 : i32 to vector<16xi32>
      %parallel_loop3A_52 = arith.constant 0 : i32
      %parallel_loop3A_53 = arith.constant 256 : i32
      %parallel_loop3A_54 = arith.constant 1 : i32
      scf.for %parallel_loop3A_56 = %parallel_loop3A_52 to %parallel_loop3A_53 step %parallel_loop3A_54  : i32 {
        %parallel_loop3A_57 = arith.constant 16 : i32
        %parallel_loop3A_58 = arith.muli %parallel_loop3A_56, %parallel_loop3A_57 : i32
        %parallel_loop3A_59 = arith.index_cast %parallel_loop3A_58 : i32 to index
        %parallel_loop3A_60 = tpu.vector_load %arg5[%parallel_loop3A_59] {strides = array<i32>} : memref<8192xf32, #tpu.memory_space<vmem>>, vector<16xf32>,
        %parallel_loop3A_61 = arith.constant 16 : i32
        %parallel_loop3A_62 = arith.muli %parallel_loop3A_56, %parallel_loop3A_61 : i32
        %parallel_loop3A_63 = arith.constant 4096 : i32
        %parallel_loop3A_64 = arith.addi %parallel_loop3A_63, %parallel_loop3A_62 : i32
        %parallel_loop3A_65 = arith.index_cast %parallel_loop3A_64 : i32 to index
        %parallel_loop3A_66 = tpu.vector_load %arg5[%parallel_loop3A_65] {strides = array<i32>} : memref<8192xf32, #tpu.memory_space<vmem>>, vector<16xf32>,
        %parallel_loop3A_67 = arith.constant 0.000000e+00 : f32
        %parallel_loop3A_68 = vector.broadcast %parallel_loop3A_67 : f32 to vector<16xf32>
        %parallel_loop3A_69 = arith.cmpf oge, %parallel_loop3A_66, %parallel_loop3A_68 : vector<16xf32>
        %parallel_loop3A_70 = arith.constant 0.000000e+00 : f32
        %parallel_loop3A_71 = vector.broadcast %parallel_loop3A_70 : f32 to vector<16xf32>
        %parallel_loop3A_72 = arith.maximumf %parallel_loop3A_66, %parallel_loop3A_71 : vector<16xf32>
        %parallel_loop3A_73 = arith.fptosi %parallel_loop3A_72 : vector<16xf32> to vector<16xi32>
        tpu.vector_store_idx %arg6[%broadcast_in_dim3A_51, %parallel_loop3A_73], %parallel_loop3A_60 masked %parallel_loop3A_69 : memref<32x128xf32, #tpu.memory_space<vmem>>[vector<16xi32>, vector<16xi32>], vector<16xf32>, vector<16xi1>
      } {sc.loop_unroll_factor = 8 : i64, sc.parallel_access}
      %scan3A_55 = arith.constant 0 : i32
      scf.yield %scan3A_55 : i32
    }
    %scan3A_20 = arith.constant 16 : i32
    "tpu.region"() ({
      %run_scoped3A = tpu.sem_alloc : memref<!tpu.dma_semaphore, #tpu.memory_space<semaphore_mem>>
      %dma_start3A_21 = arith.constant 0 : i32
      %dma_start3A_22 = tpu.memref_slice %arg3[%mul3A_2, %dma_start3A_21] : memref<1024x128xf32, #tpu.memory_space<hbm>> -> memref<32x128xf32, #tpu.memory_space<hbm>>
      %dma_start3A_23 = arith.constant 0 : i32
      %dma_start3A_24 = tpu.memref_slice %arg3[%mul3A_2, %dma_start3A_23] : memref<1024x128xf32, #tpu.memory_space<hbm>> -> memref<32x128xf32, #tpu.memory_space<hbm>>
      tpu.enqueue_dma source(%arg6 : memref<32x128xf32, #tpu.memory_space<vmem>>) target(%dma_start3A_24 : memref<32x128xf32, #tpu.memory_space<hbm>>) target_semaphore(%run_scoped3A : memref<!tpu.dma_semaphore, #tpu.memory_space<semaphore_mem>>)
      %dma_wait3A = arith.constant 0 : i32
      %dma_wait3A_25 = tpu.memref_slice %arg3[%mul3A_2, %dma_wait3A] : memref<1024x128xf32, #tpu.memory_space<hbm>> -> memref<32x128xf32, #tpu.memory_space<hbm>>
      %dma_wait3A_26 = arith.constant 0 : i32
      %dma_wait3A_27 = tpu.memref_slice %arg3[%mul3A_2, %dma_wait3A_26] : memref<1024x128xf32, #tpu.memory_space<hbm>> -> memref<32x128xf32, #tpu.memory_space<hbm>>
      tpu.wait_dma2 semaphore(%run_scoped3A : memref<!tpu.dma_semaphore, #tpu.memory_space<semaphore_mem>>) src(%arg6 : memref<32x128xf32, #tpu.memory_space<vmem>>) dst(%dma_wait3A_27 : memref<32x128xf32, #tpu.memory_space<hbm>>)
      tpu.yield
    }) : () -> ()
    return
  }
}

#map = affine_map<(d0, d1) -> (0, 0)>
module attributes {stable_mosaic.version = 14 : i64} {
  func.func @_sc_body(%arg0: i32, %arg1: i32, %arg2: memref<1024x8192xf32, #tpu.memory_space<hbm>>, %arg3: memref<1024x128xf32, #tpu.memory_space<hbm>>, %arg4: memref<8192xf32, #tpu.memory_space<vmem>>, %arg5: memref<8192xf32, #tpu.memory_space<vmem>>, %arg6: memref<32x128xf32, #tpu.memory_space<vmem>>, %arg7: memref<!tpu.dma_semaphore, #tpu.memory_space<semaphore_mem>>, %arg8: memref<!tpu.dma_semaphore, #tpu.memory_space<semaphore_mem>>) attributes {dimension_semantics = [#tpu.dimension_semantics<core_parallel>, #tpu.dimension_semantics<subcore_parallel>], iteration_bounds = array<i64: 2, 16>, scalar_prefetch = 0 : i64, scratch_operands = 5 : i64, tpu.core_type = #tpu.core_type<sc_vector_subcore>, window_params = [{transform_indices = #map}, {transform_indices = #map}]} {
    %mul3A = arith.constant 2 : i32
    %mul3A_0 = arith.muli %arg1, %mul3A : i32
    %add3A = arith.addi %mul3A_0, %arg0 : i32
    %mul3A_1 = arith.constant 32 : i32
    %mul3A_2 = arith.muli %add3A, %mul3A_1 : i32
    %scan3A = arith.constant 0 : i32
    %scan3A_3 = arith.constant 0 : i32
    %scan3A_4 = arith.constant 32 : i32
    %scan3A_5 = arith.addi %scan3A_3, %scan3A_4 : i32
    %scan3A_6 = arith.constant 1 : i32
    %scan3A_7 = scf.for %scan3A_21 = %scan3A_3 to %scan3A_5 step %scan3A_6 iter_args(%scan3A_22 = %scan3A) -> (i32)  : i32 {
      %scan3A_23 = arith.constant 0 : i32
      %scan3A_24 = arith.constant 0 : i32
      %scan3A_25 = arith.constant 8 : i32
      %scan3A_26 = arith.addi %scan3A_24, %scan3A_25 : i32
      %scan3A_27 = arith.constant 1 : i32
      %scan3A_28 = scf.for %scan3A_30 = %scan3A_24 to %scan3A_26 step %scan3A_27 iter_args(%scan3A_31 = %scan3A_23) -> (i32)  : i32 {
        %broadcast_in_dim3A = arith.constant 9.99999968E+37 : f32
        %broadcast_in_dim3A_32 = vector.broadcast %broadcast_in_dim3A : f32 to vector<16xf32>
        %mul3A_33 = arith.constant 16 : i32
        %mul3A_34 = arith.muli %scan3A_30, %mul3A_33 : i32
        %swap3A = arith.index_cast %scan3A_21 : i32 to index
        %swap3A_35 = arith.index_cast %mul3A_34 : i32 to index
        %swap3A_36 = tpu.vector_load %arg6[%swap3A, %swap3A_35] {strides = array<i32>} : memref<32x128xf32, #tpu.memory_space<vmem>>, vector<16xf32>,
        tpu.vector_store %arg6[%swap3A, %swap3A_35], %broadcast_in_dim3A_32 {strides = array<i32>} : memref<32x128xf32, #tpu.memory_space<vmem>>, vector<16xf32>,
        %scan3A_37 = arith.constant 0 : i32
        scf.yield %scan3A_37 : i32
      }
      %scan3A_29 = arith.constant 8 : i32
      scf.yield %scan3A_28 : i32
    }
    %scan3A_8 = arith.constant 32 : i32
    %dma_start3A = arith.constant 0 : i32
    %dma_start3A_9 = tpu.memref_slice %arg2[%mul3A_2, %dma_start3A] : memref<1024x8192xf32, #tpu.memory_space<hbm>> -> memref<1x8192xf32, #tpu.memory_space<hbm>>
    %dma_start3A_10 = tpu.memref_squeeze %dma_start3A_9 : memref<1x8192xf32, #tpu.memory_space<hbm>> -> memref<8192xf32, #tpu.memory_space<hbm>>
    %dma_start3A_11 = arith.constant 0 : i32
    %dma_start3A_12 = tpu.memref_slice %arg2[%mul3A_2, %dma_start3A_11] : memref<1024x8192xf32, #tpu.memory_space<hbm>> -> memref<1x8192xf32, #tpu.memory_space<hbm>>
    %dma_start3A_13 = tpu.memref_squeeze %dma_start3A_12 : memref<1x8192xf32, #tpu.memory_space<hbm>> -> memref<8192xf32, #tpu.memory_space<hbm>>
    tpu.enqueue_dma source(%dma_start3A_13 : memref<8192xf32, #tpu.memory_space<hbm>>) target(%arg4 : memref<8192xf32, #tpu.memory_space<vmem>>) target_semaphore(%arg7 : memref<!tpu.dma_semaphore, #tpu.memory_space<semaphore_mem>>)
    %scan3A_14 = arith.constant 0 : i32
    %scan3A_15 = arith.constant 0 : i32
    %scan3A_16 = arith.constant 16 : i32
    %scan3A_17 = arith.addi %scan3A_15, %scan3A_16 : i32
    %scan3A_18 = arith.constant 1 : i32
    %scan3A_19 = scf.for %scan3A_21 = %scan3A_15 to %scan3A_17 step %scan3A_18 iter_args(%scan3A_22 = %scan3A_14) -> (i32)  : i32 {
      %mul3A_23 = arith.constant 2 : i32
      %mul3A_24 = arith.muli %mul3A_23, %scan3A_21 : i32
      %add3A_25 = arith.constant 1 : i32
      %add3A_26 = arith.addi %mul3A_24, %add3A_25 : i32
      %add3A_27 = arith.addi %mul3A_2, %mul3A_24 : i32
      %dma_wait3A = arith.constant 0 : i32
      %dma_wait3A_28 = tpu.memref_slice %arg2[%add3A_27, %dma_wait3A] : memref<1024x8192xf32, #tpu.memory_space<hbm>> -> memref<1x8192xf32, #tpu.memory_space<hbm>>
      %dma_wait3A_29 = tpu.memref_squeeze %dma_wait3A_28 : memref<1x8192xf32, #tpu.memory_space<hbm>> -> memref<8192xf32, #tpu.memory_space<hbm>>
      %dma_wait3A_30 = arith.constant 0 : i32
      %dma_wait3A_31 = tpu.memref_slice %arg2[%add3A_27, %dma_wait3A_30] : memref<1024x8192xf32, #tpu.memory_space<hbm>> -> memref<1x8192xf32, #tpu.memory_space<hbm>>
      %dma_wait3A_32 = tpu.memref_squeeze %dma_wait3A_31 : memref<1x8192xf32, #tpu.memory_space<hbm>> -> memref<8192xf32, #tpu.memory_space<hbm>>
      tpu.wait_dma2 semaphore(%arg7 : memref<!tpu.dma_semaphore, #tpu.memory_space<semaphore_mem>>) src(%dma_wait3A_32 : memref<8192xf32, #tpu.memory_space<hbm>>) dst(%arg4 : memref<8192xf32, #tpu.memory_space<vmem>>)
      %add3A_33 = arith.addi %mul3A_2, %add3A_26 : i32
      %dma_start3A_34 = arith.constant 0 : i32
      %dma_start3A_35 = tpu.memref_slice %arg2[%add3A_33, %dma_start3A_34] : memref<1024x8192xf32, #tpu.memory_space<hbm>> -> memref<1x8192xf32, #tpu.memory_space<hbm>>
      %dma_start3A_36 = tpu.memref_squeeze %dma_start3A_35 : memref<1x8192xf32, #tpu.memory_space<hbm>> -> memref<8192xf32, #tpu.memory_space<hbm>>
      %dma_start3A_37 = arith.constant 0 : i32
      %dma_start3A_38 = tpu.memref_slice %arg2[%add3A_33, %dma_start3A_37] : memref<1024x8192xf32, #tpu.memory_space<hbm>> -> memref<1x8192xf32, #tpu.memory_space<hbm>>
      %dma_start3A_39 = tpu.memref_squeeze %dma_start3A_38 : memref<1x8192xf32, #tpu.memory_space<hbm>> -> memref<8192xf32, #tpu.memory_space<hbm>>
      tpu.enqueue_dma source(%dma_start3A_39 : memref<8192xf32, #tpu.memory_space<hbm>>) target(%arg5 : memref<8192xf32, #tpu.memory_space<vmem>>) target_semaphore(%arg8 : memref<!tpu.dma_semaphore, #tpu.memory_space<semaphore_mem>>)
      %broadcast_in_dim3A = vector.broadcast %mul3A_24 : i32 to vector<16xi32>
      %parallel_loop3A = arith.constant 0 : i32
      %parallel_loop3A_40 = arith.constant 256 : i32
      %parallel_loop3A_41 = arith.constant 1 : i32
      scf.for %parallel_loop3A_56 = %parallel_loop3A to %parallel_loop3A_40 step %parallel_loop3A_41  : i32 {
        %parallel_loop3A_57 = arith.constant 16 : i32
        %parallel_loop3A_58 = arith.muli %parallel_loop3A_56, %parallel_loop3A_57 : i32
        %parallel_loop3A_59 = arith.index_cast %parallel_loop3A_58 : i32 to index
        %parallel_loop3A_60 = tpu.vector_load %arg4[%parallel_loop3A_59] {strides = array<i32>} : memref<8192xf32, #tpu.memory_space<vmem>>, vector<16xf32>,
        %parallel_loop3A_61 = arith.constant 16 : i32
        %parallel_loop3A_62 = arith.muli %parallel_loop3A_56, %parallel_loop3A_61 : i32
        %parallel_loop3A_63 = arith.constant 4096 : i32
        %parallel_loop3A_64 = arith.addi %parallel_loop3A_63, %parallel_loop3A_62 : i32
        %parallel_loop3A_65 = arith.index_cast %parallel_loop3A_64 : i32 to index
        %parallel_loop3A_66 = tpu.vector_load %arg4[%parallel_loop3A_65] {strides = array<i32>} : memref<8192xf32, #tpu.memory_space<vmem>>, vector<16xf32>,
        %parallel_loop3A_67 = arith.constant 0.000000e+00 : f32
        %parallel_loop3A_68 = vector.broadcast %parallel_loop3A_67 : f32 to vector<16xf32>
        %parallel_loop3A_69 = arith.cmpf oge, %parallel_loop3A_66, %parallel_loop3A_68 : vector<16xf32>
        %parallel_loop3A_70 = arith.constant 0.000000e+00 : f32
        %parallel_loop3A_71 = vector.broadcast %parallel_loop3A_70 : f32 to vector<16xf32>
        %parallel_loop3A_72 = arith.maximumf %parallel_loop3A_66, %parallel_loop3A_71 : vector<16xf32>
        %parallel_loop3A_73 = arith.fptosi %parallel_loop3A_72 : vector<16xf32> to vector<16xi32>
        tpu.vector_store_idx %arg6[%broadcast_in_dim3A, %parallel_loop3A_73], %parallel_loop3A_60 masked %parallel_loop3A_69 : memref<32x128xf32, #tpu.memory_space<vmem>>[vector<16xi32>, vector<16xi32>], vector<16xf32>, vector<16xi1>
      } {sc.loop_unroll_factor = 8 : i64, sc.parallel_access}
      %add3A_42 = arith.addi %mul3A_2, %add3A_26 : i32
      %dma_wait3A_43 = arith.constant 0 : i32
      %dma_wait3A_44 = tpu.memref_slice %arg2[%add3A_42, %dma_wait3A_43] : memref<1024x8192xf32, #tpu.memory_space<hbm>> -> memref<1x8192xf32, #tpu.memory_space<hbm>>
      %dma_wait3A_45 = tpu.memref_squeeze %dma_wait3A_44 : memref<1x8192xf32, #tpu.memory_space<hbm>> -> memref<8192xf32, #tpu.memory_space<hbm>>
      %dma_wait3A_46 = arith.constant 0 : i32
      %dma_wait3A_47 = tpu.memref_slice %arg2[%add3A_42, %dma_wait3A_46] : memref<1024x8192xf32, #tpu.memory_space<hbm>> -> memref<1x8192xf32, #tpu.memory_space<hbm>>
      %dma_wait3A_48 = tpu.memref_squeeze %dma_wait3A_47 : memref<1x8192xf32, #tpu.memory_space<hbm>> -> memref<8192xf32, #tpu.memory_space<hbm>>
      tpu.wait_dma2 semaphore(%arg8 : memref<!tpu.dma_semaphore, #tpu.memory_space<semaphore_mem>>) src(%dma_wait3A_48 : memref<8192xf32, #tpu.memory_space<hbm>>) dst(%arg5 : memref<8192xf32, #tpu.memory_space<vmem>>)
      %lt3A = arith.constant 15 : i32
      %lt3A_49 = arith.cmpi slt, %scan3A_21, %lt3A : i32
      %convert_element_type3A = arith.extui %lt3A_49 : i1 to i32
      %cond3A = arith.constant 0 : i32
      %cond3A_50 = arith.cmpi ne, %convert_element_type3A, %cond3A : i32
      scf.if %cond3A_50 {
        %add3A_56 = arith.addi %mul3A_2, %mul3A_24 : i32
        %add3A_57 = arith.constant 2 : i32
        %add3A_58 = arith.addi %add3A_56, %add3A_57 : i32
        %dma_start3A_59 = arith.constant 0 : i32
        %dma_start3A_60 = tpu.memref_slice %arg2[%add3A_58, %dma_start3A_59] : memref<1024x8192xf32, #tpu.memory_space<hbm>> -> memref<1x8192xf32, #tpu.memory_space<hbm>>
        %dma_start3A_61 = tpu.memref_squeeze %dma_start3A_60 : memref<1x8192xf32, #tpu.memory_space<hbm>> -> memref<8192xf32, #tpu.memory_space<hbm>>
        %dma_start3A_62 = arith.constant 0 : i32
        %dma_start3A_63 = tpu.memref_slice %arg2[%add3A_58, %dma_start3A_62] : memref<1024x8192xf32, #tpu.memory_space<hbm>> -> memref<1x8192xf32, #tpu.memory_space<hbm>>
        %dma_start3A_64 = tpu.memref_squeeze %dma_start3A_63 : memref<1x8192xf32, #tpu.memory_space<hbm>> -> memref<8192xf32, #tpu.memory_space<hbm>>
        tpu.enqueue_dma source(%dma_start3A_64 : memref<8192xf32, #tpu.memory_space<hbm>>) target(%arg4 : memref<8192xf32, #tpu.memory_space<vmem>>) target_semaphore(%arg7 : memref<!tpu.dma_semaphore, #tpu.memory_space<semaphore_mem>>)
      } else {
      }
      %broadcast_in_dim3A_51 = vector.broadcast %add3A_26 : i32 to vector<16xi32>
      %parallel_loop3A_52 = arith.constant 0 : i32
      %parallel_loop3A_53 = arith.constant 256 : i32
      %parallel_loop3A_54 = arith.constant 1 : i32
      scf.for %parallel_loop3A_56 = %parallel_loop3A_52 to %parallel_loop3A_53 step %parallel_loop3A_54  : i32 {
        %parallel_loop3A_57 = arith.constant 16 : i32
        %parallel_loop3A_58 = arith.muli %parallel_loop3A_56, %parallel_loop3A_57 : i32
        %parallel_loop3A_59 = arith.index_cast %parallel_loop3A_58 : i32 to index
        %parallel_loop3A_60 = tpu.vector_load %arg5[%parallel_loop3A_59] {strides = array<i32>} : memref<8192xf32, #tpu.memory_space<vmem>>, vector<16xf32>,
        %parallel_loop3A_61 = arith.constant 16 : i32
        %parallel_loop3A_62 = arith.muli %parallel_loop3A_56, %parallel_loop3A_61 : i32
        %parallel_loop3A_63 = arith.constant 4096 : i32
        %parallel_loop3A_64 = arith.addi %parallel_loop3A_63, %parallel_loop3A_62 : i32
        %parallel_loop3A_65 = arith.index_cast %parallel_loop3A_64 : i32 to index
        %parallel_loop3A_66 = tpu.vector_load %arg5[%parallel_loop3A_65] {strides = array<i32>} : memref<8192xf32, #tpu.memory_space<vmem>>, vector<16xf32>,
        %parallel_loop3A_67 = arith.constant 0.000000e+00 : f32
        %parallel_loop3A_68 = vector.broadcast %parallel_loop3A_67 : f32 to vector<16xf32>
        %parallel_loop3A_69 = arith.cmpf oge, %parallel_loop3A_66, %parallel_loop3A_68 : vector<16xf32>
        %parallel_loop3A_70 = arith.constant 0.000000e+00 : f32
        %parallel_loop3A_71 = vector.broadcast %parallel_loop3A_70 : f32 to vector<16xf32>
        %parallel_loop3A_72 = arith.maximumf %parallel_loop3A_66, %parallel_loop3A_71 : vector<16xf32>
        %parallel_loop3A_73 = arith.fptosi %parallel_loop3A_72 : vector<16xf32> to vector<16xi32>
        tpu.vector_store_idx %arg6[%broadcast_in_dim3A_51, %parallel_loop3A_73], %parallel_loop3A_60 masked %parallel_loop3A_69 : memref<32x128xf32, #tpu.memory_space<vmem>>[vector<16xi32>, vector<16xi32>], vector<16xf32>, vector<16xi1>
      } {sc.loop_unroll_factor = 8 : i64, sc.parallel_access}
      %scan3A_55 = arith.constant 0 : i32
      scf.yield %scan3A_55 : i32
    }
    %scan3A_20 = arith.constant 16 : i32
    "tpu.region"() ({
      %run_scoped3A = tpu.sem_alloc : memref<!tpu.dma_semaphore, #tpu.memory_space<semaphore_mem>>
      %dma_start3A_21 = arith.constant 0 : i32
      %dma_start3A_22 = tpu.memref_slice %arg3[%mul3A_2, %dma_start3A_21] : memref<1024x128xf32, #tpu.memory_space<hbm>> -> memref<32x128xf32, #tpu.memory_space<hbm>>
      %dma_start3A_23 = arith.constant 0 : i32
      %dma_start3A_24 = tpu.memref_slice %arg3[%mul3A_2, %dma_start3A_23] : memref<1024x128xf32, #tpu.memory_space<hbm>> -> memref<32x128xf32, #tpu.memory_space<hbm>>
      tpu.enqueue_dma source(%arg6 : memref<32x128xf32, #tpu.memory_space<vmem>>) target(%dma_start3A_24 : memref<32x128xf32, #tpu.memory_space<hbm>>) target_semaphore(%run_scoped3A : memref<!tpu.dma_semaphore, #tpu.memory_space<semaphore_mem>>)
      %dma_wait3A = arith.constant 0 : i32
      %dma_wait3A_25 = tpu.memref_slice %arg3[%mul3A_2, %dma_wait3A] : memref<1024x128xf32, #tpu.memory_space<hbm>> -> memref<32x128xf32, #tpu.memory_space<hbm>>
      %dma_wait3A_26 = arith.constant 0 : i32
      %dma_wait3A_27 = tpu.memref_slice %arg3[%mul3A_2, %dma_wait3A_26] : memref<1024x128xf32, #tpu.memory_space<hbm>> -> memref<32x128xf32, #tpu.memory_space<hbm>>
      tpu.wait_dma2 semaphore(%run_scoped3A : memref<!tpu.dma_semaphore, #tpu.memory_space<semaphore_mem>>) src(%arg6 : memref<32x128xf32, #tpu.memory_space<vmem>>) dst(%dma_wait3A_27 : memref<32x128xf32, #tpu.memory_space<hbm>>)
      tpu.yield
    }) : () -> ()
    return
  }
}

module attributes {stable_mosaic.version = 14 : i64} {
  func.func @_tc_a_kernel(%arg0: i32, %arg1: memref<256x64xf32, #tpu.memory_space<vmem>>, %arg2: memref<64x4096xf32, #tpu.memory_space<vmem>>, %arg3: memref<1x4096xi32, #tpu.memory_space<vmem>>, %arg4: memref<256x8192xf32, #tpu.memory_space<vmem>>) attributes {dimension_semantics = [#tpu.dimension_semantics<arbitrary>], iteration_bounds = array<i64: 4>, scalar_prefetch = 0 : i64, scratch_operands = 0 : i64, tpu.core_type = #tpu.core_type<tc>, window_params = [{transform_indices = @transform_0, window_bounds = array<i64: 256, 64>}, {pipeline_mode = #tpu.pipeline_mode<synchronous>, transform_indices = @transform_1, window_bounds = array<i64: 64, 4096>}, {pipeline_mode = #tpu.pipeline_mode<synchronous>, transform_indices = @transform_2, window_bounds = array<i64: 1, 4096>}, {transform_indices = @transform_3, window_bounds = array<i64: 256, 8192>}]} {
    %get3A = arith.constant 0 : index
    %get3A_0 = arith.constant 0 : index
    %get3A_1 = vector.load %arg1[%get3A, %get3A_0] : memref<256x64xf32, #tpu.memory_space<vmem>>, vector<256x64xf32>
    %get3A_2 = arith.constant 0 : index
    %get3A_3 = arith.constant 0 : index
    %get3A_4 = vector.load %arg2[%get3A_2, %get3A_3] : memref<64x4096xf32, #tpu.memory_space<vmem>>, vector<64x4096xf32>
    %dot_general3A = arith.constant dense<0.000000e+00> : vector<256x4096xf32>
    %dot_general3A_5 = tpu.matmul %get3A_1, %get3A_4, %dot_general3A {dimension_numbers = #tpu.dot_dimension_numbers<[1], [0], [0], [1], [0, 0, 1, 1], [], []>, transpose_lhs_hint = false} : vector<256x64xf32>, vector<64x4096xf32>, vector<256x4096xf32> -> vector<256x4096xf32>
    %mul3A = arith.mulf %get3A_1, %get3A_1 : vector<256x64xf32>
    %reduce_sum3A = arith.constant dense<0.000000e+00> : vector<256xf32>
    %reduce_sum3A_6 = vector.multi_reduction <add>, %mul3A, %reduce_sum3A [1] : vector<256x64xf32> to vector<256xf32>
    %broadcast_in_dim3A = vector.shape_cast %reduce_sum3A_6 : vector<256xf32> to vector<256x1xf32>
    %mul3A_7 = arith.mulf %get3A_4, %get3A_4 : vector<64x4096xf32>
    %reduce_sum3A_8 = arith.constant dense<0.000000e+00> : vector<4096xf32>
    %reduce_sum3A_9 = vector.multi_reduction <add>, %mul3A_7, %reduce_sum3A_8 [0] : vector<64x4096xf32> to vector<4096xf32>
    %broadcast_in_dim3A_10 = vector.shape_cast %reduce_sum3A_9 : vector<4096xf32> to vector<1x4096xf32>
    %add3A = vector.broadcast %broadcast_in_dim3A : vector<256x1xf32> to vector<256x4096xf32>
    %add3A_11 = vector.broadcast %broadcast_in_dim3A_10 : vector<1x4096xf32> to vector<256x4096xf32>
    %add3A_12 = arith.addf %add3A, %add3A_11 : vector<256x4096xf32>
    %mul3A_13 = arith.constant 2.000000e+00 : f32
    %mul3A_14 = vector.broadcast %mul3A_13 : f32 to vector<256x4096xf32>
    %mul3A_15 = arith.mulf %mul3A_14, %dot_general3A_5 : vector<256x4096xf32>
    %sub3A = arith.subf %add3A_12, %mul3A_15 : vector<256x4096xf32>
    %max3A = arith.constant 0.000000e+00 : f32
    %max3A_16 = vector.broadcast %max3A : f32 to vector<256x4096xf32>
    %max3A_17 = arith.maximumf %sub3A, %max3A_16 : vector<256x4096xf32>
    %mul3A_18 = arith.constant 256 : i32
    %mul3A_19 = arith.muli %arg0, %mul3A_18 : i32
    %add3A_20 = arith.constant 3072 : i32
    %add3A_21 = arith.addi %add3A_20, %mul3A_19 : i32
    %iota3A = tpu.iota {dimensions = array<i32: 0>} : vector<256x4096xi32>
    %add3A_22 = vector.broadcast %add3A_21 : i32 to vector<256x4096xi32>
    %add3A_23 = arith.addi %add3A_22, %iota3A : vector<256x4096xi32>
    %iota3A_24 = tpu.iota {dimensions = array<i32: 1>} : vector<256x4096xi32>
    %eq3A = arith.cmpi eq, %add3A_23, %iota3A_24 : vector<256x4096xi32>
    %jit3A = arith.constant 0x7F800000 : f32
    %broadcast_in_dim3A_25 = vector.broadcast %jit3A : f32 to vector<256x4096xf32>
    %select_n3A = arith.select %eq3A, %broadcast_in_dim3A_25, %max3A_17 : vector<256x4096xi1>, vector<256x4096xf32>
    %bitcast_convert_type3A = tpu.bitcast %select_n3A : vector<256x4096xf32> -> vector<256x4096xi32>
    %broadcast_in_dim3A_26 = arith.constant -1 : i32
    %broadcast_in_dim3A_27 = vector.broadcast %broadcast_in_dim3A_26 : i32 to vector<256x1xi32>
    %broadcast_in_dim3A_28 = arith.constant 2139095039 : i32
    %broadcast_in_dim3A_29 = vector.broadcast %broadcast_in_dim3A_28 : i32 to vector<256x1xi32>
    %scan3A = arith.constant 0 : i32
    %scan3A_30 = arith.constant 31 : i32
    %scan3A_31 = arith.addi %scan3A, %scan3A_30 : i32
    %scan3A_32 = arith.constant 1 : i32
    %scan3A_33:2 = scf.for %scan3A_104 = %scan3A to %scan3A_31 step %scan3A_32 iter_args(%scan3A_105 = %broadcast_in_dim3A_27, %scan3A_106 = %broadcast_in_dim3A_29) -> (vector<256x1xi32>, vector<256x1xi32>)  : i32 {
      %sub3A_107 = arith.subi %scan3A_106, %scan3A_105 : vector<256x1xi32>
      %shift_right_logical3A_108 = arith.constant 1 : i32
      %shift_right_logical3A_109 = vector.broadcast %shift_right_logical3A_108 : i32 to vector<256x1xi32>
      %shift_right_logical3A_110 = arith.shrui %sub3A_107, %shift_right_logical3A_109 : vector<256x1xi32>
      %add3A_111 = arith.addi %scan3A_105, %shift_right_logical3A_110 : vector<256x1xi32>
      %le3A_112 = vector.broadcast %add3A_111 : vector<256x1xi32> to vector<256x4096xi32>
      %le3A_113 = arith.cmpi sle, %bitcast_convert_type3A, %le3A_112 : vector<256x4096xi32>
      %convert_element_type3A = arith.extui %le3A_113 : vector<256x4096xi1> to vector<256x4096xi32>
      %reduce_sum3A_114 = arith.constant dense<0> : vector<256xi32>
      %reduce_sum3A_115 = vector.multi_reduction <add>, %convert_element_type3A, %reduce_sum3A_114 [1] : vector<256x4096xi32> to vector<256xi32>
      %broadcast_in_dim3A_116 = vector.shape_cast %reduce_sum3A_115 : vector<256xi32> to vector<256x1xi32>
      %ge3A = arith.constant 90 : i32
      %ge3A_117 = vector.broadcast %ge3A : i32 to vector<256x1xi32>
      %ge3A_118 = arith.cmpi sge, %broadcast_in_dim3A_116, %ge3A_117 : vector<256x1xi32>
      %add3A_119 = arith.constant 1 : i32
      %add3A_120 = vector.broadcast %add3A_119 : i32 to vector<256x1xi32>
      %add3A_121 = arith.addi %add3A_111, %add3A_120 : vector<256x1xi32>
      %select_n3A_122 = arith.select %ge3A_118, %scan3A_105, %add3A_121 : vector<256x1xi1>, vector<256x1xi32>
      %select_n3A_123 = arith.select %ge3A_118, %add3A_111, %scan3A_106 : vector<256x1xi1>, vector<256x1xi32>
      scf.yield %select_n3A_122, %select_n3A_123 : vector<256x1xi32>, vector<256x1xi32>
    }
    %le3A = vector.broadcast %scan3A_33#1 : vector<256x1xi32> to vector<256x4096xi32>
    %le3A_34 = arith.cmpi sle, %bitcast_convert_type3A, %le3A : vector<256x4096xi32>
    %jit3A_35 = arith.constant 1.000000e+00 : f32
    %jit3A_36 = arith.constant 0.000000e+00 : f32
    %broadcast_in_dim3A_37 = vector.broadcast %jit3A_35 : f32 to vector<256x4096xf32>
    %broadcast_in_dim3A_38 = vector.broadcast %jit3A_36 : f32 to vector<256x4096xf32>
    %select_n3A_39 = arith.select %le3A_34, %broadcast_in_dim3A_37, %broadcast_in_dim3A_38 : vector<256x4096xi1>, vector<256x4096xf32>
    %iota3A_40 = tpu.iota {dimensions = array<i32: 0>} : vector<128x128xi32>
    %iota3A_41 = tpu.iota {dimensions = array<i32: 1>} : vector<128x128xi32>
    %lt3A = arith.cmpi slt, %iota3A_40, %iota3A_41 : vector<128x128xi32>
    %jit3A_42 = arith.constant 1.000000e+00 : f32
    %jit3A_43 = arith.constant 0.000000e+00 : f32
    %broadcast_in_dim3A_44 = vector.broadcast %jit3A_42 : f32 to vector<128x128xf32>
    %broadcast_in_dim3A_45 = vector.broadcast %jit3A_43 : f32 to vector<128x128xf32>
    %select_n3A_46 = arith.select %lt3A, %broadcast_in_dim3A_44, %broadcast_in_dim3A_45 : vector<128x128xi1>, vector<128x128xf32>
    %reshape3A = vector.shape_cast %select_n3A_39 : vector<256x4096xf32> to vector<8192x128xf32>
    %dot_general3A_47 = arith.constant dense<0.000000e+00> : vector<8192x128xf32>
    %dot_general3A_48 = tpu.matmul %reshape3A, %select_n3A_46, %dot_general3A_47 {dimension_numbers = #tpu.dot_dimension_numbers<[1], [0], [0], [1], [0, 0, 1, 1], [], []>, transpose_lhs_hint = false} : vector<8192x128xf32>, vector<128x128xf32>, vector<8192x128xf32> -> vector<8192x128xf32>
    %reshape3A_49 = vector.shape_cast %dot_general3A_48 : vector<8192x128xf32> to vector<256x4096xf32>
    %iota3A_50 = tpu.iota {dimensions = array<i32: 0>} : vector<4096x32xi32>
    %shift_right_logical3A = arith.constant 7 : i32
    %shift_right_logical3A_51 = vector.broadcast %shift_right_logical3A : i32 to vector<4096x32xi32>
    %shift_right_logical3A_52 = arith.shrui %iota3A_50, %shift_right_logical3A_51 : vector<4096x32xi32>
    %iota3A_53 = tpu.iota {dimensions = array<i32: 1>} : vector<4096x32xi32>
    %eq3A_54 = arith.cmpi eq, %shift_right_logical3A_52, %iota3A_53 : vector<4096x32xi32>
    %jit3A_55 = arith.constant 1.000000e+00 : f32
    %jit3A_56 = arith.constant 0.000000e+00 : f32
    %broadcast_in_dim3A_57 = vector.broadcast %jit3A_55 : f32 to vector<4096x32xf32>
    %broadcast_in_dim3A_58 = vector.broadcast %jit3A_56 : f32 to vector<4096x32xf32>
    %select_n3A_59 = arith.select %eq3A_54, %broadcast_in_dim3A_57, %broadcast_in_dim3A_58 : vector<4096x32xi1>, vector<4096x32xf32>
    %dot_general3A_60 = arith.constant dense<0.000000e+00> : vector<256x32xf32>
    %dot_general3A_61 = tpu.matmul %select_n3A_39, %select_n3A_59, %dot_general3A_60 {dimension_numbers = #tpu.dot_dimension_numbers<[1], [0], [0], [1], [0, 0, 1, 1], [], []>, transpose_lhs_hint = false} : vector<256x4096xf32>, vector<4096x32xf32>, vector<256x32xf32> -> vector<256x32xf32>
    %iota3A_62 = tpu.iota {dimensions = array<i32: 0>} : vector<32x32xi32>
    %iota3A_63 = tpu.iota {dimensions = array<i32: 1>} : vector<32x32xi32>
    %lt3A_64 = arith.cmpi slt, %iota3A_62, %iota3A_63 : vector<32x32xi32>
    %jit3A_65 = arith.constant 1.000000e+00 : f32
    %jit3A_66 = arith.constant 0.000000e+00 : f32
    %broadcast_in_dim3A_67 = vector.broadcast %jit3A_65 : f32 to vector<32x32xf32>
    %broadcast_in_dim3A_68 = vector.broadcast %jit3A_66 : f32 to vector<32x32xf32>
    %select_n3A_69 = arith.select %lt3A_64, %broadcast_in_dim3A_67, %broadcast_in_dim3A_68 : vector<32x32xi1>, vector<32x32xf32>
    %dot_general3A_70 = arith.constant dense<0.000000e+00> : vector<256x32xf32>
    %dot_general3A_71 = tpu.matmul %dot_general3A_61, %select_n3A_69, %dot_general3A_70 {dimension_numbers = #tpu.dot_dimension_numbers<[1], [0], [0], [1], [0, 0, 1, 1], [], []>, transpose_lhs_hint = false} : vector<256x32xf32>, vector<32x32xf32>, vector<256x32xf32> -> vector<256x32xf32>
    %iota3A_72 = tpu.iota {dimensions = array<i32: 0>} : vector<32x4096xi32>
    %iota3A_73 = tpu.iota {dimensions = array<i32: 1>} : vector<32x4096xi32>
    %shift_right_logical3A_74 = arith.constant 7 : i32
    %shift_right_logical3A_75 = vector.broadcast %shift_right_logical3A_74 : i32 to vector<32x4096xi32>
    %shift_right_logical3A_76 = arith.shrui %iota3A_73, %shift_right_logical3A_75 : vector<32x4096xi32>
    %eq3A_77 = arith.cmpi eq, %iota3A_72, %shift_right_logical3A_76 : vector<32x4096xi32>
    %jit3A_78 = arith.constant 1.000000e+00 : f32
    %jit3A_79 = arith.constant 0.000000e+00 : f32
    %broadcast_in_dim3A_80 = vector.broadcast %jit3A_78 : f32 to vector<32x4096xf32>
    %broadcast_in_dim3A_81 = vector.broadcast %jit3A_79 : f32 to vector<32x4096xf32>
    %select_n3A_82 = arith.select %eq3A_77, %broadcast_in_dim3A_80, %broadcast_in_dim3A_81 : vector<32x4096xi1>, vector<32x4096xf32>
    %dot_general3A_83 = arith.constant dense<0.000000e+00> : vector<256x4096xf32>
    %dot_general3A_84 = tpu.matmul %dot_general3A_71, %select_n3A_82, %dot_general3A_83 {dimension_numbers = #tpu.dot_dimension_numbers<[1], [0], [0], [1], [0, 0, 1, 1], [], []>, transpose_lhs_hint = false} : vector<256x32xf32>, vector<32x4096xf32>, vector<256x4096xf32> -> vector<256x4096xf32>
    %add3A_85 = arith.addf %dot_general3A_84, %reshape3A_49 : vector<256x4096xf32>
    %gt3A = arith.constant 0.000000e+00 : f32
    %gt3A_86 = vector.broadcast %gt3A : f32 to vector<256x4096xf32>
    %gt3A_87 = arith.cmpf ogt, %select_n3A_39, %gt3A_86 : vector<256x4096xf32>
    %lt3A_88 = arith.constant 1.280000e+02 : f32
    %lt3A_89 = vector.broadcast %lt3A_88 : f32 to vector<256x4096xf32>
    %lt3A_90 = arith.cmpf olt, %add3A_85, %lt3A_89 : vector<256x4096xf32>
    %and3A = arith.andi %gt3A_87, %lt3A_90 : vector<256x4096xi1>
    %jit3A_91 = arith.constant -1.000000e+00 : f32
    %broadcast_in_dim3A_92 = vector.broadcast %jit3A_91 : f32 to vector<256x4096xf32>
    %select_n3A_93 = arith.select %and3A, %add3A_85, %broadcast_in_dim3A_92 : vector<256x4096xi1>, vector<256x4096xf32>
    %get3A_94 = arith.constant 0 : index
    %get3A_95 = arith.constant 0 : index
    %get3A_96 = vector.load %arg3[%get3A_94, %get3A_95] : memref<1x4096xi32, #tpu.memory_space<vmem>>, vector<1x4096xi32>
    %and3A_97 = arith.constant -8 : i32
    %and3A_98 = vector.broadcast %and3A_97 : i32 to vector<256x4096xi32>
    %and3A_99 = arith.andi %bitcast_convert_type3A, %and3A_98 : vector<256x4096xi32>
    %or3A = vector.broadcast %get3A_96 : vector<1x4096xi32> to vector<256x4096xi32>
    %or3A_100 = arith.ori %and3A_99, %or3A : vector<256x4096xi32>
    %bitcast_convert_type3A_101 = tpu.bitcast %or3A_100 : vector<256x4096xi32> -> vector<256x4096xf32>
    %concatenate3A = tpu.concatenate %bitcast_convert_type3A_101, %select_n3A_93 in 1 : vector<256x4096xf32>, vector<256x4096xf32> -> vector<256x8192xf32>
    %swap3A = arith.constant 0 : index
    %swap3A_102 = arith.constant 0 : index
    %swap3A_103 = vector.load %arg4[%swap3A, %swap3A_102] : memref<256x8192xf32, #tpu.memory_space<vmem>>, vector<256x8192xf32>
    tpu.vector_store %arg4[%swap3A, %swap3A_102], %concatenate3A {strides = array<i32>} : memref<256x8192xf32, #tpu.memory_space<vmem>>, vector<256x8192xf32>,
    return
  }
  func.func @transform_0(%arg0: i32) -> (i32, i32) {
    %add3A = arith.constant 12 : i32
    %add3A_0 = arith.addi %arg0, %add3A : i32
    %c0_i32 = arith.constant 0 : i32
    %c0_i32_1 = arith.constant 0 : i32
    return %add3A_0, %c0_i32 : i32, i32
  }
  func.func @transform_1(%arg0: i32) -> (i32, i32) {
    %c0_i32 = arith.constant 0 : i32
    %c0_i32_0 = arith.constant 0 : i32
    %c0_i32_1 = arith.constant 0 : i32
    return %c0_i32, %c0_i32_0 : i32, i32
  }
  func.func @transform_2(%arg0: i32) -> (i32, i32) {
    %c0_i32 = arith.constant 0 : i32
    %c0_i32_0 = arith.constant 0 : i32
    %c0_i32_1 = arith.constant 0 : i32
    return %c0_i32, %c0_i32_0 : i32, i32
  }
  func.func @transform_3(%arg0: i32) -> (i32, i32) {
    %c0_i32 = arith.constant 0 : i32
    %c0_i32_0 = arith.constant 0 : i32
    return %arg0, %c0_i32 : i32, i32
  }
}

module attributes {stable_mosaic.version = 14 : i64} {
  func.func @_tc_a_kernel(%arg0: i32, %arg1: memref<256x64xf32, #tpu.memory_space<vmem>>, %arg2: memref<64x4096xf32, #tpu.memory_space<vmem>>, %arg3: memref<1x4096xi32, #tpu.memory_space<vmem>>, %arg4: memref<256x8192xf32, #tpu.memory_space<vmem>>) attributes {dimension_semantics = [#tpu.dimension_semantics<arbitrary>], iteration_bounds = array<i64: 4>, scalar_prefetch = 0 : i64, scratch_operands = 0 : i64, tpu.core_type = #tpu.core_type<tc>, window_params = [{transform_indices = @transform_0, window_bounds = array<i64: 256, 64>}, {pipeline_mode = #tpu.pipeline_mode<synchronous>, transform_indices = @transform_1, window_bounds = array<i64: 64, 4096>}, {pipeline_mode = #tpu.pipeline_mode<synchronous>, transform_indices = @transform_2, window_bounds = array<i64: 1, 4096>}, {transform_indices = @transform_3, window_bounds = array<i64: 256, 8192>}]} {
    %get3A = arith.constant 0 : index
    %get3A_0 = arith.constant 0 : index
    %get3A_1 = vector.load %arg1[%get3A, %get3A_0] : memref<256x64xf32, #tpu.memory_space<vmem>>, vector<256x64xf32>
    %get3A_2 = arith.constant 0 : index
    %get3A_3 = arith.constant 0 : index
    %get3A_4 = vector.load %arg2[%get3A_2, %get3A_3] : memref<64x4096xf32, #tpu.memory_space<vmem>>, vector<64x4096xf32>
    %dot_general3A = arith.constant dense<0.000000e+00> : vector<256x4096xf32>
    %dot_general3A_5 = tpu.matmul %get3A_1, %get3A_4, %dot_general3A {dimension_numbers = #tpu.dot_dimension_numbers<[1], [0], [0], [1], [0, 0, 1, 1], [], []>, transpose_lhs_hint = false} : vector<256x64xf32>, vector<64x4096xf32>, vector<256x4096xf32> -> vector<256x4096xf32>
    %mul3A = arith.mulf %get3A_1, %get3A_1 : vector<256x64xf32>
    %reduce_sum3A = arith.constant dense<0.000000e+00> : vector<256xf32>
    %reduce_sum3A_6 = vector.multi_reduction <add>, %mul3A, %reduce_sum3A [1] : vector<256x64xf32> to vector<256xf32>
    %broadcast_in_dim3A = vector.shape_cast %reduce_sum3A_6 : vector<256xf32> to vector<256x1xf32>
    %mul3A_7 = arith.mulf %get3A_4, %get3A_4 : vector<64x4096xf32>
    %reduce_sum3A_8 = arith.constant dense<0.000000e+00> : vector<4096xf32>
    %reduce_sum3A_9 = vector.multi_reduction <add>, %mul3A_7, %reduce_sum3A_8 [0] : vector<64x4096xf32> to vector<4096xf32>
    %broadcast_in_dim3A_10 = vector.shape_cast %reduce_sum3A_9 : vector<4096xf32> to vector<1x4096xf32>
    %add3A = vector.broadcast %broadcast_in_dim3A : vector<256x1xf32> to vector<256x4096xf32>
    %add3A_11 = vector.broadcast %broadcast_in_dim3A_10 : vector<1x4096xf32> to vector<256x4096xf32>
    %add3A_12 = arith.addf %add3A, %add3A_11 : vector<256x4096xf32>
    %mul3A_13 = arith.constant 2.000000e+00 : f32
    %mul3A_14 = vector.broadcast %mul3A_13 : f32 to vector<256x4096xf32>
    %mul3A_15 = arith.mulf %mul3A_14, %dot_general3A_5 : vector<256x4096xf32>
    %sub3A = arith.subf %add3A_12, %mul3A_15 : vector<256x4096xf32>
    %max3A = arith.constant 0.000000e+00 : f32
    %max3A_16 = vector.broadcast %max3A : f32 to vector<256x4096xf32>
    %max3A_17 = arith.maximumf %sub3A, %max3A_16 : vector<256x4096xf32>
    %mul3A_18 = arith.constant 256 : i32
    %mul3A_19 = arith.muli %arg0, %mul3A_18 : i32
    %add3A_20 = arith.constant 2048 : i32
    %add3A_21 = arith.addi %add3A_20, %mul3A_19 : i32
    %iota3A = tpu.iota {dimensions = array<i32: 0>} : vector<256x4096xi32>
    %add3A_22 = vector.broadcast %add3A_21 : i32 to vector<256x4096xi32>
    %add3A_23 = arith.addi %add3A_22, %iota3A : vector<256x4096xi32>
    %iota3A_24 = tpu.iota {dimensions = array<i32: 1>} : vector<256x4096xi32>
    %eq3A = arith.cmpi eq, %add3A_23, %iota3A_24 : vector<256x4096xi32>
    %jit3A = arith.constant 0x7F800000 : f32
    %broadcast_in_dim3A_25 = vector.broadcast %jit3A : f32 to vector<256x4096xf32>
    %select_n3A = arith.select %eq3A, %broadcast_in_dim3A_25, %max3A_17 : vector<256x4096xi1>, vector<256x4096xf32>
    %bitcast_convert_type3A = tpu.bitcast %select_n3A : vector<256x4096xf32> -> vector<256x4096xi32>
    %broadcast_in_dim3A_26 = arith.constant -1 : i32
    %broadcast_in_dim3A_27 = vector.broadcast %broadcast_in_dim3A_26 : i32 to vector<256x1xi32>
    %broadcast_in_dim3A_28 = arith.constant 2139095039 : i32
    %broadcast_in_dim3A_29 = vector.broadcast %broadcast_in_dim3A_28 : i32 to vector<256x1xi32>
    %scan3A = arith.constant 0 : i32
    %scan3A_30 = arith.constant 31 : i32
    %scan3A_31 = arith.addi %scan3A, %scan3A_30 : i32
    %scan3A_32 = arith.constant 1 : i32
    %scan3A_33:2 = scf.for %scan3A_104 = %scan3A to %scan3A_31 step %scan3A_32 iter_args(%scan3A_105 = %broadcast_in_dim3A_27, %scan3A_106 = %broadcast_in_dim3A_29) -> (vector<256x1xi32>, vector<256x1xi32>)  : i32 {
      %sub3A_107 = arith.subi %scan3A_106, %scan3A_105 : vector<256x1xi32>
      %shift_right_logical3A_108 = arith.constant 1 : i32
      %shift_right_logical3A_109 = vector.broadcast %shift_right_logical3A_108 : i32 to vector<256x1xi32>
      %shift_right_logical3A_110 = arith.shrui %sub3A_107, %shift_right_logical3A_109 : vector<256x1xi32>
      %add3A_111 = arith.addi %scan3A_105, %shift_right_logical3A_110 : vector<256x1xi32>
      %le3A_112 = vector.broadcast %add3A_111 : vector<256x1xi32> to vector<256x4096xi32>
      %le3A_113 = arith.cmpi sle, %bitcast_convert_type3A, %le3A_112 : vector<256x4096xi32>
      %convert_element_type3A = arith.extui %le3A_113 : vector<256x4096xi1> to vector<256x4096xi32>
      %reduce_sum3A_114 = arith.constant dense<0> : vector<256xi32>
      %reduce_sum3A_115 = vector.multi_reduction <add>, %convert_element_type3A, %reduce_sum3A_114 [1] : vector<256x4096xi32> to vector<256xi32>
      %broadcast_in_dim3A_116 = vector.shape_cast %reduce_sum3A_115 : vector<256xi32> to vector<256x1xi32>
      %ge3A = arith.constant 90 : i32
      %ge3A_117 = vector.broadcast %ge3A : i32 to vector<256x1xi32>
      %ge3A_118 = arith.cmpi sge, %broadcast_in_dim3A_116, %ge3A_117 : vector<256x1xi32>
      %add3A_119 = arith.constant 1 : i32
      %add3A_120 = vector.broadcast %add3A_119 : i32 to vector<256x1xi32>
      %add3A_121 = arith.addi %add3A_111, %add3A_120 : vector<256x1xi32>
      %select_n3A_122 = arith.select %ge3A_118, %scan3A_105, %add3A_121 : vector<256x1xi1>, vector<256x1xi32>
      %select_n3A_123 = arith.select %ge3A_118, %add3A_111, %scan3A_106 : vector<256x1xi1>, vector<256x1xi32>
      scf.yield %select_n3A_122, %select_n3A_123 : vector<256x1xi32>, vector<256x1xi32>
    }
    %le3A = vector.broadcast %scan3A_33#1 : vector<256x1xi32> to vector<256x4096xi32>
    %le3A_34 = arith.cmpi sle, %bitcast_convert_type3A, %le3A : vector<256x4096xi32>
    %jit3A_35 = arith.constant 1.000000e+00 : f32
    %jit3A_36 = arith.constant 0.000000e+00 : f32
    %broadcast_in_dim3A_37 = vector.broadcast %jit3A_35 : f32 to vector<256x4096xf32>
    %broadcast_in_dim3A_38 = vector.broadcast %jit3A_36 : f32 to vector<256x4096xf32>
    %select_n3A_39 = arith.select %le3A_34, %broadcast_in_dim3A_37, %broadcast_in_dim3A_38 : vector<256x4096xi1>, vector<256x4096xf32>
    %iota3A_40 = tpu.iota {dimensions = array<i32: 0>} : vector<128x128xi32>
    %iota3A_41 = tpu.iota {dimensions = array<i32: 1>} : vector<128x128xi32>
    %lt3A = arith.cmpi slt, %iota3A_40, %iota3A_41 : vector<128x128xi32>
    %jit3A_42 = arith.constant 1.000000e+00 : f32
    %jit3A_43 = arith.constant 0.000000e+00 : f32
    %broadcast_in_dim3A_44 = vector.broadcast %jit3A_42 : f32 to vector<128x128xf32>
    %broadcast_in_dim3A_45 = vector.broadcast %jit3A_43 : f32 to vector<128x128xf32>
    %select_n3A_46 = arith.select %lt3A, %broadcast_in_dim3A_44, %broadcast_in_dim3A_45 : vector<128x128xi1>, vector<128x128xf32>
    %reshape3A = vector.shape_cast %select_n3A_39 : vector<256x4096xf32> to vector<8192x128xf32>
    %dot_general3A_47 = arith.constant dense<0.000000e+00> : vector<8192x128xf32>
    %dot_general3A_48 = tpu.matmul %reshape3A, %select_n3A_46, %dot_general3A_47 {dimension_numbers = #tpu.dot_dimension_numbers<[1], [0], [0], [1], [0, 0, 1, 1], [], []>, transpose_lhs_hint = false} : vector<8192x128xf32>, vector<128x128xf32>, vector<8192x128xf32> -> vector<8192x128xf32>
    %reshape3A_49 = vector.shape_cast %dot_general3A_48 : vector<8192x128xf32> to vector<256x4096xf32>
    %iota3A_50 = tpu.iota {dimensions = array<i32: 0>} : vector<4096x32xi32>
    %shift_right_logical3A = arith.constant 7 : i32
    %shift_right_logical3A_51 = vector.broadcast %shift_right_logical3A : i32 to vector<4096x32xi32>
    %shift_right_logical3A_52 = arith.shrui %iota3A_50, %shift_right_logical3A_51 : vector<4096x32xi32>
    %iota3A_53 = tpu.iota {dimensions = array<i32: 1>} : vector<4096x32xi32>
    %eq3A_54 = arith.cmpi eq, %shift_right_logical3A_52, %iota3A_53 : vector<4096x32xi32>
    %jit3A_55 = arith.constant 1.000000e+00 : f32
    %jit3A_56 = arith.constant 0.000000e+00 : f32
    %broadcast_in_dim3A_57 = vector.broadcast %jit3A_55 : f32 to vector<4096x32xf32>
    %broadcast_in_dim3A_58 = vector.broadcast %jit3A_56 : f32 to vector<4096x32xf32>
    %select_n3A_59 = arith.select %eq3A_54, %broadcast_in_dim3A_57, %broadcast_in_dim3A_58 : vector<4096x32xi1>, vector<4096x32xf32>
    %dot_general3A_60 = arith.constant dense<0.000000e+00> : vector<256x32xf32>
    %dot_general3A_61 = tpu.matmul %select_n3A_39, %select_n3A_59, %dot_general3A_60 {dimension_numbers = #tpu.dot_dimension_numbers<[1], [0], [0], [1], [0, 0, 1, 1], [], []>, transpose_lhs_hint = false} : vector<256x4096xf32>, vector<4096x32xf32>, vector<256x32xf32> -> vector<256x32xf32>
    %iota3A_62 = tpu.iota {dimensions = array<i32: 0>} : vector<32x32xi32>
    %iota3A_63 = tpu.iota {dimensions = array<i32: 1>} : vector<32x32xi32>
    %lt3A_64 = arith.cmpi slt, %iota3A_62, %iota3A_63 : vector<32x32xi32>
    %jit3A_65 = arith.constant 1.000000e+00 : f32
    %jit3A_66 = arith.constant 0.000000e+00 : f32
    %broadcast_in_dim3A_67 = vector.broadcast %jit3A_65 : f32 to vector<32x32xf32>
    %broadcast_in_dim3A_68 = vector.broadcast %jit3A_66 : f32 to vector<32x32xf32>
    %select_n3A_69 = arith.select %lt3A_64, %broadcast_in_dim3A_67, %broadcast_in_dim3A_68 : vector<32x32xi1>, vector<32x32xf32>
    %dot_general3A_70 = arith.constant dense<0.000000e+00> : vector<256x32xf32>
    %dot_general3A_71 = tpu.matmul %dot_general3A_61, %select_n3A_69, %dot_general3A_70 {dimension_numbers = #tpu.dot_dimension_numbers<[1], [0], [0], [1], [0, 0, 1, 1], [], []>, transpose_lhs_hint = false} : vector<256x32xf32>, vector<32x32xf32>, vector<256x32xf32> -> vector<256x32xf32>
    %iota3A_72 = tpu.iota {dimensions = array<i32: 0>} : vector<32x4096xi32>
    %iota3A_73 = tpu.iota {dimensions = array<i32: 1>} : vector<32x4096xi32>
    %shift_right_logical3A_74 = arith.constant 7 : i32
    %shift_right_logical3A_75 = vector.broadcast %shift_right_logical3A_74 : i32 to vector<32x4096xi32>
    %shift_right_logical3A_76 = arith.shrui %iota3A_73, %shift_right_logical3A_75 : vector<32x4096xi32>
    %eq3A_77 = arith.cmpi eq, %iota3A_72, %shift_right_logical3A_76 : vector<32x4096xi32>
    %jit3A_78 = arith.constant 1.000000e+00 : f32
    %jit3A_79 = arith.constant 0.000000e+00 : f32
    %broadcast_in_dim3A_80 = vector.broadcast %jit3A_78 : f32 to vector<32x4096xf32>
    %broadcast_in_dim3A_81 = vector.broadcast %jit3A_79 : f32 to vector<32x4096xf32>
    %select_n3A_82 = arith.select %eq3A_77, %broadcast_in_dim3A_80, %broadcast_in_dim3A_81 : vector<32x4096xi1>, vector<32x4096xf32>
    %dot_general3A_83 = arith.constant dense<0.000000e+00> : vector<256x4096xf32>
    %dot_general3A_84 = tpu.matmul %dot_general3A_71, %select_n3A_82, %dot_general3A_83 {dimension_numbers = #tpu.dot_dimension_numbers<[1], [0], [0], [1], [0, 0, 1, 1], [], []>, transpose_lhs_hint = false} : vector<256x32xf32>, vector<32x4096xf32>, vector<256x4096xf32> -> vector<256x4096xf32>
    %add3A_85 = arith.addf %dot_general3A_84, %reshape3A_49 : vector<256x4096xf32>
    %gt3A = arith.constant 0.000000e+00 : f32
    %gt3A_86 = vector.broadcast %gt3A : f32 to vector<256x4096xf32>
    %gt3A_87 = arith.cmpf ogt, %select_n3A_39, %gt3A_86 : vector<256x4096xf32>
    %lt3A_88 = arith.constant 1.280000e+02 : f32
    %lt3A_89 = vector.broadcast %lt3A_88 : f32 to vector<256x4096xf32>
    %lt3A_90 = arith.cmpf olt, %add3A_85, %lt3A_89 : vector<256x4096xf32>
    %and3A = arith.andi %gt3A_87, %lt3A_90 : vector<256x4096xi1>
    %jit3A_91 = arith.constant -1.000000e+00 : f32
    %broadcast_in_dim3A_92 = vector.broadcast %jit3A_91 : f32 to vector<256x4096xf32>
    %select_n3A_93 = arith.select %and3A, %add3A_85, %broadcast_in_dim3A_92 : vector<256x4096xi1>, vector<256x4096xf32>
    %get3A_94 = arith.constant 0 : index
    %get3A_95 = arith.constant 0 : index
    %get3A_96 = vector.load %arg3[%get3A_94, %get3A_95] : memref<1x4096xi32, #tpu.memory_space<vmem>>, vector<1x4096xi32>
    %and3A_97 = arith.constant -8 : i32
    %and3A_98 = vector.broadcast %and3A_97 : i32 to vector<256x4096xi32>
    %and3A_99 = arith.andi %bitcast_convert_type3A, %and3A_98 : vector<256x4096xi32>
    %or3A = vector.broadcast %get3A_96 : vector<1x4096xi32> to vector<256x4096xi32>
    %or3A_100 = arith.ori %and3A_99, %or3A : vector<256x4096xi32>
    %bitcast_convert_type3A_101 = tpu.bitcast %or3A_100 : vector<256x4096xi32> -> vector<256x4096xf32>
    %concatenate3A = tpu.concatenate %bitcast_convert_type3A_101, %select_n3A_93 in 1 : vector<256x4096xf32>, vector<256x4096xf32> -> vector<256x8192xf32>
    %swap3A = arith.constant 0 : index
    %swap3A_102 = arith.constant 0 : index
    %swap3A_103 = vector.load %arg4[%swap3A, %swap3A_102] : memref<256x8192xf32, #tpu.memory_space<vmem>>, vector<256x8192xf32>
    tpu.vector_store %arg4[%swap3A, %swap3A_102], %concatenate3A {strides = array<i32>} : memref<256x8192xf32, #tpu.memory_space<vmem>>, vector<256x8192xf32>,
    return
  }
  func.func @transform_0(%arg0: i32) -> (i32, i32) {
    %add3A = arith.constant 8 : i32
    %add3A_0 = arith.addi %arg0, %add3A : i32
    %c0_i32 = arith.constant 0 : i32
    %c0_i32_1 = arith.constant 0 : i32
    return %add3A_0, %c0_i32 : i32, i32
  }
  func.func @transform_1(%arg0: i32) -> (i32, i32) {
    %c0_i32 = arith.constant 0 : i32
    %c0_i32_0 = arith.constant 0 : i32
    %c0_i32_1 = arith.constant 0 : i32
    return %c0_i32, %c0_i32_0 : i32, i32
  }
  func.func @transform_2(%arg0: i32) -> (i32, i32) {
    %c0_i32 = arith.constant 0 : i32
    %c0_i32_0 = arith.constant 0 : i32
    %c0_i32_1 = arith.constant 0 : i32
    return %c0_i32, %c0_i32_0 : i32, i32
  }
  func.func @transform_3(%arg0: i32) -> (i32, i32) {
    %c0_i32 = arith.constant 0 : i32
    %c0_i32_0 = arith.constant 0 : i32
    return %arg0, %c0_i32 : i32, i32
  }
}

module attributes {stable_mosaic.version = 14 : i64} {
  func.func @_tc_a_kernel(%arg0: i32, %arg1: memref<256x64xf32, #tpu.memory_space<vmem>>, %arg2: memref<64x4096xf32, #tpu.memory_space<vmem>>, %arg3: memref<1x4096xi32, #tpu.memory_space<vmem>>, %arg4: memref<256x8192xf32, #tpu.memory_space<vmem>>) attributes {dimension_semantics = [#tpu.dimension_semantics<arbitrary>], iteration_bounds = array<i64: 4>, scalar_prefetch = 0 : i64, scratch_operands = 0 : i64, tpu.core_type = #tpu.core_type<tc>, window_params = [{transform_indices = @transform_0, window_bounds = array<i64: 256, 64>}, {pipeline_mode = #tpu.pipeline_mode<synchronous>, transform_indices = @transform_1, window_bounds = array<i64: 64, 4096>}, {pipeline_mode = #tpu.pipeline_mode<synchronous>, transform_indices = @transform_2, window_bounds = array<i64: 1, 4096>}, {transform_indices = @transform_3, window_bounds = array<i64: 256, 8192>}]} {
    %get3A = arith.constant 0 : index
    %get3A_0 = arith.constant 0 : index
    %get3A_1 = vector.load %arg1[%get3A, %get3A_0] : memref<256x64xf32, #tpu.memory_space<vmem>>, vector<256x64xf32>
    %get3A_2 = arith.constant 0 : index
    %get3A_3 = arith.constant 0 : index
    %get3A_4 = vector.load %arg2[%get3A_2, %get3A_3] : memref<64x4096xf32, #tpu.memory_space<vmem>>, vector<64x4096xf32>
    %dot_general3A = arith.constant dense<0.000000e+00> : vector<256x4096xf32>
    %dot_general3A_5 = tpu.matmul %get3A_1, %get3A_4, %dot_general3A {dimension_numbers = #tpu.dot_dimension_numbers<[1], [0], [0], [1], [0, 0, 1, 1], [], []>, transpose_lhs_hint = false} : vector<256x64xf32>, vector<64x4096xf32>, vector<256x4096xf32> -> vector<256x4096xf32>
    %mul3A = arith.mulf %get3A_1, %get3A_1 : vector<256x64xf32>
    %reduce_sum3A = arith.constant dense<0.000000e+00> : vector<256xf32>
    %reduce_sum3A_6 = vector.multi_reduction <add>, %mul3A, %reduce_sum3A [1] : vector<256x64xf32> to vector<256xf32>
    %broadcast_in_dim3A = vector.shape_cast %reduce_sum3A_6 : vector<256xf32> to vector<256x1xf32>
    %mul3A_7 = arith.mulf %get3A_4, %get3A_4 : vector<64x4096xf32>
    %reduce_sum3A_8 = arith.constant dense<0.000000e+00> : vector<4096xf32>
    %reduce_sum3A_9 = vector.multi_reduction <add>, %mul3A_7, %reduce_sum3A_8 [0] : vector<64x4096xf32> to vector<4096xf32>
    %broadcast_in_dim3A_10 = vector.shape_cast %reduce_sum3A_9 : vector<4096xf32> to vector<1x4096xf32>
    %add3A = vector.broadcast %broadcast_in_dim3A : vector<256x1xf32> to vector<256x4096xf32>
    %add3A_11 = vector.broadcast %broadcast_in_dim3A_10 : vector<1x4096xf32> to vector<256x4096xf32>
    %add3A_12 = arith.addf %add3A, %add3A_11 : vector<256x4096xf32>
    %mul3A_13 = arith.constant 2.000000e+00 : f32
    %mul3A_14 = vector.broadcast %mul3A_13 : f32 to vector<256x4096xf32>
    %mul3A_15 = arith.mulf %mul3A_14, %dot_general3A_5 : vector<256x4096xf32>
    %sub3A = arith.subf %add3A_12, %mul3A_15 : vector<256x4096xf32>
    %max3A = arith.constant 0.000000e+00 : f32
    %max3A_16 = vector.broadcast %max3A : f32 to vector<256x4096xf32>
    %max3A_17 = arith.maximumf %sub3A, %max3A_16 : vector<256x4096xf32>
    %mul3A_18 = arith.constant 256 : i32
    %mul3A_19 = arith.muli %arg0, %mul3A_18 : i32
    %add3A_20 = arith.constant 1024 : i32
    %add3A_21 = arith.addi %add3A_20, %mul3A_19 : i32
    %iota3A = tpu.iota {dimensions = array<i32: 0>} : vector<256x4096xi32>
    %add3A_22 = vector.broadcast %add3A_21 : i32 to vector<256x4096xi32>
    %add3A_23 = arith.addi %add3A_22, %iota3A : vector<256x4096xi32>
    %iota3A_24 = tpu.iota {dimensions = array<i32: 1>} : vector<256x4096xi32>
    %eq3A = arith.cmpi eq, %add3A_23, %iota3A_24 : vector<256x4096xi32>
    %jit3A = arith.constant 0x7F800000 : f32
    %broadcast_in_dim3A_25 = vector.broadcast %jit3A : f32 to vector<256x4096xf32>
    %select_n3A = arith.select %eq3A, %broadcast_in_dim3A_25, %max3A_17 : vector<256x4096xi1>, vector<256x4096xf32>
    %bitcast_convert_type3A = tpu.bitcast %select_n3A : vector<256x4096xf32> -> vector<256x4096xi32>
    %broadcast_in_dim3A_26 = arith.constant -1 : i32
    %broadcast_in_dim3A_27 = vector.broadcast %broadcast_in_dim3A_26 : i32 to vector<256x1xi32>
    %broadcast_in_dim3A_28 = arith.constant 2139095039 : i32
    %broadcast_in_dim3A_29 = vector.broadcast %broadcast_in_dim3A_28 : i32 to vector<256x1xi32>
    %scan3A = arith.constant 0 : i32
    %scan3A_30 = arith.constant 31 : i32
    %scan3A_31 = arith.addi %scan3A, %scan3A_30 : i32
    %scan3A_32 = arith.constant 1 : i32
    %scan3A_33:2 = scf.for %scan3A_104 = %scan3A to %scan3A_31 step %scan3A_32 iter_args(%scan3A_105 = %broadcast_in_dim3A_27, %scan3A_106 = %broadcast_in_dim3A_29) -> (vector<256x1xi32>, vector<256x1xi32>)  : i32 {
      %sub3A_107 = arith.subi %scan3A_106, %scan3A_105 : vector<256x1xi32>
      %shift_right_logical3A_108 = arith.constant 1 : i32
      %shift_right_logical3A_109 = vector.broadcast %shift_right_logical3A_108 : i32 to vector<256x1xi32>
      %shift_right_logical3A_110 = arith.shrui %sub3A_107, %shift_right_logical3A_109 : vector<256x1xi32>
      %add3A_111 = arith.addi %scan3A_105, %shift_right_logical3A_110 : vector<256x1xi32>
      %le3A_112 = vector.broadcast %add3A_111 : vector<256x1xi32> to vector<256x4096xi32>
      %le3A_113 = arith.cmpi sle, %bitcast_convert_type3A, %le3A_112 : vector<256x4096xi32>
      %convert_element_type3A = arith.extui %le3A_113 : vector<256x4096xi1> to vector<256x4096xi32>
      %reduce_sum3A_114 = arith.constant dense<0> : vector<256xi32>
      %reduce_sum3A_115 = vector.multi_reduction <add>, %convert_element_type3A, %reduce_sum3A_114 [1] : vector<256x4096xi32> to vector<256xi32>
      %broadcast_in_dim3A_116 = vector.shape_cast %reduce_sum3A_115 : vector<256xi32> to vector<256x1xi32>
      %ge3A = arith.constant 90 : i32
      %ge3A_117 = vector.broadcast %ge3A : i32 to vector<256x1xi32>
      %ge3A_118 = arith.cmpi sge, %broadcast_in_dim3A_116, %ge3A_117 : vector<256x1xi32>
      %add3A_119 = arith.constant 1 : i32
      %add3A_120 = vector.broadcast %add3A_119 : i32 to vector<256x1xi32>
      %add3A_121 = arith.addi %add3A_111, %add3A_120 : vector<256x1xi32>
      %select_n3A_122 = arith.select %ge3A_118, %scan3A_105, %add3A_121 : vector<256x1xi1>, vector<256x1xi32>
      %select_n3A_123 = arith.select %ge3A_118, %add3A_111, %scan3A_106 : vector<256x1xi1>, vector<256x1xi32>
      scf.yield %select_n3A_122, %select_n3A_123 : vector<256x1xi32>, vector<256x1xi32>
    }
    %le3A = vector.broadcast %scan3A_33#1 : vector<256x1xi32> to vector<256x4096xi32>
    %le3A_34 = arith.cmpi sle, %bitcast_convert_type3A, %le3A : vector<256x4096xi32>
    %jit3A_35 = arith.constant 1.000000e+00 : f32
    %jit3A_36 = arith.constant 0.000000e+00 : f32
    %broadcast_in_dim3A_37 = vector.broadcast %jit3A_35 : f32 to vector<256x4096xf32>
    %broadcast_in_dim3A_38 = vector.broadcast %jit3A_36 : f32 to vector<256x4096xf32>
    %select_n3A_39 = arith.select %le3A_34, %broadcast_in_dim3A_37, %broadcast_in_dim3A_38 : vector<256x4096xi1>, vector<256x4096xf32>
    %iota3A_40 = tpu.iota {dimensions = array<i32: 0>} : vector<128x128xi32>
    %iota3A_41 = tpu.iota {dimensions = array<i32: 1>} : vector<128x128xi32>
    %lt3A = arith.cmpi slt, %iota3A_40, %iota3A_41 : vector<128x128xi32>
    %jit3A_42 = arith.constant 1.000000e+00 : f32
    %jit3A_43 = arith.constant 0.000000e+00 : f32
    %broadcast_in_dim3A_44 = vector.broadcast %jit3A_42 : f32 to vector<128x128xf32>
    %broadcast_in_dim3A_45 = vector.broadcast %jit3A_43 : f32 to vector<128x128xf32>
    %select_n3A_46 = arith.select %lt3A, %broadcast_in_dim3A_44, %broadcast_in_dim3A_45 : vector<128x128xi1>, vector<128x128xf32>
    %reshape3A = vector.shape_cast %select_n3A_39 : vector<256x4096xf32> to vector<8192x128xf32>
    %dot_general3A_47 = arith.constant dense<0.000000e+00> : vector<8192x128xf32>
    %dot_general3A_48 = tpu.matmul %reshape3A, %select_n3A_46, %dot_general3A_47 {dimension_numbers = #tpu.dot_dimension_numbers<[1], [0], [0], [1], [0, 0, 1, 1], [], []>, transpose_lhs_hint = false} : vector<8192x128xf32>, vector<128x128xf32>, vector<8192x128xf32> -> vector<8192x128xf32>
    %reshape3A_49 = vector.shape_cast %dot_general3A_48 : vector<8192x128xf32> to vector<256x4096xf32>
    %iota3A_50 = tpu.iota {dimensions = array<i32: 0>} : vector<4096x32xi32>
    %shift_right_logical3A = arith.constant 7 : i32
    %shift_right_logical3A_51 = vector.broadcast %shift_right_logical3A : i32 to vector<4096x32xi32>
    %shift_right_logical3A_52 = arith.shrui %iota3A_50, %shift_right_logical3A_51 : vector<4096x32xi32>
    %iota3A_53 = tpu.iota {dimensions = array<i32: 1>} : vector<4096x32xi32>
    %eq3A_54 = arith.cmpi eq, %shift_right_logical3A_52, %iota3A_53 : vector<4096x32xi32>
    %jit3A_55 = arith.constant 1.000000e+00 : f32
    %jit3A_56 = arith.constant 0.000000e+00 : f32
    %broadcast_in_dim3A_57 = vector.broadcast %jit3A_55 : f32 to vector<4096x32xf32>
    %broadcast_in_dim3A_58 = vector.broadcast %jit3A_56 : f32 to vector<4096x32xf32>
    %select_n3A_59 = arith.select %eq3A_54, %broadcast_in_dim3A_57, %broadcast_in_dim3A_58 : vector<4096x32xi1>, vector<4096x32xf32>
    %dot_general3A_60 = arith.constant dense<0.000000e+00> : vector<256x32xf32>
    %dot_general3A_61 = tpu.matmul %select_n3A_39, %select_n3A_59, %dot_general3A_60 {dimension_numbers = #tpu.dot_dimension_numbers<[1], [0], [0], [1], [0, 0, 1, 1], [], []>, transpose_lhs_hint = false} : vector<256x4096xf32>, vector<4096x32xf32>, vector<256x32xf32> -> vector<256x32xf32>
    %iota3A_62 = tpu.iota {dimensions = array<i32: 0>} : vector<32x32xi32>
    %iota3A_63 = tpu.iota {dimensions = array<i32: 1>} : vector<32x32xi32>
    %lt3A_64 = arith.cmpi slt, %iota3A_62, %iota3A_63 : vector<32x32xi32>
    %jit3A_65 = arith.constant 1.000000e+00 : f32
    %jit3A_66 = arith.constant 0.000000e+00 : f32
    %broadcast_in_dim3A_67 = vector.broadcast %jit3A_65 : f32 to vector<32x32xf32>
    %broadcast_in_dim3A_68 = vector.broadcast %jit3A_66 : f32 to vector<32x32xf32>
    %select_n3A_69 = arith.select %lt3A_64, %broadcast_in_dim3A_67, %broadcast_in_dim3A_68 : vector<32x32xi1>, vector<32x32xf32>
    %dot_general3A_70 = arith.constant dense<0.000000e+00> : vector<256x32xf32>
    %dot_general3A_71 = tpu.matmul %dot_general3A_61, %select_n3A_69, %dot_general3A_70 {dimension_numbers = #tpu.dot_dimension_numbers<[1], [0], [0], [1], [0, 0, 1, 1], [], []>, transpose_lhs_hint = false} : vector<256x32xf32>, vector<32x32xf32>, vector<256x32xf32> -> vector<256x32xf32>
    %iota3A_72 = tpu.iota {dimensions = array<i32: 0>} : vector<32x4096xi32>
    %iota3A_73 = tpu.iota {dimensions = array<i32: 1>} : vector<32x4096xi32>
    %shift_right_logical3A_74 = arith.constant 7 : i32
    %shift_right_logical3A_75 = vector.broadcast %shift_right_logical3A_74 : i32 to vector<32x4096xi32>
    %shift_right_logical3A_76 = arith.shrui %iota3A_73, %shift_right_logical3A_75 : vector<32x4096xi32>
    %eq3A_77 = arith.cmpi eq, %iota3A_72, %shift_right_logical3A_76 : vector<32x4096xi32>
    %jit3A_78 = arith.constant 1.000000e+00 : f32
    %jit3A_79 = arith.constant 0.000000e+00 : f32
    %broadcast_in_dim3A_80 = vector.broadcast %jit3A_78 : f32 to vector<32x4096xf32>
    %broadcast_in_dim3A_81 = vector.broadcast %jit3A_79 : f32 to vector<32x4096xf32>
    %select_n3A_82 = arith.select %eq3A_77, %broadcast_in_dim3A_80, %broadcast_in_dim3A_81 : vector<32x4096xi1>, vector<32x4096xf32>
    %dot_general3A_83 = arith.constant dense<0.000000e+00> : vector<256x4096xf32>
    %dot_general3A_84 = tpu.matmul %dot_general3A_71, %select_n3A_82, %dot_general3A_83 {dimension_numbers = #tpu.dot_dimension_numbers<[1], [0], [0], [1], [0, 0, 1, 1], [], []>, transpose_lhs_hint = false} : vector<256x32xf32>, vector<32x4096xf32>, vector<256x4096xf32> -> vector<256x4096xf32>
    %add3A_85 = arith.addf %dot_general3A_84, %reshape3A_49 : vector<256x4096xf32>
    %gt3A = arith.constant 0.000000e+00 : f32
    %gt3A_86 = vector.broadcast %gt3A : f32 to vector<256x4096xf32>
    %gt3A_87 = arith.cmpf ogt, %select_n3A_39, %gt3A_86 : vector<256x4096xf32>
    %lt3A_88 = arith.constant 1.280000e+02 : f32
    %lt3A_89 = vector.broadcast %lt3A_88 : f32 to vector<256x4096xf32>
    %lt3A_90 = arith.cmpf olt, %add3A_85, %lt3A_89 : vector<256x4096xf32>
    %and3A = arith.andi %gt3A_87, %lt3A_90 : vector<256x4096xi1>
    %jit3A_91 = arith.constant -1.000000e+00 : f32
    %broadcast_in_dim3A_92 = vector.broadcast %jit3A_91 : f32 to vector<256x4096xf32>
    %select_n3A_93 = arith.select %and3A, %add3A_85, %broadcast_in_dim3A_92 : vector<256x4096xi1>, vector<256x4096xf32>
    %get3A_94 = arith.constant 0 : index
    %get3A_95 = arith.constant 0 : index
    %get3A_96 = vector.load %arg3[%get3A_94, %get3A_95] : memref<1x4096xi32, #tpu.memory_space<vmem>>, vector<1x4096xi32>
    %and3A_97 = arith.constant -8 : i32
    %and3A_98 = vector.broadcast %and3A_97 : i32 to vector<256x4096xi32>
    %and3A_99 = arith.andi %bitcast_convert_type3A, %and3A_98 : vector<256x4096xi32>
    %or3A = vector.broadcast %get3A_96 : vector<1x4096xi32> to vector<256x4096xi32>
    %or3A_100 = arith.ori %and3A_99, %or3A : vector<256x4096xi32>
    %bitcast_convert_type3A_101 = tpu.bitcast %or3A_100 : vector<256x4096xi32> -> vector<256x4096xf32>
    %concatenate3A = tpu.concatenate %bitcast_convert_type3A_101, %select_n3A_93 in 1 : vector<256x4096xf32>, vector<256x4096xf32> -> vector<256x8192xf32>
    %swap3A = arith.constant 0 : index
    %swap3A_102 = arith.constant 0 : index
    %swap3A_103 = vector.load %arg4[%swap3A, %swap3A_102] : memref<256x8192xf32, #tpu.memory_space<vmem>>, vector<256x8192xf32>
    tpu.vector_store %arg4[%swap3A, %swap3A_102], %concatenate3A {strides = array<i32>} : memref<256x8192xf32, #tpu.memory_space<vmem>>, vector<256x8192xf32>,
    return
  }
  func.func @transform_0(%arg0: i32) -> (i32, i32) {
    %add3A = arith.constant 4 : i32
    %add3A_0 = arith.addi %arg0, %add3A : i32
    %c0_i32 = arith.constant 0 : i32
    %c0_i32_1 = arith.constant 0 : i32
    return %add3A_0, %c0_i32 : i32, i32
  }
  func.func @transform_1(%arg0: i32) -> (i32, i32) {
    %c0_i32 = arith.constant 0 : i32
    %c0_i32_0 = arith.constant 0 : i32
    %c0_i32_1 = arith.constant 0 : i32
    return %c0_i32, %c0_i32_0 : i32, i32
  }
  func.func @transform_2(%arg0: i32) -> (i32, i32) {
    %c0_i32 = arith.constant 0 : i32
    %c0_i32_0 = arith.constant 0 : i32
    %c0_i32_1 = arith.constant 0 : i32
    return %c0_i32, %c0_i32_0 : i32, i32
  }
  func.func @transform_3(%arg0: i32) -> (i32, i32) {
    %c0_i32 = arith.constant 0 : i32
    %c0_i32_0 = arith.constant 0 : i32
    return %arg0, %c0_i32 : i32, i32
  }
}

module attributes {stable_mosaic.version = 14 : i64} {
  func.func @_tc_a_kernel(%arg0: i32, %arg1: memref<256x64xf32, #tpu.memory_space<vmem>>, %arg2: memref<64x4096xf32, #tpu.memory_space<vmem>>, %arg3: memref<1x4096xi32, #tpu.memory_space<vmem>>, %arg4: memref<256x8192xf32, #tpu.memory_space<vmem>>) attributes {dimension_semantics = [#tpu.dimension_semantics<arbitrary>], iteration_bounds = array<i64: 4>, scalar_prefetch = 0 : i64, scratch_operands = 0 : i64, tpu.core_type = #tpu.core_type<tc>, window_params = [{transform_indices = @transform_0, window_bounds = array<i64: 256, 64>}, {pipeline_mode = #tpu.pipeline_mode<synchronous>, transform_indices = @transform_1, window_bounds = array<i64: 64, 4096>}, {pipeline_mode = #tpu.pipeline_mode<synchronous>, transform_indices = @transform_2, window_bounds = array<i64: 1, 4096>}, {transform_indices = @transform_3, window_bounds = array<i64: 256, 8192>}]} {
    %get3A = arith.constant 0 : index
    %get3A_0 = arith.constant 0 : index
    %get3A_1 = vector.load %arg1[%get3A, %get3A_0] : memref<256x64xf32, #tpu.memory_space<vmem>>, vector<256x64xf32>
    %get3A_2 = arith.constant 0 : index
    %get3A_3 = arith.constant 0 : index
    %get3A_4 = vector.load %arg2[%get3A_2, %get3A_3] : memref<64x4096xf32, #tpu.memory_space<vmem>>, vector<64x4096xf32>
    %dot_general3A = arith.constant dense<0.000000e+00> : vector<256x4096xf32>
    %dot_general3A_5 = tpu.matmul %get3A_1, %get3A_4, %dot_general3A {dimension_numbers = #tpu.dot_dimension_numbers<[1], [0], [0], [1], [0, 0, 1, 1], [], []>, transpose_lhs_hint = false} : vector<256x64xf32>, vector<64x4096xf32>, vector<256x4096xf32> -> vector<256x4096xf32>
    %mul3A = arith.mulf %get3A_1, %get3A_1 : vector<256x64xf32>
    %reduce_sum3A = arith.constant dense<0.000000e+00> : vector<256xf32>
    %reduce_sum3A_6 = vector.multi_reduction <add>, %mul3A, %reduce_sum3A [1] : vector<256x64xf32> to vector<256xf32>
    %broadcast_in_dim3A = vector.shape_cast %reduce_sum3A_6 : vector<256xf32> to vector<256x1xf32>
    %mul3A_7 = arith.mulf %get3A_4, %get3A_4 : vector<64x4096xf32>
    %reduce_sum3A_8 = arith.constant dense<0.000000e+00> : vector<4096xf32>
    %reduce_sum3A_9 = vector.multi_reduction <add>, %mul3A_7, %reduce_sum3A_8 [0] : vector<64x4096xf32> to vector<4096xf32>
    %broadcast_in_dim3A_10 = vector.shape_cast %reduce_sum3A_9 : vector<4096xf32> to vector<1x4096xf32>
    %add3A = vector.broadcast %broadcast_in_dim3A : vector<256x1xf32> to vector<256x4096xf32>
    %add3A_11 = vector.broadcast %broadcast_in_dim3A_10 : vector<1x4096xf32> to vector<256x4096xf32>
    %add3A_12 = arith.addf %add3A, %add3A_11 : vector<256x4096xf32>
    %mul3A_13 = arith.constant 2.000000e+00 : f32
    %mul3A_14 = vector.broadcast %mul3A_13 : f32 to vector<256x4096xf32>
    %mul3A_15 = arith.mulf %mul3A_14, %dot_general3A_5 : vector<256x4096xf32>
    %sub3A = arith.subf %add3A_12, %mul3A_15 : vector<256x4096xf32>
    %max3A = arith.constant 0.000000e+00 : f32
    %max3A_16 = vector.broadcast %max3A : f32 to vector<256x4096xf32>
    %max3A_17 = arith.maximumf %sub3A, %max3A_16 : vector<256x4096xf32>
    %mul3A_18 = arith.constant 256 : i32
    %mul3A_19 = arith.muli %arg0, %mul3A_18 : i32
    %add3A_20 = arith.constant 0 : i32
    %add3A_21 = arith.addi %add3A_20, %mul3A_19 : i32
    %iota3A = tpu.iota {dimensions = array<i32: 0>} : vector<256x4096xi32>
    %add3A_22 = vector.broadcast %add3A_21 : i32 to vector<256x4096xi32>
    %add3A_23 = arith.addi %add3A_22, %iota3A : vector<256x4096xi32>
    %iota3A_24 = tpu.iota {dimensions = array<i32: 1>} : vector<256x4096xi32>
    %eq3A = arith.cmpi eq, %add3A_23, %iota3A_24 : vector<256x4096xi32>
    %jit3A = arith.constant 0x7F800000 : f32
    %broadcast_in_dim3A_25 = vector.broadcast %jit3A : f32 to vector<256x4096xf32>
    %select_n3A = arith.select %eq3A, %broadcast_in_dim3A_25, %max3A_17 : vector<256x4096xi1>, vector<256x4096xf32>
    %bitcast_convert_type3A = tpu.bitcast %select_n3A : vector<256x4096xf32> -> vector<256x4096xi32>
    %broadcast_in_dim3A_26 = arith.constant -1 : i32
    %broadcast_in_dim3A_27 = vector.broadcast %broadcast_in_dim3A_26 : i32 to vector<256x1xi32>
    %broadcast_in_dim3A_28 = arith.constant 2139095039 : i32
    %broadcast_in_dim3A_29 = vector.broadcast %broadcast_in_dim3A_28 : i32 to vector<256x1xi32>
    %scan3A = arith.constant 0 : i32
    %scan3A_30 = arith.constant 31 : i32
    %scan3A_31 = arith.addi %scan3A, %scan3A_30 : i32
    %scan3A_32 = arith.constant 1 : i32
    %scan3A_33:2 = scf.for %scan3A_104 = %scan3A to %scan3A_31 step %scan3A_32 iter_args(%scan3A_105 = %broadcast_in_dim3A_27, %scan3A_106 = %broadcast_in_dim3A_29) -> (vector<256x1xi32>, vector<256x1xi32>)  : i32 {
      %sub3A_107 = arith.subi %scan3A_106, %scan3A_105 : vector<256x1xi32>
      %shift_right_logical3A_108 = arith.constant 1 : i32
      %shift_right_logical3A_109 = vector.broadcast %shift_right_logical3A_108 : i32 to vector<256x1xi32>
      %shift_right_logical3A_110 = arith.shrui %sub3A_107, %shift_right_logical3A_109 : vector<256x1xi32>
      %add3A_111 = arith.addi %scan3A_105, %shift_right_logical3A_110 : vector<256x1xi32>
      %le3A_112 = vector.broadcast %add3A_111 : vector<256x1xi32> to vector<256x4096xi32>
      %le3A_113 = arith.cmpi sle, %bitcast_convert_type3A, %le3A_112 : vector<256x4096xi32>
      %convert_element_type3A = arith.extui %le3A_113 : vector<256x4096xi1> to vector<256x4096xi32>
      %reduce_sum3A_114 = arith.constant dense<0> : vector<256xi32>
      %reduce_sum3A_115 = vector.multi_reduction <add>, %convert_element_type3A, %reduce_sum3A_114 [1] : vector<256x4096xi32> to vector<256xi32>
      %broadcast_in_dim3A_116 = vector.shape_cast %reduce_sum3A_115 : vector<256xi32> to vector<256x1xi32>
      %ge3A = arith.constant 90 : i32
      %ge3A_117 = vector.broadcast %ge3A : i32 to vector<256x1xi32>
      %ge3A_118 = arith.cmpi sge, %broadcast_in_dim3A_116, %ge3A_117 : vector<256x1xi32>
      %add3A_119 = arith.constant 1 : i32
      %add3A_120 = vector.broadcast %add3A_119 : i32 to vector<256x1xi32>
      %add3A_121 = arith.addi %add3A_111, %add3A_120 : vector<256x1xi32>
      %select_n3A_122 = arith.select %ge3A_118, %scan3A_105, %add3A_121 : vector<256x1xi1>, vector<256x1xi32>
      %select_n3A_123 = arith.select %ge3A_118, %add3A_111, %scan3A_106 : vector<256x1xi1>, vector<256x1xi32>
      scf.yield %select_n3A_122, %select_n3A_123 : vector<256x1xi32>, vector<256x1xi32>
    }
    %le3A = vector.broadcast %scan3A_33#1 : vector<256x1xi32> to vector<256x4096xi32>
    %le3A_34 = arith.cmpi sle, %bitcast_convert_type3A, %le3A : vector<256x4096xi32>
    %jit3A_35 = arith.constant 1.000000e+00 : f32
    %jit3A_36 = arith.constant 0.000000e+00 : f32
    %broadcast_in_dim3A_37 = vector.broadcast %jit3A_35 : f32 to vector<256x4096xf32>
    %broadcast_in_dim3A_38 = vector.broadcast %jit3A_36 : f32 to vector<256x4096xf32>
    %select_n3A_39 = arith.select %le3A_34, %broadcast_in_dim3A_37, %broadcast_in_dim3A_38 : vector<256x4096xi1>, vector<256x4096xf32>
    %iota3A_40 = tpu.iota {dimensions = array<i32: 0>} : vector<128x128xi32>
    %iota3A_41 = tpu.iota {dimensions = array<i32: 1>} : vector<128x128xi32>
    %lt3A = arith.cmpi slt, %iota3A_40, %iota3A_41 : vector<128x128xi32>
    %jit3A_42 = arith.constant 1.000000e+00 : f32
    %jit3A_43 = arith.constant 0.000000e+00 : f32
    %broadcast_in_dim3A_44 = vector.broadcast %jit3A_42 : f32 to vector<128x128xf32>
    %broadcast_in_dim3A_45 = vector.broadcast %jit3A_43 : f32 to vector<128x128xf32>
    %select_n3A_46 = arith.select %lt3A, %broadcast_in_dim3A_44, %broadcast_in_dim3A_45 : vector<128x128xi1>, vector<128x128xf32>
    %reshape3A = vector.shape_cast %select_n3A_39 : vector<256x4096xf32> to vector<8192x128xf32>
    %dot_general3A_47 = arith.constant dense<0.000000e+00> : vector<8192x128xf32>
    %dot_general3A_48 = tpu.matmul %reshape3A, %select_n3A_46, %dot_general3A_47 {dimension_numbers = #tpu.dot_dimension_numbers<[1], [0], [0], [1], [0, 0, 1, 1], [], []>, transpose_lhs_hint = false} : vector<8192x128xf32>, vector<128x128xf32>, vector<8192x128xf32> -> vector<8192x128xf32>
    %reshape3A_49 = vector.shape_cast %dot_general3A_48 : vector<8192x128xf32> to vector<256x4096xf32>
    %iota3A_50 = tpu.iota {dimensions = array<i32: 0>} : vector<4096x32xi32>
    %shift_right_logical3A = arith.constant 7 : i32
    %shift_right_logical3A_51 = vector.broadcast %shift_right_logical3A : i32 to vector<4096x32xi32>
    %shift_right_logical3A_52 = arith.shrui %iota3A_50, %shift_right_logical3A_51 : vector<4096x32xi32>
    %iota3A_53 = tpu.iota {dimensions = array<i32: 1>} : vector<4096x32xi32>
    %eq3A_54 = arith.cmpi eq, %shift_right_logical3A_52, %iota3A_53 : vector<4096x32xi32>
    %jit3A_55 = arith.constant 1.000000e+00 : f32
    %jit3A_56 = arith.constant 0.000000e+00 : f32
    %broadcast_in_dim3A_57 = vector.broadcast %jit3A_55 : f32 to vector<4096x32xf32>
    %broadcast_in_dim3A_58 = vector.broadcast %jit3A_56 : f32 to vector<4096x32xf32>
    %select_n3A_59 = arith.select %eq3A_54, %broadcast_in_dim3A_57, %broadcast_in_dim3A_58 : vector<4096x32xi1>, vector<4096x32xf32>
    %dot_general3A_60 = arith.constant dense<0.000000e+00> : vector<256x32xf32>
    %dot_general3A_61 = tpu.matmul %select_n3A_39, %select_n3A_59, %dot_general3A_60 {dimension_numbers = #tpu.dot_dimension_numbers<[1], [0], [0], [1], [0, 0, 1, 1], [], []>, transpose_lhs_hint = false} : vector<256x4096xf32>, vector<4096x32xf32>, vector<256x32xf32> -> vector<256x32xf32>
    %iota3A_62 = tpu.iota {dimensions = array<i32: 0>} : vector<32x32xi32>
    %iota3A_63 = tpu.iota {dimensions = array<i32: 1>} : vector<32x32xi32>
    %lt3A_64 = arith.cmpi slt, %iota3A_62, %iota3A_63 : vector<32x32xi32>
    %jit3A_65 = arith.constant 1.000000e+00 : f32
    %jit3A_66 = arith.constant 0.000000e+00 : f32
    %broadcast_in_dim3A_67 = vector.broadcast %jit3A_65 : f32 to vector<32x32xf32>
    %broadcast_in_dim3A_68 = vector.broadcast %jit3A_66 : f32 to vector<32x32xf32>
    %select_n3A_69 = arith.select %lt3A_64, %broadcast_in_dim3A_67, %broadcast_in_dim3A_68 : vector<32x32xi1>, vector<32x32xf32>
    %dot_general3A_70 = arith.constant dense<0.000000e+00> : vector<256x32xf32>
    %dot_general3A_71 = tpu.matmul %dot_general3A_61, %select_n3A_69, %dot_general3A_70 {dimension_numbers = #tpu.dot_dimension_numbers<[1], [0], [0], [1], [0, 0, 1, 1], [], []>, transpose_lhs_hint = false} : vector<256x32xf32>, vector<32x32xf32>, vector<256x32xf32> -> vector<256x32xf32>
    %iota3A_72 = tpu.iota {dimensions = array<i32: 0>} : vector<32x4096xi32>
    %iota3A_73 = tpu.iota {dimensions = array<i32: 1>} : vector<32x4096xi32>
    %shift_right_logical3A_74 = arith.constant 7 : i32
    %shift_right_logical3A_75 = vector.broadcast %shift_right_logical3A_74 : i32 to vector<32x4096xi32>
    %shift_right_logical3A_76 = arith.shrui %iota3A_73, %shift_right_logical3A_75 : vector<32x4096xi32>
    %eq3A_77 = arith.cmpi eq, %iota3A_72, %shift_right_logical3A_76 : vector<32x4096xi32>
    %jit3A_78 = arith.constant 1.000000e+00 : f32
    %jit3A_79 = arith.constant 0.000000e+00 : f32
    %broadcast_in_dim3A_80 = vector.broadcast %jit3A_78 : f32 to vector<32x4096xf32>
    %broadcast_in_dim3A_81 = vector.broadcast %jit3A_79 : f32 to vector<32x4096xf32>
    %select_n3A_82 = arith.select %eq3A_77, %broadcast_in_dim3A_80, %broadcast_in_dim3A_81 : vector<32x4096xi1>, vector<32x4096xf32>
    %dot_general3A_83 = arith.constant dense<0.000000e+00> : vector<256x4096xf32>
    %dot_general3A_84 = tpu.matmul %dot_general3A_71, %select_n3A_82, %dot_general3A_83 {dimension_numbers = #tpu.dot_dimension_numbers<[1], [0], [0], [1], [0, 0, 1, 1], [], []>, transpose_lhs_hint = false} : vector<256x32xf32>, vector<32x4096xf32>, vector<256x4096xf32> -> vector<256x4096xf32>
    %add3A_85 = arith.addf %dot_general3A_84, %reshape3A_49 : vector<256x4096xf32>
    %gt3A = arith.constant 0.000000e+00 : f32
    %gt3A_86 = vector.broadcast %gt3A : f32 to vector<256x4096xf32>
    %gt3A_87 = arith.cmpf ogt, %select_n3A_39, %gt3A_86 : vector<256x4096xf32>
    %lt3A_88 = arith.constant 1.280000e+02 : f32
    %lt3A_89 = vector.broadcast %lt3A_88 : f32 to vector<256x4096xf32>
    %lt3A_90 = arith.cmpf olt, %add3A_85, %lt3A_89 : vector<256x4096xf32>
    %and3A = arith.andi %gt3A_87, %lt3A_90 : vector<256x4096xi1>
    %jit3A_91 = arith.constant -1.000000e+00 : f32
    %broadcast_in_dim3A_92 = vector.broadcast %jit3A_91 : f32 to vector<256x4096xf32>
    %select_n3A_93 = arith.select %and3A, %add3A_85, %broadcast_in_dim3A_92 : vector<256x4096xi1>, vector<256x4096xf32>
    %get3A_94 = arith.constant 0 : index
    %get3A_95 = arith.constant 0 : index
    %get3A_96 = vector.load %arg3[%get3A_94, %get3A_95] : memref<1x4096xi32, #tpu.memory_space<vmem>>, vector<1x4096xi32>
    %and3A_97 = arith.constant -8 : i32
    %and3A_98 = vector.broadcast %and3A_97 : i32 to vector<256x4096xi32>
    %and3A_99 = arith.andi %bitcast_convert_type3A, %and3A_98 : vector<256x4096xi32>
    %or3A = vector.broadcast %get3A_96 : vector<1x4096xi32> to vector<256x4096xi32>
    %or3A_100 = arith.ori %and3A_99, %or3A : vector<256x4096xi32>
    %bitcast_convert_type3A_101 = tpu.bitcast %or3A_100 : vector<256x4096xi32> -> vector<256x4096xf32>
    %concatenate3A = tpu.concatenate %bitcast_convert_type3A_101, %select_n3A_93 in 1 : vector<256x4096xf32>, vector<256x4096xf32> -> vector<256x8192xf32>
    %swap3A = arith.constant 0 : index
    %swap3A_102 = arith.constant 0 : index
    %swap3A_103 = vector.load %arg4[%swap3A, %swap3A_102] : memref<256x8192xf32, #tpu.memory_space<vmem>>, vector<256x8192xf32>
    tpu.vector_store %arg4[%swap3A, %swap3A_102], %concatenate3A {strides = array<i32>} : memref<256x8192xf32, #tpu.memory_space<vmem>>, vector<256x8192xf32>,
    return
  }
  func.func @transform_0(%arg0: i32) -> (i32, i32) {
    %add3A = arith.constant 0 : i32
    %add3A_0 = arith.addi %arg0, %add3A : i32
    %c0_i32 = arith.constant 0 : i32
    %c0_i32_1 = arith.constant 0 : i32
    return %add3A_0, %c0_i32 : i32, i32
  }
  func.func @transform_1(%arg0: i32) -> (i32, i32) {
    %c0_i32 = arith.constant 0 : i32
    %c0_i32_0 = arith.constant 0 : i32
    %c0_i32_1 = arith.constant 0 : i32
    return %c0_i32, %c0_i32_0 : i32, i32
  }
  func.func @transform_2(%arg0: i32) -> (i32, i32) {
    %c0_i32 = arith.constant 0 : i32
    %c0_i32_0 = arith.constant 0 : i32
    %c0_i32_1 = arith.constant 0 : i32
    return %c0_i32, %c0_i32_0 : i32, i32
  }
  func.func @transform_3(%arg0: i32) -> (i32, i32) {
    %c0_i32 = arith.constant 0 : i32
    %c0_i32_0 = arith.constant 0 : i32
    return %arg0, %c0_i32 : i32, i32
  }
}

module attributes {stable_mosaic.version = 14 : i64} {
  func.func @_tc_c_kernel(%arg0: i32, %arg1: memref<512x128xf32, #tpu.memory_space<vmem>>, %arg2: memref<512x1xf32, #tpu.memory_space<vmem>>) attributes {dimension_semantics = [#tpu.dimension_semantics<arbitrary>], iteration_bounds = array<i64: 2>, scalar_prefetch = 0 : i64, scratch_operands = 0 : i64, tpu.core_type = #tpu.core_type<tc>, window_params = [{transform_indices = @transform_0, window_bounds = array<i64: 512, 128>}, {transform_indices = @transform_1, window_bounds = array<i64: 512, 1>}]} {
    %get3A = arith.constant 0 : index
    %get3A_0 = arith.constant 0 : index
    %get3A_1 = vector.load %arg1[%get3A, %get3A_0] : memref<512x128xf32, #tpu.memory_space<vmem>>, vector<512x128xf32>
    %bitcast_convert_type3A = tpu.bitcast %get3A_1 : vector<512x128xf32> -> vector<512x128xi32>
    %and3A = arith.constant 7 : i32
    %and3A_2 = vector.broadcast %and3A : i32 to vector<512x128xi32>
    %and3A_3 = arith.andi %bitcast_convert_type3A, %and3A_2 : vector<512x128xi32>
    %and3A_4 = arith.constant -8 : i32
    %and3A_5 = vector.broadcast %and3A_4 : i32 to vector<512x128xi32>
    %and3A_6 = arith.andi %bitcast_convert_type3A, %and3A_5 : vector<512x128xi32>
    %bitcast_convert_type3A_7 = tpu.bitcast %and3A_6 : vector<512x128xi32> -> vector<512x128xf32>
    %max3A = arith.constant 9.99999996E-13 : f32
    %max3A_8 = vector.broadcast %max3A : f32 to vector<512x128xf32>
    %max3A_9 = arith.maximumf %bitcast_convert_type3A_7, %max3A_8 : vector<512x128xf32>
    %sqrt3A = math.sqrt %max3A_9 : vector<512x128xf32>
    %log3A = arith.constant 3.000000e+01 : f32
    %log3A_10 = math.log %log3A : f32
    %broadcast_in_dim3A = arith.constant 1.000000e+00 : f32
    %broadcast_in_dim3A_11 = vector.broadcast %broadcast_in_dim3A : f32 to vector<512x1xf32>
    %broadcast_in_dim3A_12 = arith.constant 0xFF800000 : f32
    %broadcast_in_dim3A_13 = vector.broadcast %broadcast_in_dim3A_12 : f32 to vector<512x1xf32>
    %broadcast_in_dim3A_14 = arith.constant 0x7F800000 : f32
    %broadcast_in_dim3A_15 = vector.broadcast %broadcast_in_dim3A_14 : f32 to vector<512x1xf32>
    %scan3A = arith.constant 0 : i32
    %scan3A_16 = arith.constant 50 : i32
    %scan3A_17 = arith.addi %scan3A, %scan3A_16 : i32
    %scan3A_18 = arith.constant 1 : i32
    %scan3A_19:3 = scf.for %scan3A_150 = %scan3A to %scan3A_17 step %scan3A_18 iter_args(%scan3A_151 = %broadcast_in_dim3A_11, %scan3A_152 = %broadcast_in_dim3A_13, %scan3A_153 = %broadcast_in_dim3A_15) -> (vector<512x1xf32>, vector<512x1xf32>, vector<512x1xf32>)  : i32 {
      %neg3A_154 = arith.constant 0.000000e+00 : f32
      %neg3A_155 = vector.broadcast %neg3A_154 : f32 to vector<512x128xf32>
      %neg3A_156 = arith.subf %neg3A_155, %sqrt3A : vector<512x128xf32>
      %mul3A_157 = vector.broadcast %scan3A_151 : vector<512x1xf32> to vector<512x128xf32>
      %mul3A_158 = arith.mulf %neg3A_156, %mul3A_157 : vector<512x128xf32>
      %exp3A_159 = math.exp %mul3A_158 : vector<512x128xf32>
      %reduce_sum3A_160 = arith.constant dense<0.000000e+00> : vector<512xf32>
      %reduce_sum3A_161 = vector.multi_reduction <add>, %exp3A_159, %reduce_sum3A_160 [1] : vector<512x128xf32> to vector<512xf32>
      %broadcast_in_dim3A_162 = vector.shape_cast %reduce_sum3A_161 : vector<512xf32> to vector<512x1xf32>
      %mul3A_163 = arith.mulf %sqrt3A, %exp3A_159 : vector<512x128xf32>
      %reduce_sum3A_164 = arith.constant dense<0.000000e+00> : vector<512xf32>
      %reduce_sum3A_165 = vector.multi_reduction <add>, %mul3A_163, %reduce_sum3A_164 [1] : vector<512x128xf32> to vector<512xf32>
      %broadcast_in_dim3A_166 = vector.shape_cast %reduce_sum3A_165 : vector<512xf32> to vector<512x1xf32>
      %gt3A_167 = arith.constant 0.000000e+00 : f32
      %gt3A_168 = vector.broadcast %gt3A_167 : f32 to vector<512x1xf32>
      %gt3A_169 = arith.cmpf ogt, %broadcast_in_dim3A_162, %gt3A_168 : vector<512x1xf32>
      %jit3A_170 = arith.constant 1.000000e+00 : f32
      %broadcast_in_dim3A_171 = vector.broadcast %jit3A_170 : f32 to vector<512x1xf32>
      %select_n3A_172 = arith.select %gt3A_169, %broadcast_in_dim3A_162, %broadcast_in_dim3A_171 : vector<512x1xi1>, vector<512x1xf32>
      %gt3A_173 = arith.constant 0.000000e+00 : f32
      %gt3A_174 = vector.broadcast %gt3A_173 : f32 to vector<512x1xf32>
      %gt3A_175 = arith.cmpf ogt, %broadcast_in_dim3A_162, %gt3A_174 : vector<512x1xf32>
      %log3A_176 = math.log %select_n3A_172 : vector<512x1xf32>
      %mul3A_177 = arith.mulf %scan3A_151, %broadcast_in_dim3A_166 : vector<512x1xf32>
      %div3A_178 = arith.divf %mul3A_177, %select_n3A_172 : vector<512x1xf32>
      %add3A_179 = arith.addf %log3A_176, %div3A_178 : vector<512x1xf32>
      %jit3A_180 = arith.constant 0.000000e+00 : f32
      %broadcast_in_dim3A_181 = vector.broadcast %jit3A_180 : f32 to vector<512x1xf32>
      %select_n3A_182 = arith.select %gt3A_175, %add3A_179, %broadcast_in_dim3A_181 : vector<512x1xi1>, vector<512x1xf32>
      %sub3A = vector.broadcast %log3A_10 : f32 to vector<512x1xf32>
      %sub3A_183 = arith.subf %select_n3A_182, %sub3A : vector<512x1xf32>
      %abs3A = math.absf %sub3A_183 : vector<512x1xf32>
      %lt3A = arith.constant 9.99999974E-6 : f32
      %lt3A_184 = vector.broadcast %lt3A : f32 to vector<512x1xf32>
      %lt3A_185 = arith.cmpf olt, %abs3A, %lt3A_184 : vector<512x1xf32>
      %gt3A_186 = arith.constant 0.000000e+00 : f32
      %gt3A_187 = vector.broadcast %gt3A_186 : f32 to vector<512x1xf32>
      %gt3A_188 = arith.cmpf ogt, %sub3A_183, %gt3A_187 : vector<512x1xf32>
      %select_n3A_189 = arith.select %gt3A_188, %scan3A_151, %scan3A_152 : vector<512x1xi1>, vector<512x1xf32>
      %gt3A_190 = arith.constant 0.000000e+00 : f32
      %gt3A_191 = vector.broadcast %gt3A_190 : f32 to vector<512x1xf32>
      %gt3A_192 = arith.cmpf ogt, %sub3A_183, %gt3A_191 : vector<512x1xf32>
      %select_n3A_193 = arith.select %gt3A_192, %scan3A_153, %scan3A_151 : vector<512x1xi1>, vector<512x1xf32>
      %is_finite3A = tpu.weird %scan3A_153 : vector<512x1xf32> -> vector<512x1xi1>
      %is_finite3A_194 = arith.constant dense<true> : vector<512x1xi1>
      %is_finite3A_195 = arith.xori %is_finite3A, %is_finite3A_194 : vector<512x1xi1>
      %add3A_196 = arith.addf %scan3A_151, %scan3A_153 : vector<512x1xf32>
      %div3A_197 = arith.constant 2.000000e+00 : f32
      %div3A_198 = vector.broadcast %div3A_197 : f32 to vector<512x1xf32>
      %div3A_199 = arith.divf %add3A_196, %div3A_198 : vector<512x1xf32>
      %mul3A_200 = arith.constant 2.000000e+00 : f32
      %mul3A_201 = vector.broadcast %mul3A_200 : f32 to vector<512x1xf32>
      %mul3A_202 = arith.mulf %scan3A_151, %mul3A_201 : vector<512x1xf32>
      %select_n3A_203 = arith.select %is_finite3A_195, %div3A_199, %mul3A_202 : vector<512x1xi1>, vector<512x1xf32>
      %is_finite3A_204 = tpu.weird %scan3A_152 : vector<512x1xf32> -> vector<512x1xi1>
      %is_finite3A_205 = arith.constant dense<true> : vector<512x1xi1>
      %is_finite3A_206 = arith.xori %is_finite3A_204, %is_finite3A_205 : vector<512x1xi1>
      %add3A_207 = arith.addf %scan3A_151, %scan3A_152 : vector<512x1xf32>
      %div3A_208 = arith.constant 2.000000e+00 : f32
      %div3A_209 = vector.broadcast %div3A_208 : f32 to vector<512x1xf32>
      %div3A_210 = arith.divf %add3A_207, %div3A_209 : vector<512x1xf32>
      %div3A_211 = arith.constant 2.000000e+00 : f32
      %div3A_212 = vector.broadcast %div3A_211 : f32 to vector<512x1xf32>
      %div3A_213 = arith.divf %scan3A_151, %div3A_212 : vector<512x1xf32>
      %select_n3A_214 = arith.select %is_finite3A_206, %div3A_210, %div3A_213 : vector<512x1xi1>, vector<512x1xf32>
      %gt3A_215 = arith.constant 0.000000e+00 : f32
      %gt3A_216 = vector.broadcast %gt3A_215 : f32 to vector<512x1xf32>
      %gt3A_217 = arith.cmpf ogt, %sub3A_183, %gt3A_216 : vector<512x1xf32>
      %select_n3A_218 = arith.select %gt3A_217, %select_n3A_203, %select_n3A_214 : vector<512x1xi1>, vector<512x1xf32>
      %select_n3A_219 = arith.select %lt3A_185, %scan3A_151, %select_n3A_218 : vector<512x1xi1>, vector<512x1xf32>
      %select_n3A_220 = arith.select %lt3A_185, %scan3A_152, %select_n3A_189 : vector<512x1xi1>, vector<512x1xf32>
      %select_n3A_221 = arith.select %lt3A_185, %scan3A_153, %select_n3A_193 : vector<512x1xi1>, vector<512x1xf32>
      scf.yield %select_n3A_219, %select_n3A_220, %select_n3A_221 : vector<512x1xf32>, vector<512x1xf32>, vector<512x1xf32>
    }
    %neg3A = arith.constant 0.000000e+00 : f32
    %neg3A_20 = vector.broadcast %neg3A : f32 to vector<512x128xf32>
    %neg3A_21 = arith.subf %neg3A_20, %sqrt3A : vector<512x128xf32>
    %mul3A = vector.broadcast %scan3A_19#0 : vector<512x1xf32> to vector<512x128xf32>
    %mul3A_22 = arith.mulf %neg3A_21, %mul3A : vector<512x128xf32>
    %exp3A = math.exp %mul3A_22 : vector<512x128xf32>
    %reduce_sum3A = arith.constant dense<0.000000e+00> : vector<512xf32>
    %reduce_sum3A_23 = vector.multi_reduction <add>, %exp3A, %reduce_sum3A [1] : vector<512x128xf32> to vector<512xf32>
    %broadcast_in_dim3A_24 = vector.shape_cast %reduce_sum3A_23 : vector<512xf32> to vector<512x1xf32>
    %mul3A_25 = arith.mulf %sqrt3A, %exp3A : vector<512x128xf32>
    %reduce_sum3A_26 = arith.constant dense<0.000000e+00> : vector<512xf32>
    %reduce_sum3A_27 = vector.multi_reduction <add>, %mul3A_25, %reduce_sum3A_26 [1] : vector<512x128xf32> to vector<512xf32>
    %broadcast_in_dim3A_28 = vector.shape_cast %reduce_sum3A_27 : vector<512xf32> to vector<512x1xf32>
    %gt3A = arith.constant 0.000000e+00 : f32
    %gt3A_29 = vector.broadcast %gt3A : f32 to vector<512x1xf32>
    %gt3A_30 = arith.cmpf ogt, %broadcast_in_dim3A_24, %gt3A_29 : vector<512x1xf32>
    %jit3A = arith.constant 1.000000e+00 : f32
    %broadcast_in_dim3A_31 = vector.broadcast %jit3A : f32 to vector<512x1xf32>
    %select_n3A = arith.select %gt3A_30, %broadcast_in_dim3A_24, %broadcast_in_dim3A_31 : vector<512x1xi1>, vector<512x1xf32>
    %gt3A_32 = arith.constant 0.000000e+00 : f32
    %gt3A_33 = vector.broadcast %gt3A_32 : f32 to vector<512x1xf32>
    %gt3A_34 = arith.cmpf ogt, %broadcast_in_dim3A_24, %gt3A_33 : vector<512x1xf32>
    %log3A_35 = math.log %select_n3A : vector<512x1xf32>
    %mul3A_36 = arith.mulf %scan3A_19#0, %broadcast_in_dim3A_28 : vector<512x1xf32>
    %div3A = arith.divf %mul3A_36, %select_n3A : vector<512x1xf32>
    %add3A = arith.addf %log3A_35, %div3A : vector<512x1xf32>
    %jit3A_37 = arith.constant 0.000000e+00 : f32
    %broadcast_in_dim3A_38 = vector.broadcast %jit3A_37 : f32 to vector<512x1xf32>
    %select_n3A_39 = arith.select %gt3A_34, %add3A, %broadcast_in_dim3A_38 : vector<512x1xi1>, vector<512x1xf32>
    %gt3A_40 = arith.constant 0.000000e+00 : f32
    %gt3A_41 = vector.broadcast %gt3A_40 : f32 to vector<512x1xf32>
    %gt3A_42 = arith.cmpf ogt, %broadcast_in_dim3A_24, %gt3A_41 : vector<512x1xf32>
    %div3A_43 = vector.broadcast %select_n3A : vector<512x1xf32> to vector<512x128xf32>
    %div3A_44 = arith.divf %exp3A, %div3A_43 : vector<512x128xf32>
    %jit3A_45 = arith.constant 0.000000e+00 : f32
    %broadcast_in_dim3A_46 = vector.shape_cast %gt3A_42 : vector<512x1xi1> to vector<512x1xi1>
    %broadcast_in_dim3A_47 = vector.broadcast %broadcast_in_dim3A_46 : vector<512x1xi1> to vector<512x128xi1>
    %broadcast_in_dim3A_48 = vector.broadcast %jit3A_45 : f32 to vector<512x128xf32>
    %select_n3A_49 = arith.select %broadcast_in_dim3A_47, %div3A_44, %broadcast_in_dim3A_48 : vector<512x128xi1>, vector<512x128xf32>
    %broadcast_in_dim3A_50 = arith.constant 0.000000e+00 : f32
    %broadcast_in_dim3A_51 = vector.broadcast %broadcast_in_dim3A_50 : f32 to vector<512x1xf32>
    %eq3A = arith.constant 0 : i32
    %eq3A_52 = vector.broadcast %eq3A : i32 to vector<512x128xi32>
    %eq3A_53 = arith.cmpi eq, %and3A_3, %eq3A_52 : vector<512x128xi32>
    %jit3A_54 = arith.constant 0.000000e+00 : f32
    %broadcast_in_dim3A_55 = vector.broadcast %jit3A_54 : f32 to vector<512x128xf32>
    %select_n3A_56 = arith.select %eq3A_53, %select_n3A_49, %broadcast_in_dim3A_55 : vector<512x128xi1>, vector<512x128xf32>
    %reduce_sum3A_57 = arith.constant dense<0.000000e+00> : vector<512xf32>
    %reduce_sum3A_58 = vector.multi_reduction <add>, %select_n3A_56, %reduce_sum3A_57 [1] : vector<512x128xf32> to vector<512xf32>
    %broadcast_in_dim3A_59 = vector.shape_cast %reduce_sum3A_58 : vector<512xf32> to vector<512x1xf32>
    %mul3A_60 = arith.mulf %broadcast_in_dim3A_59, %broadcast_in_dim3A_59 : vector<512x1xf32>
    %add3A_61 = arith.addf %broadcast_in_dim3A_51, %mul3A_60 : vector<512x1xf32>
    %eq3A_62 = arith.constant 1 : i32
    %eq3A_63 = vector.broadcast %eq3A_62 : i32 to vector<512x128xi32>
    %eq3A_64 = arith.cmpi eq, %and3A_3, %eq3A_63 : vector<512x128xi32>
    %jit3A_65 = arith.constant 0.000000e+00 : f32
    %broadcast_in_dim3A_66 = vector.broadcast %jit3A_65 : f32 to vector<512x128xf32>
    %select_n3A_67 = arith.select %eq3A_64, %select_n3A_49, %broadcast_in_dim3A_66 : vector<512x128xi1>, vector<512x128xf32>
    %reduce_sum3A_68 = arith.constant dense<0.000000e+00> : vector<512xf32>
    %reduce_sum3A_69 = vector.multi_reduction <add>, %select_n3A_67, %reduce_sum3A_68 [1] : vector<512x128xf32> to vector<512xf32>
    %broadcast_in_dim3A_70 = vector.shape_cast %reduce_sum3A_69 : vector<512xf32> to vector<512x1xf32>
    %mul3A_71 = arith.mulf %broadcast_in_dim3A_70, %broadcast_in_dim3A_70 : vector<512x1xf32>
    %add3A_72 = arith.addf %add3A_61, %mul3A_71 : vector<512x1xf32>
    %eq3A_73 = arith.constant 2 : i32
    %eq3A_74 = vector.broadcast %eq3A_73 : i32 to vector<512x128xi32>
    %eq3A_75 = arith.cmpi eq, %and3A_3, %eq3A_74 : vector<512x128xi32>
    %jit3A_76 = arith.constant 0.000000e+00 : f32
    %broadcast_in_dim3A_77 = vector.broadcast %jit3A_76 : f32 to vector<512x128xf32>
    %select_n3A_78 = arith.select %eq3A_75, %select_n3A_49, %broadcast_in_dim3A_77 : vector<512x128xi1>, vector<512x128xf32>
    %reduce_sum3A_79 = arith.constant dense<0.000000e+00> : vector<512xf32>
    %reduce_sum3A_80 = vector.multi_reduction <add>, %select_n3A_78, %reduce_sum3A_79 [1] : vector<512x128xf32> to vector<512xf32>
    %broadcast_in_dim3A_81 = vector.shape_cast %reduce_sum3A_80 : vector<512xf32> to vector<512x1xf32>
    %mul3A_82 = arith.mulf %broadcast_in_dim3A_81, %broadcast_in_dim3A_81 : vector<512x1xf32>
    %add3A_83 = arith.addf %add3A_72, %mul3A_82 : vector<512x1xf32>
    %eq3A_84 = arith.constant 3 : i32
    %eq3A_85 = vector.broadcast %eq3A_84 : i32 to vector<512x128xi32>
    %eq3A_86 = arith.cmpi eq, %and3A_3, %eq3A_85 : vector<512x128xi32>
    %jit3A_87 = arith.constant 0.000000e+00 : f32
    %broadcast_in_dim3A_88 = vector.broadcast %jit3A_87 : f32 to vector<512x128xf32>
    %select_n3A_89 = arith.select %eq3A_86, %select_n3A_49, %broadcast_in_dim3A_88 : vector<512x128xi1>, vector<512x128xf32>
    %reduce_sum3A_90 = arith.constant dense<0.000000e+00> : vector<512xf32>
    %reduce_sum3A_91 = vector.multi_reduction <add>, %select_n3A_89, %reduce_sum3A_90 [1] : vector<512x128xf32> to vector<512xf32>
    %broadcast_in_dim3A_92 = vector.shape_cast %reduce_sum3A_91 : vector<512xf32> to vector<512x1xf32>
    %mul3A_93 = arith.mulf %broadcast_in_dim3A_92, %broadcast_in_dim3A_92 : vector<512x1xf32>
    %add3A_94 = arith.addf %add3A_83, %mul3A_93 : vector<512x1xf32>
    %eq3A_95 = arith.constant 4 : i32
    %eq3A_96 = vector.broadcast %eq3A_95 : i32 to vector<512x128xi32>
    %eq3A_97 = arith.cmpi eq, %and3A_3, %eq3A_96 : vector<512x128xi32>
    %jit3A_98 = arith.constant 0.000000e+00 : f32
    %broadcast_in_dim3A_99 = vector.broadcast %jit3A_98 : f32 to vector<512x128xf32>
    %select_n3A_100 = arith.select %eq3A_97, %select_n3A_49, %broadcast_in_dim3A_99 : vector<512x128xi1>, vector<512x128xf32>
    %reduce_sum3A_101 = arith.constant dense<0.000000e+00> : vector<512xf32>
    %reduce_sum3A_102 = vector.multi_reduction <add>, %select_n3A_100, %reduce_sum3A_101 [1] : vector<512x128xf32> to vector<512xf32>
    %broadcast_in_dim3A_103 = vector.shape_cast %reduce_sum3A_102 : vector<512xf32> to vector<512x1xf32>
    %mul3A_104 = arith.mulf %broadcast_in_dim3A_103, %broadcast_in_dim3A_103 : vector<512x1xf32>
    %add3A_105 = arith.addf %add3A_94, %mul3A_104 : vector<512x1xf32>
    %eq3A_106 = arith.constant 5 : i32
    %eq3A_107 = vector.broadcast %eq3A_106 : i32 to vector<512x128xi32>
    %eq3A_108 = arith.cmpi eq, %and3A_3, %eq3A_107 : vector<512x128xi32>
    %jit3A_109 = arith.constant 0.000000e+00 : f32
    %broadcast_in_dim3A_110 = vector.broadcast %jit3A_109 : f32 to vector<512x128xf32>
    %select_n3A_111 = arith.select %eq3A_108, %select_n3A_49, %broadcast_in_dim3A_110 : vector<512x128xi1>, vector<512x128xf32>
    %reduce_sum3A_112 = arith.constant dense<0.000000e+00> : vector<512xf32>
    %reduce_sum3A_113 = vector.multi_reduction <add>, %select_n3A_111, %reduce_sum3A_112 [1] : vector<512x128xf32> to vector<512xf32>
    %broadcast_in_dim3A_114 = vector.shape_cast %reduce_sum3A_113 : vector<512xf32> to vector<512x1xf32>
    %mul3A_115 = arith.mulf %broadcast_in_dim3A_114, %broadcast_in_dim3A_114 : vector<512x1xf32>
    %add3A_116 = arith.addf %add3A_105, %mul3A_115 : vector<512x1xf32>
    %eq3A_117 = arith.constant 6 : i32
    %eq3A_118 = vector.broadcast %eq3A_117 : i32 to vector<512x128xi32>
    %eq3A_119 = arith.cmpi eq, %and3A_3, %eq3A_118 : vector<512x128xi32>
    %jit3A_120 = arith.constant 0.000000e+00 : f32
    %broadcast_in_dim3A_121 = vector.broadcast %jit3A_120 : f32 to vector<512x128xf32>
    %select_n3A_122 = arith.select %eq3A_119, %select_n3A_49, %broadcast_in_dim3A_121 : vector<512x128xi1>, vector<512x128xf32>
    %reduce_sum3A_123 = arith.constant dense<0.000000e+00> : vector<512xf32>
    %reduce_sum3A_124 = vector.multi_reduction <add>, %select_n3A_122, %reduce_sum3A_123 [1] : vector<512x128xf32> to vector<512xf32>
    %broadcast_in_dim3A_125 = vector.shape_cast %reduce_sum3A_124 : vector<512xf32> to vector<512x1xf32>
    %mul3A_126 = arith.mulf %broadcast_in_dim3A_125, %broadcast_in_dim3A_125 : vector<512x1xf32>
    %add3A_127 = arith.addf %add3A_116, %mul3A_126 : vector<512x1xf32>
    %eq3A_128 = arith.constant 7 : i32
    %eq3A_129 = vector.broadcast %eq3A_128 : i32 to vector<512x128xi32>
    %eq3A_130 = arith.cmpi eq, %and3A_3, %eq3A_129 : vector<512x128xi32>
    %jit3A_131 = arith.constant 0.000000e+00 : f32
    %broadcast_in_dim3A_132 = vector.broadcast %jit3A_131 : f32 to vector<512x128xf32>
    %select_n3A_133 = arith.select %eq3A_130, %select_n3A_49, %broadcast_in_dim3A_132 : vector<512x128xi1>, vector<512x128xf32>
    %reduce_sum3A_134 = arith.constant dense<0.000000e+00> : vector<512xf32>
    %reduce_sum3A_135 = vector.multi_reduction <add>, %select_n3A_133, %reduce_sum3A_134 [1] : vector<512x128xf32> to vector<512xf32>
    %broadcast_in_dim3A_136 = vector.shape_cast %reduce_sum3A_135 : vector<512xf32> to vector<512x1xf32>
    %mul3A_137 = arith.mulf %broadcast_in_dim3A_136, %broadcast_in_dim3A_136 : vector<512x1xf32>
    %add3A_138 = arith.addf %add3A_127, %mul3A_137 : vector<512x1xf32>
    %eq3A_139 = arith.constant 0.000000e+00 : f32
    %eq3A_140 = vector.broadcast %eq3A_139 : f32 to vector<512x1xf32>
    %eq3A_141 = arith.cmpf oeq, %select_n3A_39, %eq3A_140 : vector<512x1xf32>
    %jit3A_142 = arith.constant -1.000000e+00 : f32
    %broadcast_in_dim3A_143 = vector.broadcast %jit3A_142 : f32 to vector<512x1xf32>
    %select_n3A_144 = arith.select %eq3A_141, %broadcast_in_dim3A_143, %add3A_138 : vector<512x1xi1>, vector<512x1xf32>
    %div3A_145 = arith.constant 1.000000e+00 : f32
    %div3A_146 = vector.broadcast %div3A_145 : f32 to vector<512x1xf32>
    %div3A_147 = arith.divf %div3A_146, %select_n3A_144 : vector<512x1xf32>
    %swap3A = arith.constant 0 : index
    %swap3A_148 = arith.constant 0 : index
    %swap3A_149 = vector.load %arg2[%swap3A, %swap3A_148] : memref<512x1xf32, #tpu.memory_space<vmem>>, vector<512x1xf32>
    tpu.vector_store %arg2[%swap3A, %swap3A_148], %div3A_147 {strides = array<i32>} : memref<512x1xf32, #tpu.memory_space<vmem>>, vector<512x1xf32>,
    return
  }
  func.func @transform_0(%arg0: i32) -> (i32, i32) {
    %c0_i32 = arith.constant 0 : i32
    %c0_i32_0 = arith.constant 0 : i32
    return %arg0, %c0_i32 : i32, i32
  }
  func.func @transform_1(%arg0: i32) -> (i32, i32) {
    %c0_i32 = arith.constant 0 : i32
    %c0_i32_0 = arith.constant 0 : i32
    return %arg0, %c0_i32 : i32, i32
  }
}

</mosaic_0001>

<sc_bundles>
// kernel: kernel.14.cloned.1.call-start
scs
__scs_entry_jumppad:
0x0: {  	(pc) =	sbr.rel $0x88, $3  }
0x1: {  	(tag) =	ssettag $0x0;
	lr =	simm.s32 $0x1  }
0x2: {  	[smem:$0x3F9F] =	sst lr;
	_ =	strace $0xD0000000  }
0x3: {  	_ = 	snop  }
0x4: {  	_ = 	snop  }
0x5: {  	_ = 	snop  }
0x6: {  	_ = 	snop  }
0x7: {  	_ = 	snop  }
__scs_overlays_trampoline_lowered:
0x8: {  	[smem:$0x3FAE] =	sst s0  }
0x9: {  	[smem:$0x3FAF] =	sst s1  }
0xa: {  	[smem:$0x3FB0] =	sst s2  }
0xb: {  	[smem:$0x3FB1] =	sst s3  }
0xc: {  	[smem:$0x3FB2] =	sst s4  }
0xd: {  	[smem:$0x3FB3] =	sst s5  }
0xe: {  	[smem:$0x3FB4] =	sst s6  }
0xf: {  	[smem:$0x3FB5] =	sst s7  }
0x10: {  	[smem:$0x3FB6] =	sst s8  }
0x11: {  	[smem:$0x3FB7] =	sst s9;
	s0 =	simm.s32 @!p0 $0x0  }
0x12: {  	s1 =	sld [smem:$0x3F9D];
	s0 =	simm.s32 @p0 $0x1  }
0x13: {  	[smem:$0x3FB8] =	sst s0;
	s0 =	simm.s32 @!p1 $0x0  }
0x14: {  	s2 =	sld [smem:$0x3F9C];
	s0 =	simm.s32 @p1 $0x1  }
0x15: {  	[smem:$0x3FB9] =	sst s0;
	s0 =	simm.s32 @!p2 $0x0  }
0x16: {  	s3 =	sld [smem:$0x3FDB];
	s0 =	simm.s32 @p2 $0x1  }
0x17: {  	s4 =	simm.s32 $0x1BF5;
	[smem:$0x3FBB] =	sst s0  }
0x18: {  	s0 =	sld [smem:$0x3F9E];
	_ =	swait.ge [sflag:s4], $0x0  }
0x19: {  	s7 =	sld [smem:$0x3F9F]  }
0x1a: {  	s8 =	sadd.s32 $0xFFFFE003, lr  }
0x1b: {  	s9 =	sadd.s32 $0xFFFFFEF7, lr;
	s5 =	simm.s32 $0xFFFFFFFF;
	p2 =	slt.u32 s8, $0xFFFFF086  }
0x1c: {  	p1 =	slt.u32 s9, $0xF7A;
	s5 =	simm.s32 @!p2 $0x0  }
0x1d: {  	s5 =	simm.s32 @p1 $0x1;
	p0 =	seq.s32 s7, s2  }
0x1e: {  	s7 =	smul.u32 @!p0 $0xF7A, s2;
	p2 =	seq.s32 @!p0 s5, $0x0  }
0x1f: {  	s9 =	smul.u32 $0xF7A, s1;
	s8 =	simm.s32 @!p0 $0x1BF5;
	p2 =	por !p2, p0  }
0x20: {  	[sflag:s8] =	ssyncset.s32 @!p0 $0xFFFFF086;
	s6 =	sadd.s32 @!p0 s3, s7;
	s7 =	simm.s32 @!p0 $0x108  }
0x21: {  	s3 =	sadd.s32 s3, s9;
	s6 =	sadd.s32 @!p0 $0x88, s6;
	s7 =	simm.s32 @p2 $0x1082  }
0x22: {  	[simem:s7], [sflag:s8] =	dma.local @!p0 [hbm:s6], $0xF7A  }
0x23: {  	s9 =	sor.u32 $0xD0000000, s2;
	s6 =	simm.s32 $0x108;
	_ =	swait.ge @!p0 [sflag:s8], $0x0  }
0x24: {  	s3 =	sadd.s32 $0x88, s3;
	s6 =	simm.s32 @!p1 $0x1082;
	[sflag:s4] =	ssyncset.s32 $0xFFFFF086  }
0x25: {  	[simem:s6], [sflag:s4] =	dma.local [hbm:s3], $0xF7A  }
0x26: {  	[smem:$0x3F9F] =	sst s1;
	(tag) =	ssettag s2;
	_ =	strace s9  }
0x27: {  	s1 =	sld [smem:$0x3FAF]  }
0x28: {  	s2 =	sld [smem:$0x3FB0]  }
0x29: {  	s4 =	sld [smem:$0x3FB2]  }
0x2a: {  	p0 =	seq.s32 s5, $0x0;
	s5 =	sld [smem:$0x3FB3]  }
0x2b: {  	s6 =	sld [smem:$0x3FB4]  }
0x2c: {  	s7 =	sld [smem:$0x3FB5]  }
0x2d: {  	s3 =	simm.s32 $0x108;
	s8 =	sld [smem:$0x3FB6]  }
0x2e: {  	s3 =	simm.s32 @!p0 $0x1082;
	s9 =	sld [smem:$0x3FB7]  }
0x2f: {  	lr =	sadd.s32 s0, s3;
	s0 =	sld [smem:$0x3FAE]  }
0x30: {  	s3 =	sld [smem:$0x3FB1]  }
0x31: {  	[smem:$0x3FBA] =	sst s10  }
0x32: {  	s10 =	sld [smem:$0x3FB8];
	_ =	sdelay $0x3  }
0x33: {  	p0 =	seq.s32 s10, $0x1;
	s10 =	sld [smem:$0x3FBA];
	_ =	sdelay $0x3  }
0x34: {  	[smem:$0x3FBA] =	sst s10  }
0x35: {  	s10 =	sld [smem:$0x3FB9];
	_ =	sdelay $0x3  }
0x36: {  	p1 =	seq.s32 s10, $0x1;
	s10 =	sld [smem:$0x3FBA];
	_ =	sdelay $0x3  }
0x37: {  	[smem:$0x3FBA] =	sst s10  }
0x38: {  	s10 =	sld [smem:$0x3FBB]  }
0x39: {  	_ = 	snop;
	(pc) =	sbr.ind lr, $3  }
0x3a: {  	_ = 	snop  }
0x3b: {  	_ = 	snop  }
0x3c: {  	p2 =	seq.s32 s10, $0x1;
	s10 =	sld [smem:$0x3FBA]  }
0x3d: {  	_ =	shalt  }
0x3e: {  	_ =	shalt  }
0x3f: {  	_ =	shalt  }
0x40: {  	_ =	shalt  }
0x41: {  	_ =	shalt  }
0x42: {  	_ =	shalt  }
0x43: {  	_ =	shalt  }
0x44: {  	_ =	shalt  }
0x45: {  	_ =	shalt  }
0x46: {  	_ =	shalt  }
0x47: {  	_ =	shalt  }
0x48: {  	_ =	shalt  }
0x49: {  	_ =	shalt  }
0x4a: {  	_ =	shalt  }
0x4b: {  	_ =	shalt  }
0x4c: {  	_ =	shalt  }
0x4d: {  	_ =	shalt  }
0x4e: {  	_ =	shalt  }
0x4f: {  	_ =	shalt  }
0x50: {  	_ =	shalt  }
0x51: {  	_ =	shalt  }
0x52: {  	_ =	shalt  }
0x53: {  	_ =	shalt  }
0x54: {  	_ =	shalt  }
0x55: {  	_ =	shalt  }
0x56: {  	_ =	shalt  }
0x57: {  	_ =	shalt  }
0x58: {  	_ =	shalt  }
0x59: {  	_ =	shalt  }
0x5a: {  	_ =	shalt  }
0x5b: {  	_ =	shalt  }
0x5c: {  	_ =	shalt  }
0x5d: {  	_ =	shalt  }
0x5e: {  	_ =	shalt  }
0x5f: {  	_ =	shalt  }
0x60: {  	_ =	shalt  }
0x61: {  	_ =	shalt  }
0x62: {  	_ =	shalt  }
0x63: {  	_ =	shalt  }
0x64: {  	_ =	shalt  }
0x65: {  	_ =	shalt  }
0x66: {  	_ =	shalt  }
0x67: {  	_ =	shalt  }
0x68: {  	_ =	shalt  }
0x69: {  	_ =	shalt  }
0x6a: {  	_ =	shalt  }
0x6b: {  	_ =	shalt  }
0x6c: {  	_ =	shalt  }
0x6d: {  	_ =	shalt  }
0x6e: {  	_ =	shalt  }
0x6f: {  	_ =	shalt  }
0x70: {  	_ =	shalt  }
0x71: {  	_ =	shalt  }
0x72: {  	_ =	shalt  }
0x73: {  	_ =	shalt  }
0x74: {  	_ =	shalt  }
0x75: {  	_ =	shalt  }
0x76: {  	_ =	shalt  }
0x77: {  	_ =	shalt  }
0x78: {  	_ =	shalt  }
0x79: {  	_ =	shalt  }
0x7a: {  	_ =	shalt  }
0x7b: {  	_ =	shalt  }
0x7c: {  	_ =	shalt  }
0x7d: {  	_ =	shalt  }
0x7e: {  	_ =	shalt  }
0x7f: {  	_ =	shalt  }
0x80: {  	_ =	shalt  }
0x81: {  	_ =	shalt  }
0x82: {  	_ =	shalt  }
0x83: {  	_ =	shalt  }
0x84: {  	_ =	shalt  }
0x85: {  	_ =	shalt  }
0x86: {  	_ =	shalt  }
0x87: {  	_ =	shalt  }
.Lfunc_end0:
.L_simem_size_0:
called_computation_lowered:
.L_overlay_start_0:
0x88: {  	s2 =	sld [smem:$0x3FD9]  }
0x89: {  	s3 =	sld [smem:$0x3FFE];
	_ =	sdelay $0x1  }
0x8a: {  	s1 =	srdreg.scid  }
0x8b: {  	s0 =	sand.u32 $0x1, s1  }
0x8c: {  	s17 =	sshll.u32 s0, $0xA;
	s2 =	sadd.s32 s3, s2  }
0x8d: {  	s2 =	sadd.s32 s2, s17  }
0x8e: {  	[smem:$0x3FC6] =	sst s2  }
0x8f: {  	_ = 	snop  }
0x90: {  	(tm) =	ssettm $0x1  }
0x91: {  	s18 =	sld [smem:$0x3FFB];
	_ =	sdelay $0x3  }
0x92: {  	_ =	strace s18  }
0x93: {  	s2 =	sld [smem:$0x3FFC];
	_ =	sdelay $0x3  }
0x94: {  	_ =	strace s2  }
0x95: {  	s2 =	sld [smem:$0x3FFD];
	_ =	sdelay $0x3  }
0x96: {  	_ =	strace s2  }
0x97: {  	_ =	strace $0x8FFFFFFF  }
0x98: {  	s19 =	sld [smem:$0x3FDB];
	_ =	sdelay $0x1  }
0x99: {  	s20 =	simm.s32 $_scs_section_size  }
0x9a: {  	s4 =	simm.s32 $_size__tile_overlayer_lowered;
	s5 =	simm.s32 $_tile_overlayer_lowered  }
0x9b: {  	s6 =	simm.s32 $0x1BFF;
	s21 =	sshll.u32 s5, $0x1;
	s3 =	sadd.s32 s20, s19  }
0x9c: {  	s22 =	simm.s32 $0x0;
	s4 =	sshll.u32 s4, $0x1;
	s5 =	sadd.s32 s21, s3  }
0x9d: {  	[timem:s22], [sflag:s6] =	dma.local [hbm:s5], s4  }
0x9e: {  	_ =	swait.ge [sflag:s6], s4  }
0x9f: {  	s4 =	ssub.s32 $0x0, s4;
	[sflag:s6] =	ssyncset.done $0x0  }
0xa0: {  	[sflag:s6] =	ssyncadd.s32 s4;
	_ =	sdelay $0x1  }
0xa1: {  	s23 =	simm.s32 $0x1B8B  }
0xa2: {  	_ =	swait.ge [sflag:s23], $0x1  }
0xa3: {  	[sflag:s23] =	ssyncset.done $0x0  }
0xa4: {  	[sflag:s23] =	ssyncadd.s32 $0xFFFFFFFF  }
0xa5: {  	s4 =	sld [smem:$0x0]  }
0xa6: {  	s5 =	sand.u32 $0xFFFFFFFE, s1  }
0xa7: {  	p0 =	sne.s32 s1, s5  }
0xa8: {  	s5 =	sshll.u32 @p0 s5, $0xE  }
0xa9: {  	s5 =	sadd.s32 @p0 $0x11B8D, s5;
	s6 =	sshll.u32 @p0 s4, $0x11  }
0xaa: {  	s5 =	sor.u32 @p0 s6, s5  }
0xab: {  	[sflag:s5] =	ssyncadd.remote.s32 @p0 $0x1;
	_ =	sdelay $0x1  }
0xac: {  	s5 =	simm.s32 @p0 $0x1B8D  }
0xad: {  	_ =	swait.eq @p0 [sflag:s5], $0x1  }
0xae: {  	[sflag:s5] =	ssyncadd.s32 @p0 $0xFFFFFFFF  }
0xaf: {  	s6 =	sshll.u32 @!p0 s1, $0xE  }
0xb0: {  	s6 =	sor.u32 @!p0 $0x4000, s6;
	s5 =	simm.s32 @!p0 $0x1B8D  }
0xb1: {  	s4 =	sshll.u32 @!p0 s4, $0x11;
	s6 =	sadd.s32 @!p0 $0x11B8D, s6;
	_ =	swait.eq @!p0 [sflag:s5], $0x1  }
0xb2: {  	s4 =	sor.u32 @!p0 s4, s6;
	[sflag:s5] =	ssyncadd.s32 @!p0 $0xFFFFFFFF  }
0xb3: {  	s25 =	simm.s32 $0x1B8E;
	s24 =	sld [smem:$0x3FFE];
	[sflag:s4] =	ssyncadd.remote.s32 @!p0 $0x1  }
0xb4: {  	s26 =	simm.s32 $execute0_lowered;
	[smem:$0x3FD2] =	sst s25  }
0xb5: {  	s5 =	sshll.u32 s26, $0x1;
	_ =	strace $0x8000004F;
	[dreg:$0x1] =	wrdreg $0xFFFFFFFF  }
0xb6: {  	s28 =	simm.s32 $_size_execute0_lowered;
	s3 =	sadd.s32 s3, s5;
	[dreg:$0x0] =	wrdreg $0x0  }
0xb7: {  	s5 =	sshll.u32 s28, $0x1;
	[dreg:$0x2] =	wrdreg s3  }
0xb8: {  	[dreg:$0x3] =	wrdreg s5  }
0xb9: {  	[dreg:$0x4] =	wrdreg $0xC0  }
0xba: {  	_ =	task [dreg:s22], $0x5FFFF  }
0xbb: {  	[dreg:$0x1] =	wrdreg $0xFFFFFFFF  }
0xbc: {  	[dreg:$0x0] =	wrdreg $0x60  }
0xbd: {  	[dreg:$0x2] =	wrdreg s24  }
0xbe: {  	[dreg:$0x3] =	wrdreg $0x9  }
0xbf: {  	_ =	task.clear_ibuf [dreg:s22], $0x4FFFF;
	_ =	strace $0x9000004F  }
0xc0: {  	s29 =	simm.s32 $0x9;
	_ =	strace $0x80000051  }
0xc1: {  	_ =	swait.ge [sflag:s29], $0x1  }
0xc2: {  	[sflag:s29] =	ssyncadd.s32 $0xFFFFFFFF  }
0xc3: {  	_ =	strace $0x90000051  }
0xc4: {  	_ =	sfence  }
0xc5: {  	s30 =	sld [smem:$0x0];
	_ =	sdelay $0x2  }
0xc6: {  	s31 =	sshll.u32 s1, $0xD;
	s1 =	sshrl.u32 s1, $0x2  }
0xc7: {  	s4 =	sand.u32 $0x4000, s31;
	s1 =	sadd.s32 s1, s30  }
0xc8: {  	s0 =	sor.u32 s4, s0;
	s1 =	sshll.u32 s1, $0x11  }
0xc9: {  	s0 =	sor.u32 s1, s0  }
0xca: {  	s0 =	sadd.s32 $0x8F2B, s0  }
0xcb: {  	[sflag:s0] =	ssyncadd.remote.s32 $0x1  }
0xcc: {  	_ =	sfence.sel $0xFFFF  }
0xcd: {  	[dreg:$0x0] =	wrdreg $0xFFFFFFFF;
	(pc) =	sbr.abs _section_cstart, $3  }
0xce: {  	[dreg:$0x1] =	wrdreg $0xFFFFFFFF  }
0xcf: {  	_ =	task.clear_ibuf [dreg:s22], $0x2FFFF;
	_ =	strace $0x9FFFFFFF  }
0xd0: {  	(tm) =	ssettm $0x7FFFFFFF  }
0xd1: {  	_ =	shalt  }
tec
execute0_lowered:
.L_overlay_start_1:
0x0: {  	(tag) =	ssettag $0x1  }
0x1: {  	s5 =	rddreg [dreg:$0x0]  }
0x2: {  	s0 =	rddreg [dreg:$0x1]  }
0x3: {  	s3 =	srdreg.scid;
	s2 =	simm.s32 $0x0;
	s1 =	stileid.u32  }
0x4: {  	s10 =	simm.s32 $0x1;
	s11 =	simm.s32 $0x2000;
	s12 =	simm.s32 $0x4000  }
0x5: {  	s13 =	simm.s32 $0x2;
	s14 =	simm.s32 $0x3;
	s15 =	simm.s32 $0x0  }
0x6: {  	s6 =	sand.u32 $0x1, s3;
	[smem:$0x7FF] =	sst s2;
	s30 =	sshll.u32 s1, $0x6  }
0x7: {  	s4 =	sshll.u32 s6, $0x5;
	_ =	strace $0x80000050;
	s6 =	ssub.s32 $0x2, s6  }
0x8: {  	s3 =	sor.u32 s4, s30;
	s4 =	sadd.s32 $0x30DC00, s5;
	s31 =	sshrl.u32 s6, $0x1  }
0x9: {  	s7 =	sshll.u32 s3, $0x4;
	s8 =	sshll.u32 s3, $0xA;
	s9 =	ssub.s32 s6, s31  }
0xa: {  	s7 =	sadd.s32 s7, s5;
	s5 =	sadd.s32 s4, s8;
	s8 =	simm.s32 $0x80  }
0xb: {  	v0 =	vimm.f32 $9.999999680e+37;
	s6 =	sadd.s32 $0x40DC00, s7;
	s7 =	smax.u32 s9, $0x1;
	s9 =	simm.s32 $0x400  }
.LBB2_1:
0xc: {  	s16 =	simm.s32 $0x0;
	s17 =	simm.s32 $0x200  }
.LBB2_2:
0xd: {  	p0 =	sne.s32 s17, $0x3E00;
	[tilespmem:s16+$0x4070] =	vst v0  }
0xe: {  	[tilespmem:s16+$0x4000] =	vst v0  }
0xf: {  	[tilespmem:s16+$0x4010] =	vst v0  }
.Ltmp0:
0x10: {  	[tilespmem:s16+$0x4020] =	vst v0;
	(pc) =	sbr.rel @p0 .LBB2_2-.Ltmp0, $4  }
0x11: {  	[tilespmem:s16+$0x4030] =	vst v0  }
0x12: {  	[tilespmem:s16+$0x4040] =	vst v0  }
0x13: {  	[tilespmem:s16+$0x4050] =	vst v0  }
0x14: {  	[tilespmem:s16+$0x4060] =	vst v0;
	s16 =	sshra.s32 s17, $0x2;
	s17 =	sadd.s32 $0x200, s17  }
0x15: {  	[tilespmem:s16+$0x4070] =	vst v0  }
0x16: {  	[tilespmem:s16+$0x4000] =	vst v0  }
0x17: {  	[tilespmem:s16+$0x4010] =	vst v0  }
0x18: {  	[tilespmem:s16+$0x4020] =	vst v0  }
0x19: {  	[tilespmem:s16+$0x4030] =	vst v0  }
0x1a: {  	[tilespmem:s16+$0x4040] =	vst v0  }
0x1b: {  	[tilespmem:s16+$0x4050] =	vst v0  }
0x1c: {  	[tilespmem:s16+$0x4060] =	vst v0;
	s16 =	simm.s32 $0x0  }
0x1d: {  	[tilespmem:s16], [sflag:$0x1] =	stream.strided.gather [hbm4b:s5+s8], $0x2000, s9, s8, $0x38;
	[tilespmem:$0x5000] =	vst v63  }
.LBB2_4:
0x1e: {  	s18 =	sshll.u32 s16, $0x1;
	s17 =	sshllo.u32 s16, $0x1  }
0x1f: {  	s18 =	sor.u32 s3, s18;
	s19 =	sshll.u32 s17, $0x4  }
0x20: {  	_ =	swait.ge [sflag:s10], $0x2000;
	s20 =	sshll.u32 s18, $0xA;
	s19 =	sand.u32 $0x70, s19  }
0x21: {  	[sflag:s10] =	ssyncset.done $0x0;
	s20 =	sand.u32 $0xFE000, s20;
	s19 =	sadd.s32 s4, s19  }
0x22: {  	s30 =	simm.s32 $0x1000;
	[sflag:s10] =	ssyncadd.s32 $0xFFFFE000;
	s19 =	sadd.s32 s20, s19  }
0x23: {  	[tilespmem:s11], [sflag:$0x2] =	stream.strided.gather [hbm4b:s19+s8], $0x2000, s9, s8, $0x38;
	[tilespmem:$0x5000] =	vst v63  }
0x24: {  	v8 =	vld [tilespmem:s30+$0x70]  }
0x25: {  	v5 =	vld [tilespmem:s30+$0x0]  }
0x26: {  	v7 =	vld [tilespmem:s30+$0x10];
	_ =	sdelay $0x1  }
0x27: {  	v1 =	vld [tilespmem:s30+$0x20]  }
0x28: {  	s31 =	sshll.u32 s16, $0x8;
	v2 =	vld [tilespmem:s30+$0x30]  }
0x29: {  	v4 =	vmov s31;
	v3 =	vld [tilespmem:s30+$0x40];
	v6 =	vmax.f32 v8, $0.0e+00  }
0x2a: {  	vm0 =	vge.f32 v5, $0.0e+00;
	v9 =	vmax.f32 v5, $0.0e+00;
	v5 =	vld [tilespmem:s30+$0x50];
	v11 =	vmax.f32 v7, $0.0e+00  }
0x2b: {  	vm1 =	vge.f32 v8, $0.0e+00;
	v10 =	vtrunc.f32 v6;
	v9 =	vtrunc.f32 v9  }
0x2c: {  	v6 =	vld [tilespmem:s30+$0x60];
	v12 =	vtrunc.f32 v11;
	v11 =	vmax.f32 v1, $0.0e+00;
	v10 =	vcvt.f32.s32 v10  }
0x2d: {  	v9 =	vcvt.f32.s32 v9;
	v13 =	vtrunc.f32 v11;
	v11 =	vmax.f32 v2, $0.0e+00  }
0x2e: {  	v27 =	vcvt.f32.s32 v13;
	v14 =	vand.u32 $0xFFFFFF80, v10;
	v8 =	vand.u32 $0x7F, v10  }
0x2f: {  	v10 =	vadd.s32 v4, v14;
	v14 =	vmax.f32 v3, $0.0e+00;
	v15 =	vmax.f32 v5, $0.0e+00  }
0x30: {  	v26 =	vor.u32 v8, v10;
	v8 =	vtrunc.f32 v11;
	v10 =	vtrunc.f32 v14  }
0x31: {  	v11 =	vmax.f32 v6, $0.0e+00;
	v14 =	vand.u32 $0xFFFFFF80, v9;
	v17 =	vtrunc.f32 v15  }
0x32: {  	v28 =	vld [tilespmem:s30+$0xFFFFF070];
	v19 =	vtrunc.f32 v11;
	v15 =	vadd.s32 v4, v14;
	v14 =	vcvt.f32.s32 v12  }
0x33: {  	v13 =	vld [tilespmem:s30+$0xFFFFF030];
	v16 =	vand.u32 $0x7F, v9;
	v29 =	vcvt.f32.s32 v8;
	v30 =	vcvt.f32.s32 v10  }
0x34: {  	v11 =	vld [tilespmem:s30+$0xFFFFF010];
	v18 =	vcvt.f32.s32 v17;
	v10 =	vand.u32 $0xFFFFFF80, v27;
	v17 =	vcvt.f32.s32 v19  }
0x35: {  	v12 =	vld [tilespmem:s30+$0xFFFFF020];
	v24 =	vadd.s32 v4, v10;
	v9 =	vand.u32 $0xFFFFFF80, v14;
	v20 =	vand.u32 $0xFFFFFF80, v29  }
0x36: {  	v8 =	vld [tilespmem:s30+$0xFFFFF040];
	v21 =	vand.u32 $0xFFFFFF80, v30;
	v22 =	vand.u32 $0xFFFFFF80, v18;
	v25 =	vand.u32 $0x7F, v14  }
0x37: {  	v10 =	vld [tilespmem:s30+$0xFFFFF060];
	v19 =	vadd.s32 v4, v9;
	v31 =	vand.u32 $0xFFFFFF80, v17;
	v23 =	vadd.s32 v4, v20  }
0x38: {  	v14 =	vld [tilespmem:s30+$0xFFFFF000];
	v20 =	vadd.s32 v4, v21;
	v22 =	vadd.s32 v4, v22;
	v21 =	vadd.s32 v4, v31  }
0x39: {  	s20 =	simm.s32 $0x1080;
	s19 =	simm.s32 $0x0;
	v9 =	vld [tilespmem:s30+$0xFFFFF050];
	[tilespmem:v26+s12+$0x0] =	vst.idx.msk vm1, v28;
	v28 =	vand.u32 $0x7F, v27;
	v27 =	vand.u32 $0x7F, v29;
	v26 =	vand.u32 $0x7F, v30  }
.LBB2_5:
0x3a: {  	v29 =	vld [tilespmem:s20+$0x70];
	s19 =	sadd.s32 $0x8, s19;
	v15 =	vor.u32 v16, v15;
	v16 =	vand.u32 $0x7F, v18;
	v17 =	vand.u32 $0x7F, v17  }
0x3b: {  	v19 =	vor.u32 v25, v19;
	v24 =	vor.u32 v28, v24;
	v23 =	vor.u32 v27, v23;
	v18 =	vld [tilespmem:s20+$0x0];
	p0 =	slt.u32 s19, $0xF8  }
0x3c: {  	v20 =	vor.u32 v26, v20;
	v16 =	vor.u32 v16, v22;
	v17 =	vor.u32 v17, v21;
	v25 =	vld [tilespmem:s20+$0x10]  }
0x3d: {  	vm5 =	vge.f32 v7, $0.0e+00;
	vm6 =	vge.f32 v1, $0.0e+00;
	vm4 =	vge.f32 v2, $0.0e+00;
	v1 =	vld [tilespmem:s20+$0x20]  }
0x3e: {  	vm3 =	vge.f32 v3, $0.0e+00;
	vm2 =	vge.f32 v5, $0.0e+00;
	vm1 =	vge.f32 v6, $0.0e+00;
	v2 =	vld [tilespmem:s20+$0x30]  }
0x3f: {  	v3 =	vld [tilespmem:s20+$0x40];
	v6 =	vmax.f32 v29, $0.0e+00;
	[tilespmem:v15+s12+$0x0] =	vst.idx.msk vm0, v14  }
0x40: {  	vm0 =	vge.f32 v18, $0.0e+00;
	v21 =	vmax.f32 v18, $0.0e+00;
	v5 =	vld [tilespmem:s20+$0x50];
	v14 =	vtrunc.f32 v6  }
0x41: {  	v15 =	vtrunc.f32 v21;
	v18 =	vmax.f32 v25, $0.0e+00;
	v6 =	vld [tilespmem:s20+$0x60];
	v14 =	vcvt.f32.s32 v14;
	v7 =	vmovc v25  }
0x42: {  	v21 =	vcvt.f32.s32 v15;
	v15 =	vld [tilespmem:s20+$0xFFFFF010];
	v18 =	vtrunc.f32 v18;
	v22 =	vmax.f32 v1, $0.0e+00  }
0x43: {  	v25 =	vld [tilespmem:s20+$0xFFFFF020];
	v22 =	vtrunc.f32 v22;
	v26 =	vmax.f32 v2, $0.0e+00;
	v27 =	vand.u32 $0xFFFFFF80, v14;
	[tilespmem:v19+s12+$0x0] =	vst.idx.msk vm5, v11  }
0x44: {  	vm5 =	vge.f32 v29, $0.0e+00;
	v11 =	vand.u32 $0x7F, v14;
	v19 =	vld [tilespmem:s20+$0xFFFFF030];
	v14 =	vadd.s32 v4, v27;
	[tilespmem:v24+s12+$0x0] =	vst.idx.msk vm6, v12  }
0x45: {  	v12 =	vmax.f32 v3, $0.0e+00;
	v24 =	vmax.f32 v5, $0.0e+00;
	v27 =	vld [tilespmem:s20+$0xFFFFF070];
	v28 =	vor.u32 v11, v14;
	[tilespmem:v23+s12+$0x0] =	vst.idx.msk vm4, v13  }
0x46: {  	v13 =	vtrunc.f32 v26;
	v23 =	vtrunc.f32 v12;
	v14 =	vmax.f32 v6, $0.0e+00;
	[tilespmem:v20+s12+$0x0] =	vst.idx.msk vm3, v8;
	v8 =	vld [tilespmem:s20+$0xFFFFF040]  }
0x47: {  	v30 =	vand.u32 $0xFFFFFF80, v21;
	v20 =	vtrunc.f32 v24;
	v24 =	vtrunc.f32 v14;
	[tilespmem:v16+s12+$0x0] =	vst.idx.msk vm2, v9;
	v9 =	vld [tilespmem:s20+$0xFFFFF050];
	v11 =	vmovc v15  }
0x48: {  	v29 =	vcvt.f32.s32 v22;
	v26 =	vcvt.f32.s32 v18;
	v15 =	vadd.s32 v4, v30;
	[tilespmem:v17+s12+$0x0] =	vst.idx.msk vm1, v10;
	v10 =	vld [tilespmem:s20+$0xFFFFF060];
	v12 =	vmovc v25  }
0x49: {  	v31 =	vcvt.f32.s32 v23;
	v16 =	vand.u32 $0x7F, v21;
	v30 =	vcvt.f32.s32 v13;
	v14 =	vld [tilespmem:s20+$0xFFFFF000];
	v13 =	vmovc v19  }
0x4a: {  	v18 =	vcvt.f32.s32 v20;
	v17 =	vcvt.f32.s32 v24;
	v19 =	vand.u32 $0xFFFFFF80, v26;
	[tilespmem:v28+s12+$0x0] =	vst.idx.msk vm5, v27  }
.Ltmp1:
0x4b: {  	v20 =	vand.u32 $0xFFFFFF80, v29;
	v22 =	vand.u32 $0xFFFFFF80, v31;
	v21 =	vand.u32 $0xFFFFFF80, v30;
	(pc) =	sbr.rel @p0 .LBB2_5-.Ltmp1, $4  }
0x4c: {  	v19 =	vadd.s32 v4, v19;
	v27 =	vand.u32 $0xFFFFFF80, v18;
	v28 =	vand.u32 $0xFFFFFF80, v17  }
0x4d: {  	v24 =	vadd.s32 v4, v20;
	v20 =	vadd.s32 v4, v22;
	v23 =	vadd.s32 v4, v21  }
0x4e: {  	v25 =	vand.u32 $0x7F, v26;
	v22 =	vadd.s32 v4, v27;
	v21 =	vadd.s32 v4, v28  }
0x4f: {  	v26 =	vand.u32 $0x7F, v31;
	s20 =	sadd.s32 $0x80, s20;
	v28 =	vand.u32 $0x7F, v29;
	v27 =	vand.u32 $0x7F, v30  }
0x50: {  	v4 =	vor.u32 v16, v15;
	vm1 =	vge.f32 v7, $0.0e+00  }
0x51: {  	v7 =	vor.u32 v25, v19;
	vm2 =	vge.f32 v1, $0.0e+00  }
0x52: {  	v1 =	vor.u32 v28, v24;
	vm3 =	vge.f32 v2, $0.0e+00  }
0x53: {  	v2 =	vor.u32 v27, v23;
	vm4 =	vge.f32 v3, $0.0e+00  }
0x54: {  	v3 =	vand.u32 $0x7F, v18;
	v15 =	vor.u32 v26, v20;
	vm5 =	vge.f32 v5, $0.0e+00  }
0x55: {  	v5 =	vand.u32 $0x7F, v17;
	vm6 =	vge.f32 v6, $0.0e+00;
	v3 =	vor.u32 v3, v22;
	[tilespmem:v4+s12+$0x0] =	vst.idx.msk vm0, v14  }
0x56: {  	v4 =	vor.u32 v5, v21;
	[tilespmem:v7+s12+$0x0] =	vst.idx.msk vm1, v11  }
0x57: {  	[tilespmem:v1+s12+$0x0] =	vst.idx.msk vm2, v12  }
0x58: {  	[tilespmem:v2+s12+$0x0] =	vst.idx.msk vm3, v13  }
0x59: {  	p0 =	seq.s32 s16, $0xF;
	[tilespmem:v15+s12+$0x0] =	vst.idx.msk vm4, v8  }
0x5a: {  	s31 =	simm.s32 $0x3000;
	s18 =	sadd.s32 @!p0 $0x2, s18;
	[tilespmem:v3+s12+$0x0] =	vst.idx.msk vm5, v9  }
0x5b: {  	s20 =	simm.s32 @!p0 $0x400;
	s21 =	simm.s32 @!p0 $0x0;
	s19 =	sshll.u32 @!p0 s18, $0x4;
	[tilespmem:v4+s12+$0x0] =	vst.idx.msk vm6, v10  }
0x5c: {  	s18 =	sshll.u32 @!p0 s18, $0xA;
	s19 =	sand.u32 @!p0 $0x60, s19;
	_ =	swait.ge [sflag:s13], $0x2000  }
0x5d: {  	s18 =	sand.u32 @!p0 $0xFFFE000, s18;
	s19 =	sadd.s32 @!p0 s4, s19;
	[sflag:s13] =	ssyncset.done $0x0  }
0x5e: {  	s18 =	sadd.s32 @!p0 s18, s19;
	s19 =	simm.s32 @!p0 $0x80;
	[sflag:s13] =	ssyncadd.s32 $0xFFFFE000  }
0x5f: {  	[tilespmem:s21], [sflag:$0x1] =	stream.strided.gather @!p0 [hbm4b:s18+s19], $0x2000, s20, s19, $0x38;
	[tilespmem:$0x5000] =	vst v63  }
0x60: {  	v8 =	vld [tilespmem:s31+$0x70]  }
0x61: {  	v5 =	vld [tilespmem:s31+$0x0]  }
0x62: {  	v7 =	vld [tilespmem:s31+$0x10];
	_ =	sdelay $0x1  }
0x63: {  	v1 =	vld [tilespmem:s31+$0x20]  }
0x64: {  	s17 =	sshll.u32 s17, $0x7;
	v2 =	vld [tilespmem:s31+$0x30]  }
0x65: {  	v4 =	vmov s17;
	v3 =	vld [tilespmem:s31+$0x40];
	v6 =	vmax.f32 v8, $0.0e+00  }
0x66: {  	vm0 =	vge.f32 v5, $0.0e+00;
	v9 =	vmax.f32 v5, $0.0e+00;
	v5 =	vld [tilespmem:s31+$0x50];
	v11 =	vmax.f32 v7, $0.0e+00  }
0x67: {  	vm1 =	vge.f32 v8, $0.0e+00;
	v10 =	vtrunc.f32 v6;
	v9 =	vtrunc.f32 v9  }
0x68: {  	v6 =	vld [tilespmem:s31+$0x60];
	v12 =	vtrunc.f32 v11;
	v11 =	vmax.f32 v1, $0.0e+00;
	v10 =	vcvt.f32.s32 v10  }
0x69: {  	v9 =	vcvt.f32.s32 v9;
	v13 =	vtrunc.f32 v11;
	v11 =	vmax.f32 v2, $0.0e+00  }
0x6a: {  	v27 =	vcvt.f32.s32 v13;
	v14 =	vand.u32 $0xFFFFFF80, v10;
	v8 =	vand.u32 $0x7F, v10  }
0x6b: {  	v10 =	vadd.s32 v4, v14;
	v14 =	vmax.f32 v3, $0.0e+00;
	v15 =	vmax.f32 v5, $0.0e+00  }
0x6c: {  	v26 =	vor.u32 v8, v10;
	v8 =	vtrunc.f32 v11;
	v10 =	vtrunc.f32 v14  }
0x6d: {  	v11 =	vmax.f32 v6, $0.0e+00;
	v14 =	vand.u32 $0xFFFFFF80, v9;
	v17 =	vtrunc.f32 v15  }
0x6e: {  	v28 =	vld [tilespmem:s31+$0xFFFFF070];
	v19 =	vtrunc.f32 v11;
	v15 =	vadd.s32 v4, v14;
	v14 =	vcvt.f32.s32 v12  }
0x6f: {  	v13 =	vld [tilespmem:s31+$0xFFFFF030];
	v16 =	vand.u32 $0x7F, v9;
	v29 =	vcvt.f32.s32 v8;
	v30 =	vcvt.f32.s32 v10  }
0x70: {  	v11 =	vld [tilespmem:s31+$0xFFFFF010];
	v18 =	vcvt.f32.s32 v17;
	v10 =	vand.u32 $0xFFFFFF80, v27;
	v17 =	vcvt.f32.s32 v19  }
0x71: {  	v12 =	vld [tilespmem:s31+$0xFFFFF020];
	v24 =	vadd.s32 v4, v10;
	v9 =	vand.u32 $0xFFFFFF80, v14;
	v20 =	vand.u32 $0xFFFFFF80, v29  }
0x72: {  	v8 =	vld [tilespmem:s31+$0xFFFFF040];
	v21 =	vand.u32 $0xFFFFFF80, v30;
	v22 =	vand.u32 $0xFFFFFF80, v18;
	v25 =	vand.u32 $0x7F, v14  }
0x73: {  	v10 =	vld [tilespmem:s31+$0xFFFFF060];
	v19 =	vadd.s32 v4, v9;
	v31 =	vand.u32 $0xFFFFFF80, v17;
	v23 =	vadd.s32 v4, v20  }
0x74: {  	v14 =	vld [tilespmem:s31+$0xFFFFF000];
	v20 =	vadd.s32 v4, v21;
	v22 =	vadd.s32 v4, v22;
	v21 =	vadd.s32 v4, v31  }
0x75: {  	s17 =	simm.s32 $0x0;
	s18 =	simm.s32 $0x3080;
	v9 =	vld [tilespmem:s31+$0xFFFFF050];
	[tilespmem:v26+s12+$0x0] =	vst.idx.msk vm1, v28;
	v28 =	vand.u32 $0x7F, v27;
	v27 =	vand.u32 $0x7F, v29;
	v26 =	vand.u32 $0x7F, v30  }
.LBB2_7:
0x76: {  	v29 =	vld [tilespmem:s18+$0x70];
	s17 =	sadd.s32 $0x8, s17;
	v15 =	vor.u32 v16, v15;
	v16 =	vand.u32 $0x7F, v18;
	v17 =	vand.u32 $0x7F, v17  }
0x77: {  	v19 =	vor.u32 v25, v19;
	v24 =	vor.u32 v28, v24;
	v23 =	vor.u32 v27, v23;
	v18 =	vld [tilespmem:s18+$0x0];
	p0 =	slt.u32 s17, $0xF8  }
0x78: {  	v20 =	vor.u32 v26, v20;
	v16 =	vor.u32 v16, v22;
	v17 =	vor.u32 v17, v21;
	v25 =	vld [tilespmem:s18+$0x10]  }
0x79: {  	vm5 =	vge.f32 v7, $0.0e+00;
	vm6 =	vge.f32 v1, $0.0e+00;
	vm4 =	vge.f32 v2, $0.0e+00;
	v1 =	vld [tilespmem:s18+$0x20]  }
0x7a: {  	vm3 =	vge.f32 v3, $0.0e+00;
	vm2 =	vge.f32 v5, $0.0e+00;
	vm1 =	vge.f32 v6, $0.0e+00;
	v2 =	vld [tilespmem:s18+$0x30]  }
0x7b: {  	v3 =	vld [tilespmem:s18+$0x40];
	v6 =	vmax.f32 v29, $0.0e+00;
	[tilespmem:v15+s12+$0x0] =	vst.idx.msk vm0, v14  }
0x7c: {  	vm0 =	vge.f32 v18, $0.0e+00;
	v21 =	vmax.f32 v18, $0.0e+00;
	v5 =	vld [tilespmem:s18+$0x50];
	v14 =	vtrunc.f32 v6  }
0x7d: {  	v15 =	vtrunc.f32 v21;
	v18 =	vmax.f32 v25, $0.0e+00;
	v6 =	vld [tilespmem:s18+$0x60];
	v14 =	vcvt.f32.s32 v14;
	v7 =	vmovc v25  }
0x7e: {  	v21 =	vcvt.f32.s32 v15;
	v15 =	vld [tilespmem:s18+$0xFFFFF010];
	v18 =	vtrunc.f32 v18;
	v22 =	vmax.f32 v1, $0.0e+00  }
0x7f: {  	v25 =	vld [tilespmem:s18+$0xFFFFF020];
	v22 =	vtrunc.f32 v22;
	v26 =	vmax.f32 v2, $0.0e+00;
	v27 =	vand.u32 $0xFFFFFF80, v14;
	[tilespmem:v19+s12+$0x0] =	vst.idx.msk vm5, v11  }
0x80: {  	vm5 =	vge.f32 v29, $0.0e+00;
	v11 =	vand.u32 $0x7F, v14;
	v19 =	vld [tilespmem:s18+$0xFFFFF030];
	v14 =	vadd.s32 v4, v27;
	[tilespmem:v24+s12+$0x0] =	vst.idx.msk vm6, v12  }
0x81: {  	v12 =	vmax.f32 v3, $0.0e+00;
	v24 =	vmax.f32 v5, $0.0e+00;
	v27 =	vld [tilespmem:s18+$0xFFFFF070];
	v28 =	vor.u32 v11, v14;
	[tilespmem:v23+s12+$0x0] =	vst.idx.msk vm4, v13  }
0x82: {  	v13 =	vtrunc.f32 v26;
	v23 =	vtrunc.f32 v12;
	v14 =	vmax.f32 v6, $0.0e+00;
	[tilespmem:v20+s12+$0x0] =	vst.idx.msk vm3, v8;
	v8 =	vld [tilespmem:s18+$0xFFFFF040]  }
0x83: {  	v30 =	vand.u32 $0xFFFFFF80, v21;
	v20 =	vtrunc.f32 v24;
	v24 =	vtrunc.f32 v14;
	[tilespmem:v16+s12+$0x0] =	vst.idx.msk vm2, v9;
	v9 =	vld [tilespmem:s18+$0xFFFFF050];
	v11 =	vmovc v15  }
0x84: {  	v29 =	vcvt.f32.s32 v22;
	v26 =	vcvt.f32.s32 v18;
	v15 =	vadd.s32 v4, v30;
	[tilespmem:v17+s12+$0x0] =	vst.idx.msk vm1, v10;
	v10 =	vld [tilespmem:s18+$0xFFFFF060];
	v12 =	vmovc v25  }
0x85: {  	v31 =	vcvt.f32.s32 v23;
	v16 =	vand.u32 $0x7F, v21;
	v30 =	vcvt.f32.s32 v13;
	v14 =	vld [tilespmem:s18+$0xFFFFF000];
	v13 =	vmovc v19  }
0x86: {  	v18 =	vcvt.f32.s32 v20;
	v17 =	vcvt.f32.s32 v24;
	v19 =	vand.u32 $0xFFFFFF80, v26;
	[tilespmem:v28+s12+$0x0] =	vst.idx.msk vm5, v27  }
.Ltmp2:
0x87: {  	v20 =	vand.u32 $0xFFFFFF80, v29;
	v22 =	vand.u32 $0xFFFFFF80, v31;
	v21 =	vand.u32 $0xFFFFFF80, v30;
	(pc) =	sbr.rel @p0 .LBB2_7-.Ltmp2, $4  }
0x88: {  	v19 =	vadd.s32 v4, v19;
	v27 =	vand.u32 $0xFFFFFF80, v18;
	v28 =	vand.u32 $0xFFFFFF80, v17  }
0x89: {  	v24 =	vadd.s32 v4, v20;
	v20 =	vadd.s32 v4, v22;
	v23 =	vadd.s32 v4, v21  }
0x8a: {  	v25 =	vand.u32 $0x7F, v26;
	v22 =	vadd.s32 v4, v27;
	v21 =	vadd.s32 v4, v28  }
0x8b: {  	v26 =	vand.u32 $0x7F, v31;
	s18 =	sadd.s32 $0x80, s18;
	v28 =	vand.u32 $0x7F, v29;
	v27 =	vand.u32 $0x7F, v30  }
0x8c: {  	v4 =	vor.u32 v16, v15;
	vm1 =	vge.f32 v7, $0.0e+00  }
0x8d: {  	v60 =	vor.u32 v25, v19;
	vm2 =	vge.f32 v1, $0.0e+00  }
0x8e: {  	v1 =	vor.u32 v28, v24;
	vm3 =	vge.f32 v2, $0.0e+00  }
0x8f: {  	v2 =	vor.u32 v27, v23;
	vm4 =	vge.f32 v3, $0.0e+00  }
0x90: {  	v3 =	vand.u32 $0x7F, v18;
	v61 =	vor.u32 v26, v20;
	vm5 =	vge.f32 v5, $0.0e+00  }
0x91: {  	v62 =	vand.u32 $0x7F, v17;
	vm6 =	vge.f32 v6, $0.0e+00;
	s16 =	sadd.s32 $0x1, s16;
	v3 =	vor.u32 v3, v22;
	[tilespmem:v4+s12+$0x0] =	vst.idx.msk vm0, v14  }
0x92: {  	v63 =	vor.u32 v62, v21;
	p0 =	sne.s32 s16, $0x10;
	[tilespmem:v60+s12+$0x0] =	vst.idx.msk vm1, v11  }
.Ltmp3:
0x93: {  	[tilespmem:v1+s12+$0x0] =	vst.idx.msk vm2, v12;
	(pc) =	sbr.rel @p0 .LBB2_4-.Ltmp3, $4  }
0x94: {  	[tilespmem:v2+s12+$0x0] =	vst.idx.msk vm3, v13  }
0x95: {  	[tilespmem:v61+s12+$0x0] =	vst.idx.msk vm4, v8  }
0x96: {  	[tilespmem:v3+s12+$0x0] =	vst.idx.msk vm5, v9  }
0x97: {  	[tilespmem:v63+s12+$0x0] =	vst.idx.msk vm6, v10  }
0x98: {  	s15 =	sadd.s32 $0x1, s15  }
0x99: {  	p0 =	sne.s32 s15, s7  }
.Ltmp4:
0x9a: {  	_ = 	snop;
	(pc) =	sbr.rel @p0 .LBB2_1-.Ltmp4, $4  }
0x9b: {  	[hbm4b:s6+s2] =	stream.linear.scatter [tilespmem:s12], [sflag:$0x3], $0x1000, $0x38;
	[tilespmem:$0x5000] =	vst v63  }
0x9c: {  	_ =	swait.ge [sflag:s14], $0x1000  }
0x9d: {  	[sflag:s14] =	ssyncset.done $0x0  }
0x9e: {  	[sflag:s14] =	ssyncadd.s32 $0xFFFFF000  }
0x9f: {  	_ =	sfence.sel $0x180000  }
0xa0: {  	[bflag:$0x0] =	sbarrier.arrive $0xFFFF  }
0xa1: {  	p0 =	sne.s32 s1, $0x0;
	_ =	strace $0x90000050  }
0xa2: {  	s0 =	sadd.s32 @!p0 $0x100000, s0;
	[bflag:$0x2] =	sbarrier.arrive $0xFFFF  }
0xa3: {  	[sflag:s0] =	ssyncadd.tile.s32 @!p0 $0x1;
	_ =	shalt  }
.Lfunc_end2:
_tile_overlayer_lowered:
.L_overlay_start_2:
0xa4: {  	(tag) =	ssettag $0x2  }
0xa5: {  	s0 =	rddreg [dreg:$0x0];
	s2 =	stileid.u32  }
0xa6: {  	s1 =	rddreg [dreg:$0x1];
	p0 =	sne.s32 s2, $0x0  }
0xa7: {  	s3 =	rddreg [dreg:$0x2];
	[bflag:$0x3] =	sbarrier.arrive $0xFFFF;
	s2 =	simm.s32 @!p0 $0x1C03  }
0xa8: {  	[timem:s3], [sflag:s2] =	dma.local @!p0 [hbm:s0], s1  }
0xa9: {  	s0 =	simm.s32 @!p0 $0x3  }
0xaa: {  	_ =	swait.ge @!p0 [sflag:s0], s1  }
0xab: {  	s1 =	ssub.s32 @!p0 $0x0, s1;
	[sflag:s0] =	ssyncset.done @!p0 $0x0  }
0xac: {  	[sflag:s0] =	ssyncadd.s32 @!p0 s1  }
0xad: {  	[bflag:$0x3] =	sbarrier.arrive $0xFFFF  }
0xae: {  	_ =	shalt  }

// kernel: kernel.17.cloned.1.call-start
scs
__scs_entry_jumppad:
0x0: {  	(pc) =	sbr.rel $0x88, $3  }
0x1: {  	(tag) =	ssettag $0x0;
	lr =	simm.s32 $0x1  }
0x2: {  	[smem:$0x3F9F] =	sst lr;
	_ =	strace $0xD0000000  }
0x3: {  	_ = 	snop  }
0x4: {  	_ = 	snop  }
0x5: {  	_ = 	snop  }
0x6: {  	_ = 	snop  }
0x7: {  	_ = 	snop  }
__scs_overlays_trampoline_lowered:
0x8: {  	[smem:$0x3FAE] =	sst s0  }
0x9: {  	[smem:$0x3FAF] =	sst s1  }
0xa: {  	[smem:$0x3FB0] =	sst s2  }
0xb: {  	[smem:$0x3FB1] =	sst s3  }
0xc: {  	[smem:$0x3FB2] =	sst s4  }
0xd: {  	[smem:$0x3FB3] =	sst s5  }
0xe: {  	[smem:$0x3FB4] =	sst s6  }
0xf: {  	[smem:$0x3FB5] =	sst s7  }
0x10: {  	[smem:$0x3FB6] =	sst s8  }
0x11: {  	[smem:$0x3FB7] =	sst s9;
	s0 =	simm.s32 @!p0 $0x0  }
0x12: {  	s1 =	sld [smem:$0x3F9D];
	s0 =	simm.s32 @p0 $0x1  }
0x13: {  	[smem:$0x3FB8] =	sst s0;
	s0 =	simm.s32 @!p1 $0x0  }
0x14: {  	s2 =	sld [smem:$0x3F9C];
	s0 =	simm.s32 @p1 $0x1  }
0x15: {  	[smem:$0x3FB9] =	sst s0;
	s0 =	simm.s32 @!p2 $0x0  }
0x16: {  	s3 =	sld [smem:$0x3FDB];
	s0 =	simm.s32 @p2 $0x1  }
0x17: {  	s4 =	simm.s32 $0x1BF5;
	[smem:$0x3FBB] =	sst s0  }
0x18: {  	s0 =	sld [smem:$0x3F9E];
	_ =	swait.ge [sflag:s4], $0x0  }
0x19: {  	s7 =	sld [smem:$0x3F9F]  }
0x1a: {  	s8 =	sadd.s32 $0xFFFFE003, lr  }
0x1b: {  	s9 =	sadd.s32 $0xFFFFFEF7, lr;
	s5 =	simm.s32 $0xFFFFFFFF;
	p2 =	slt.u32 s8, $0xFFFFF086  }
0x1c: {  	p1 =	slt.u32 s9, $0xF7A;
	s5 =	simm.s32 @!p2 $0x0  }
0x1d: {  	s5 =	simm.s32 @p1 $0x1;
	p0 =	seq.s32 s7, s2  }
0x1e: {  	s7 =	smul.u32 @!p0 $0xF7A, s2;
	p2 =	seq.s32 @!p0 s5, $0x0  }
0x1f: {  	s9 =	smul.u32 $0xF7A, s1;
	s8 =	simm.s32 @!p0 $0x1BF5;
	p2 =	por !p2, p0  }
0x20: {  	[sflag:s8] =	ssyncset.s32 @!p0 $0xFFFFF086;
	s6 =	sadd.s32 @!p0 s3, s7;
	s7 =	simm.s32 @!p0 $0x108  }
0x21: {  	s3 =	sadd.s32 s3, s9;
	s6 =	sadd.s32 @!p0 $0x88, s6;
	s7 =	simm.s32 @p2 $0x1082  }
0x22: {  	[simem:s7], [sflag:s8] =	dma.local @!p0 [hbm:s6], $0xF7A  }
0x23: {  	s9 =	sor.u32 $0xD0000000, s2;
	s6 =	simm.s32 $0x108;
	_ =	swait.ge @!p0 [sflag:s8], $0x0  }
0x24: {  	s3 =	sadd.s32 $0x88, s3;
	s6 =	simm.s32 @!p1 $0x1082;
	[sflag:s4] =	ssyncset.s32 $0xFFFFF086  }
0x25: {  	[simem:s6], [sflag:s4] =	dma.local [hbm:s3], $0xF7A  }
0x26: {  	[smem:$0x3F9F] =	sst s1;
	(tag) =	ssettag s2;
	_ =	strace s9  }
0x27: {  	s1 =	sld [smem:$0x3FAF]  }
0x28: {  	s2 =	sld [smem:$0x3FB0]  }
0x29: {  	s4 =	sld [smem:$0x3FB2]  }
0x2a: {  	p0 =	seq.s32 s5, $0x0;
	s5 =	sld [smem:$0x3FB3]  }
0x2b: {  	s6 =	sld [smem:$0x3FB4]  }
0x2c: {  	s7 =	sld [smem:$0x3FB5]  }
0x2d: {  	s3 =	simm.s32 $0x108;
	s8 =	sld [smem:$0x3FB6]  }
0x2e: {  	s3 =	simm.s32 @!p0 $0x1082;
	s9 =	sld [smem:$0x3FB7]  }
0x2f: {  	lr =	sadd.s32 s0, s3;
	s0 =	sld [smem:$0x3FAE]  }
0x30: {  	s3 =	sld [smem:$0x3FB1]  }
0x31: {  	[smem:$0x3FBA] =	sst s10  }
0x32: {  	s10 =	sld [smem:$0x3FB8];
	_ =	sdelay $0x3  }
0x33: {  	p0 =	seq.s32 s10, $0x1;
	s10 =	sld [smem:$0x3FBA];
	_ =	sdelay $0x3  }
0x34: {  	[smem:$0x3FBA] =	sst s10  }
0x35: {  	s10 =	sld [smem:$0x3FB9];
	_ =	sdelay $0x3  }
0x36: {  	p1 =	seq.s32 s10, $0x1;
	s10 =	sld [smem:$0x3FBA];
	_ =	sdelay $0x3  }
0x37: {  	[smem:$0x3FBA] =	sst s10  }
0x38: {  	s10 =	sld [smem:$0x3FBB]  }
0x39: {  	_ = 	snop;
	(pc) =	sbr.ind lr, $3  }
0x3a: {  	_ = 	snop  }
0x3b: {  	_ = 	snop  }
0x3c: {  	p2 =	seq.s32 s10, $0x1;
	s10 =	sld [smem:$0x3FBA]  }
0x3d: {  	_ =	shalt  }
0x3e: {  	_ =	shalt  }
0x3f: {  	_ =	shalt  }
0x40: {  	_ =	shalt  }
0x41: {  	_ =	shalt  }
0x42: {  	_ =	shalt  }
0x43: {  	_ =	shalt  }
0x44: {  	_ =	shalt  }
0x45: {  	_ =	shalt  }
0x46: {  	_ =	shalt  }
0x47: {  	_ =	shalt  }
0x48: {  	_ =	shalt  }
0x49: {  	_ =	shalt  }
0x4a: {  	_ =	shalt  }
0x4b: {  	_ =	shalt  }
0x4c: {  	_ =	shalt  }
0x4d: {  	_ =	shalt  }
0x4e: {  	_ =	shalt  }
0x4f: {  	_ =	shalt  }
0x50: {  	_ =	shalt  }
0x51: {  	_ =	shalt  }
0x52: {  	_ =	shalt  }
0x53: {  	_ =	shalt  }
0x54: {  	_ =	shalt  }
0x55: {  	_ =	shalt  }
0x56: {  	_ =	shalt  }
0x57: {  	_ =	shalt  }
0x58: {  	_ =	shalt  }
0x59: {  	_ =	shalt  }
0x5a: {  	_ =	shalt  }
0x5b: {  	_ =	shalt  }
0x5c: {  	_ =	shalt  }
0x5d: {  	_ =	shalt  }
0x5e: {  	_ =	shalt  }
0x5f: {  	_ =	shalt  }
0x60: {  	_ =	shalt  }
0x61: {  	_ =	shalt  }
0x62: {  	_ =	shalt  }
0x63: {  	_ =	shalt  }
0x64: {  	_ =	shalt  }
0x65: {  	_ =	shalt  }
0x66: {  	_ =	shalt  }
0x67: {  	_ =	shalt  }
0x68: {  	_ =	shalt  }
0x69: {  	_ =	shalt  }
0x6a: {  	_ =	shalt  }
0x6b: {  	_ =	shalt  }
0x6c: {  	_ =	shalt  }
0x6d: {  	_ =	shalt  }
0x6e: {  	_ =	shalt  }
0x6f: {  	_ =	shalt  }
0x70: {  	_ =	shalt  }
0x71: {  	_ =	shalt  }
0x72: {  	_ =	shalt  }
0x73: {  	_ =	shalt  }
0x74: {  	_ =	shalt  }
0x75: {  	_ =	shalt  }
0x76: {  	_ =	shalt  }
0x77: {  	_ =	shalt  }
0x78: {  	_ =	shalt  }
0x79: {  	_ =	shalt  }
0x7a: {  	_ =	shalt  }
0x7b: {  	_ =	shalt  }
0x7c: {  	_ =	shalt  }
0x7d: {  	_ =	shalt  }
0x7e: {  	_ =	shalt  }
0x7f: {  	_ =	shalt  }
0x80: {  	_ =	shalt  }
0x81: {  	_ =	shalt  }
0x82: {  	_ =	shalt  }
0x83: {  	_ =	shalt  }
0x84: {  	_ =	shalt  }
0x85: {  	_ =	shalt  }
0x86: {  	_ =	shalt  }
0x87: {  	_ =	shalt  }
.Lfunc_end0:
.L_simem_size_0:
called_computation.1_lowered:
.L_overlay_start_0:
0x88: {  	s2 =	sld [smem:$0x3FD9]  }
0x89: {  	s3 =	sld [smem:$0x3FFE];
	_ =	sdelay $0x1  }
0x8a: {  	s1 =	srdreg.scid  }
0x8b: {  	s0 =	sand.u32 $0x1, s1  }
0x8c: {  	s17 =	sshll.u32 s0, $0xA;
	s2 =	sadd.s32 s3, s2  }
0x8d: {  	s2 =	sadd.s32 s2, s17  }
0x8e: {  	[smem:$0x3FC6] =	sst s2  }
0x8f: {  	_ = 	snop  }
0x90: {  	(tm) =	ssettm $0x1  }
0x91: {  	s18 =	sld [smem:$0x3FFB];
	_ =	sdelay $0x3  }
0x92: {  	_ =	strace s18  }
0x93: {  	s2 =	sld [smem:$0x3FFC];
	_ =	sdelay $0x3  }
0x94: {  	_ =	strace s2  }
0x95: {  	s2 =	sld [smem:$0x3FFD];
	_ =	sdelay $0x3  }
0x96: {  	_ =	strace s2  }
0x97: {  	_ =	strace $0x8FFFFFFF  }
0x98: {  	s19 =	sld [smem:$0x3FDB];
	_ =	sdelay $0x1  }
0x99: {  	s20 =	simm.s32 $_scs_section_size  }
0x9a: {  	s4 =	simm.s32 $_size__tile_overlayer_lowered;
	s5 =	simm.s32 $_tile_overlayer_lowered  }
0x9b: {  	s6 =	simm.s32 $0x1BFF;
	s21 =	sshll.u32 s5, $0x1;
	s3 =	sadd.s32 s20, s19  }
0x9c: {  	s22 =	simm.s32 $0x0;
	s4 =	sshll.u32 s4, $0x1;
	s5 =	sadd.s32 s21, s3  }
0x9d: {  	[timem:s22], [sflag:s6] =	dma.local [hbm:s5], s4  }
0x9e: {  	_ =	swait.ge [sflag:s6], s4  }
0x9f: {  	s4 =	ssub.s32 $0x0, s4;
	[sflag:s6] =	ssyncset.done $0x0  }
0xa0: {  	[sflag:s6] =	ssyncadd.s32 s4;
	_ =	sdelay $0x1  }
0xa1: {  	s23 =	simm.s32 $0x1B8B  }
0xa2: {  	_ =	swait.ge [sflag:s23], $0x1  }
0xa3: {  	[sflag:s23] =	ssyncset.done $0x0  }
0xa4: {  	[sflag:s23] =	ssyncadd.s32 $0xFFFFFFFF  }
0xa5: {  	s4 =	sld [smem:$0x0]  }
0xa6: {  	s5 =	sand.u32 $0xFFFFFFFE, s1  }
0xa7: {  	p0 =	sne.s32 s1, s5  }
0xa8: {  	s5 =	sshll.u32 @p0 s5, $0xE  }
0xa9: {  	s5 =	sadd.s32 @p0 $0x11B8D, s5;
	s6 =	sshll.u32 @p0 s4, $0x11  }
0xaa: {  	s5 =	sor.u32 @p0 s6, s5  }
0xab: {  	[sflag:s5] =	ssyncadd.remote.s32 @p0 $0x1;
	_ =	sdelay $0x1  }
0xac: {  	s5 =	simm.s32 @p0 $0x1B8D  }
0xad: {  	_ =	swait.eq @p0 [sflag:s5], $0x1  }
0xae: {  	[sflag:s5] =	ssyncadd.s32 @p0 $0xFFFFFFFF  }
0xaf: {  	s6 =	sshll.u32 @!p0 s1, $0xE  }
0xb0: {  	s6 =	sor.u32 @!p0 $0x4000, s6;
	s5 =	simm.s32 @!p0 $0x1B8D  }
0xb1: {  	s4 =	sshll.u32 @!p0 s4, $0x11;
	s6 =	sadd.s32 @!p0 $0x11B8D, s6;
	_ =	swait.eq @!p0 [sflag:s5], $0x1  }
0xb2: {  	s4 =	sor.u32 @!p0 s4, s6;
	[sflag:s5] =	ssyncadd.s32 @!p0 $0xFFFFFFFF  }
0xb3: {  	s25 =	simm.s32 $0x1B8E;
	s24 =	sld [smem:$0x3FFE];
	[sflag:s4] =	ssyncadd.remote.s32 @!p0 $0x1  }
0xb4: {  	s26 =	simm.s32 $execute0_lowered;
	[smem:$0x3FD2] =	sst s25  }
0xb5: {  	s5 =	sshll.u32 s26, $0x1;
	_ =	strace $0x8000004C;
	[dreg:$0x1] =	wrdreg $0xFFFFFFFF  }
0xb6: {  	s28 =	simm.s32 $_size_execute0_lowered;
	s3 =	sadd.s32 s3, s5;
	[dreg:$0x0] =	wrdreg $0x0  }
0xb7: {  	s5 =	sshll.u32 s28, $0x1;
	[dreg:$0x2] =	wrdreg s3  }
0xb8: {  	[dreg:$0x3] =	wrdreg s5  }
0xb9: {  	[dreg:$0x4] =	wrdreg $0xC0  }
0xba: {  	_ =	task [dreg:s22], $0x5FFFF  }
0xbb: {  	[dreg:$0x1] =	wrdreg $0xFFFFFFFF  }
0xbc: {  	[dreg:$0x0] =	wrdreg $0x60  }
0xbd: {  	[dreg:$0x2] =	wrdreg s24  }
0xbe: {  	[dreg:$0x3] =	wrdreg $0xA  }
0xbf: {  	_ =	task.clear_ibuf [dreg:s22], $0x4FFFF;
	_ =	strace $0x9000004C  }
0xc0: {  	s29 =	simm.s32 $0xA;
	_ =	strace $0x8000004E  }
0xc1: {  	_ =	swait.ge [sflag:s29], $0x1  }
0xc2: {  	[sflag:s29] =	ssyncadd.s32 $0xFFFFFFFF  }
0xc3: {  	_ =	strace $0x9000004E  }
0xc4: {  	_ =	sfence  }
0xc5: {  	s30 =	sld [smem:$0x0];
	_ =	sdelay $0x2  }
0xc6: {  	s31 =	sshll.u32 s1, $0xD;
	s1 =	sshrl.u32 s1, $0x2  }
0xc7: {  	s4 =	sand.u32 $0x4000, s31;
	s1 =	sadd.s32 s1, s30  }
0xc8: {  	s0 =	sor.u32 s4, s0;
	s1 =	sshll.u32 s1, $0x11  }
0xc9: {  	s0 =	sor.u32 s1, s0  }
0xca: {  	s0 =	sadd.s32 $0x8F2B, s0  }
0xcb: {  	[sflag:s0] =	ssyncadd.remote.s32 $0x1  }
0xcc: {  	_ =	sfence.sel $0xFFFF  }
0xcd: {  	[dreg:$0x0] =	wrdreg $0xFFFFFFFF;
	(pc) =	sbr.abs _section_cstart, $3  }
0xce: {  	[dreg:$0x1] =	wrdreg $0xFFFFFFFF  }
0xcf: {  	_ =	task.clear_ibuf [dreg:s22], $0x2FFFF;
	_ =	strace $0x9FFFFFFF  }
0xd0: {  	(tm) =	ssettm $0x7FFFFFFF  }
0xd1: {  	_ =	shalt  }
tec
execute0_lowered:
.L_overlay_start_1:
0x0: {  	(tag) =	ssettag $0x1  }
0x1: {  	s5 =	rddreg [dreg:$0x0]  }
0x2: {  	s0 =	rddreg [dreg:$0x1]  }
0x3: {  	s3 =	srdreg.scid;
	s2 =	simm.s32 $0x0;
	s1 =	stileid.u32  }
0x4: {  	s10 =	simm.s32 $0x1;
	s11 =	simm.s32 $0x2000;
	s12 =	simm.s32 $0x4000  }
0x5: {  	s13 =	simm.s32 $0x2;
	s14 =	simm.s32 $0x3;
	s15 =	simm.s32 $0x0  }
0x6: {  	s6 =	sand.u32 $0x1, s3;
	[smem:$0x7FF] =	sst s2;
	s30 =	sshll.u32 s1, $0x6  }
0x7: {  	s4 =	sshll.u32 s6, $0x5;
	_ =	strace $0x8000004D;
	s6 =	ssub.s32 $0x2, s6  }
0x8: {  	s3 =	sor.u32 s4, s30;
	s4 =	sadd.s32 $0x209C00, s5;
	s31 =	sshrl.u32 s6, $0x1  }
0x9: {  	s7 =	sshll.u32 s3, $0x4;
	s8 =	sshll.u32 s3, $0xA;
	s9 =	ssub.s32 s6, s31  }
0xa: {  	s7 =	sadd.s32 s7, s5;
	s5 =	sadd.s32 s4, s8;
	s8 =	simm.s32 $0x80  }
0xb: {  	v0 =	vimm.f32 $9.999999680e+37;
	s6 =	sadd.s32 $0x309C00, s7;
	s7 =	smax.u32 s9, $0x1;
	s9 =	simm.s32 $0x400  }
.LBB2_1:
0xc: {  	s16 =	simm.s32 $0x0;
	s17 =	simm.s32 $0x200  }
.LBB2_2:
0xd: {  	p0 =	sne.s32 s17, $0x3E00;
	[tilespmem:s16+$0x4070] =	vst v0  }
0xe: {  	[tilespmem:s16+$0x4000] =	vst v0  }
0xf: {  	[tilespmem:s16+$0x4010] =	vst v0  }
.Ltmp0:
0x10: {  	[tilespmem:s16+$0x4020] =	vst v0;
	(pc) =	sbr.rel @p0 .LBB2_2-.Ltmp0, $4  }
0x11: {  	[tilespmem:s16+$0x4030] =	vst v0  }
0x12: {  	[tilespmem:s16+$0x4040] =	vst v0  }
0x13: {  	[tilespmem:s16+$0x4050] =	vst v0  }
0x14: {  	[tilespmem:s16+$0x4060] =	vst v0;
	s16 =	sshra.s32 s17, $0x2;
	s17 =	sadd.s32 $0x200, s17  }
0x15: {  	[tilespmem:s16+$0x4070] =	vst v0  }
0x16: {  	[tilespmem:s16+$0x4000] =	vst v0  }
0x17: {  	[tilespmem:s16+$0x4010] =	vst v0  }
0x18: {  	[tilespmem:s16+$0x4020] =	vst v0  }
0x19: {  	[tilespmem:s16+$0x4030] =	vst v0  }
0x1a: {  	[tilespmem:s16+$0x4040] =	vst v0  }
0x1b: {  	[tilespmem:s16+$0x4050] =	vst v0  }
0x1c: {  	[tilespmem:s16+$0x4060] =	vst v0;
	s16 =	simm.s32 $0x0  }
0x1d: {  	[tilespmem:s16], [sflag:$0x1] =	stream.strided.gather [hbm4b:s5+s8], $0x2000, s9, s8, $0x38;
	[tilespmem:$0x5000] =	vst v63  }
.LBB2_4:
0x1e: {  	s18 =	sshll.u32 s16, $0x1;
	s17 =	sshllo.u32 s16, $0x1  }
0x1f: {  	s18 =	sor.u32 s3, s18;
	s19 =	sshll.u32 s17, $0x4  }
0x20: {  	_ =	swait.ge [sflag:s10], $0x2000;
	s20 =	sshll.u32 s18, $0xA;
	s19 =	sand.u32 $0x70, s19  }
0x21: {  	[sflag:s10] =	ssyncset.done $0x0;
	s20 =	sand.u32 $0xFE000, s20;
	s19 =	sadd.s32 s4, s19  }
0x22: {  	s30 =	simm.s32 $0x1000;
	[sflag:s10] =	ssyncadd.s32 $0xFFFFE000;
	s19 =	sadd.s32 s20, s19  }
0x23: {  	[tilespmem:s11], [sflag:$0x2] =	stream.strided.gather [hbm4b:s19+s8], $0x2000, s9, s8, $0x38;
	[tilespmem:$0x5000] =	vst v63  }
0x24: {  	v8 =	vld [tilespmem:s30+$0x70]  }
0x25: {  	v5 =	vld [tilespmem:s30+$0x0]  }
0x26: {  	v7 =	vld [tilespmem:s30+$0x10];
	_ =	sdelay $0x1  }
0x27: {  	v1 =	vld [tilespmem:s30+$0x20]  }
0x28: {  	s31 =	sshll.u32 s16, $0x8;
	v2 =	vld [tilespmem:s30+$0x30]  }
0x29: {  	v4 =	vmov s31;
	v3 =	vld [tilespmem:s30+$0x40];
	v6 =	vmax.f32 v8, $0.0e+00  }
0x2a: {  	vm0 =	vge.f32 v5, $0.0e+00;
	v9 =	vmax.f32 v5, $0.0e+00;
	v5 =	vld [tilespmem:s30+$0x50];
	v11 =	vmax.f32 v7, $0.0e+00  }
0x2b: {  	vm1 =	vge.f32 v8, $0.0e+00;
	v10 =	vtrunc.f32 v6;
	v9 =	vtrunc.f32 v9  }
0x2c: {  	v6 =	vld [tilespmem:s30+$0x60];
	v12 =	vtrunc.f32 v11;
	v11 =	vmax.f32 v1, $0.0e+00;
	v10 =	vcvt.f32.s32 v10  }
0x2d: {  	v9 =	vcvt.f32.s32 v9;
	v13 =	vtrunc.f32 v11;
	v11 =	vmax.f32 v2, $0.0e+00  }
0x2e: {  	v27 =	vcvt.f32.s32 v13;
	v14 =	vand.u32 $0xFFFFFF80, v10;
	v8 =	vand.u32 $0x7F, v10  }
0x2f: {  	v10 =	vadd.s32 v4, v14;
	v14 =	vmax.f32 v3, $0.0e+00;
	v15 =	vmax.f32 v5, $0.0e+00  }
0x30: {  	v26 =	vor.u32 v8, v10;
	v8 =	vtrunc.f32 v11;
	v10 =	vtrunc.f32 v14  }
0x31: {  	v11 =	vmax.f32 v6, $0.0e+00;
	v14 =	vand.u32 $0xFFFFFF80, v9;
	v17 =	vtrunc.f32 v15  }
0x32: {  	v28 =	vld [tilespmem:s30+$0xFFFFF070];
	v19 =	vtrunc.f32 v11;
	v15 =	vadd.s32 v4, v14;
	v14 =	vcvt.f32.s32 v12  }
0x33: {  	v13 =	vld [tilespmem:s30+$0xFFFFF030];
	v16 =	vand.u32 $0x7F, v9;
	v29 =	vcvt.f32.s32 v8;
	v30 =	vcvt.f32.s32 v10  }
0x34: {  	v11 =	vld [tilespmem:s30+$0xFFFFF010];
	v18 =	vcvt.f32.s32 v17;
	v10 =	vand.u32 $0xFFFFFF80, v27;
	v17 =	vcvt.f32.s32 v19  }
0x35: {  	v12 =	vld [tilespmem:s30+$0xFFFFF020];
	v24 =	vadd.s32 v4, v10;
	v9 =	vand.u32 $0xFFFFFF80, v14;
	v20 =	vand.u32 $0xFFFFFF80, v29  }
0x36: {  	v8 =	vld [tilespmem:s30+$0xFFFFF040];
	v21 =	vand.u32 $0xFFFFFF80, v30;
	v22 =	vand.u32 $0xFFFFFF80, v18;
	v25 =	vand.u32 $0x7F, v14  }
0x37: {  	v10 =	vld [tilespmem:s30+$0xFFFFF060];
	v19 =	vadd.s32 v4, v9;
	v31 =	vand.u32 $0xFFFFFF80, v17;
	v23 =	vadd.s32 v4, v20  }
0x38: {  	v14 =	vld [tilespmem:s30+$0xFFFFF000];
	v20 =	vadd.s32 v4, v21;
	v22 =	vadd.s32 v4, v22;
	v21 =	vadd.s32 v4, v31  }
0x39: {  	s20 =	simm.s32 $0x1080;
	s19 =	simm.s32 $0x0;
	v9 =	vld [tilespmem:s30+$0xFFFFF050];
	[tilespmem:v26+s12+$0x0] =	vst.idx.msk vm1, v28;
	v28 =	vand.u32 $0x7F, v27;
	v27 =	vand.u32 $0x7F, v29;
	v26 =	vand.u32 $0x7F, v30  }
.LBB2_5:
0x3a: {  	v29 =	vld [tilespmem:s20+$0x70];
	s19 =	sadd.s32 $0x8, s19;
	v15 =	vor.u32 v16, v15;
	v16 =	vand.u32 $0x7F, v18;
	v17 =	vand.u32 $0x7F, v17  }
0x3b: {  	v19 =	vor.u32 v25, v19;
	v24 =	vor.u32 v28, v24;
	v23 =	vor.u32 v27, v23;
	v18 =	vld [tilespmem:s20+$0x0];
	p0 =	slt.u32 s19, $0xF8  }
0x3c: {  	v20 =	vor.u32 v26, v20;
	v16 =	vor.u32 v16, v22;
	v17 =	vor.u32 v17, v21;
	v25 =	vld [tilespmem:s20+$0x10]  }
0x3d: {  	vm5 =	vge.f32 v7, $0.0e+00;
	vm6 =	vge.f32 v1, $0.0e+00;
	vm4 =	vge.f32 v2, $0.0e+00;
	v1 =	vld [tilespmem:s20+$0x20]  }
0x3e: {  	vm3 =	vge.f32 v3, $0.0e+00;
	vm2 =	vge.f32 v5, $0.0e+00;
	vm1 =	vge.f32 v6, $0.0e+00;
	v2 =	vld [tilespmem:s20+$0x30]  }
0x3f: {  	v3 =	vld [tilespmem:s20+$0x40];
	v6 =	vmax.f32 v29, $0.0e+00;
	[tilespmem:v15+s12+$0x0] =	vst.idx.msk vm0, v14  }
0x40: {  	vm0 =	vge.f32 v18, $0.0e+00;
	v21 =	vmax.f32 v18, $0.0e+00;
	v5 =	vld [tilespmem:s20+$0x50];
	v14 =	vtrunc.f32 v6  }
0x41: {  	v15 =	vtrunc.f32 v21;
	v18 =	vmax.f32 v25, $0.0e+00;
	v6 =	vld [tilespmem:s20+$0x60];
	v14 =	vcvt.f32.s32 v14;
	v7 =	vmovc v25  }
0x42: {  	v21 =	vcvt.f32.s32 v15;
	v15 =	vld [tilespmem:s20+$0xFFFFF010];
	v18 =	vtrunc.f32 v18;
	v22 =	vmax.f32 v1, $0.0e+00  }
0x43: {  	v25 =	vld [tilespmem:s20+$0xFFFFF020];
	v22 =	vtrunc.f32 v22;
	v26 =	vmax.f32 v2, $0.0e+00;
	v27 =	vand.u32 $0xFFFFFF80, v14;
	[tilespmem:v19+s12+$0x0] =	vst.idx.msk vm5, v11  }
0x44: {  	vm5 =	vge.f32 v29, $0.0e+00;
	v11 =	vand.u32 $0x7F, v14;
	v19 =	vld [tilespmem:s20+$0xFFFFF030];
	v14 =	vadd.s32 v4, v27;
	[tilespmem:v24+s12+$0x0] =	vst.idx.msk vm6, v12  }
0x45: {  	v12 =	vmax.f32 v3, $0.0e+00;
	v24 =	vmax.f32 v5, $0.0e+00;
	v27 =	vld [tilespmem:s20+$0xFFFFF070];
	v28 =	vor.u32 v11, v14;
	[tilespmem:v23+s12+$0x0] =	vst.idx.msk vm4, v13  }
0x46: {  	v13 =	vtrunc.f32 v26;
	v23 =	vtrunc.f32 v12;
	v14 =	vmax.f32 v6, $0.0e+00;
	[tilespmem:v20+s12+$0x0] =	vst.idx.msk vm3, v8;
	v8 =	vld [tilespmem:s20+$0xFFFFF040]  }
0x47: {  	v30 =	vand.u32 $0xFFFFFF80, v21;
	v20 =	vtrunc.f32 v24;
	v24 =	vtrunc.f32 v14;
	[tilespmem:v16+s12+$0x0] =	vst.idx.msk vm2, v9;
	v9 =	vld [tilespmem:s20+$0xFFFFF050];
	v11 =	vmovc v15  }
0x48: {  	v29 =	vcvt.f32.s32 v22;
	v26 =	vcvt.f32.s32 v18;
	v15 =	vadd.s32 v4, v30;
	[tilespmem:v17+s12+$0x0] =	vst.idx.msk vm1, v10;
	v10 =	vld [tilespmem:s20+$0xFFFFF060];
	v12 =	vmovc v25  }
0x49: {  	v31 =	vcvt.f32.s32 v23;
	v16 =	vand.u32 $0x7F, v21;
	v30 =	vcvt.f32.s32 v13;
	v14 =	vld [tilespmem:s20+$0xFFFFF000];
	v13 =	vmovc v19  }
0x4a: {  	v18 =	vcvt.f32.s32 v20;
	v17 =	vcvt.f32.s32 v24;
	v19 =	vand.u32 $0xFFFFFF80, v26;
	[tilespmem:v28+s12+$0x0] =	vst.idx.msk vm5, v27  }
.Ltmp1:
0x4b: {  	v20 =	vand.u32 $0xFFFFFF80, v29;
	v22 =	vand.u32 $0xFFFFFF80, v31;
	v21 =	vand.u32 $0xFFFFFF80, v30;
	(pc) =	sbr.rel @p0 .LBB2_5-.Ltmp1, $4  }
0x4c: {  	v19 =	vadd.s32 v4, v19;
	v27 =	vand.u32 $0xFFFFFF80, v18;
	v28 =	vand.u32 $0xFFFFFF80, v17  }
0x4d: {  	v24 =	vadd.s32 v4, v20;
	v20 =	vadd.s32 v4, v22;
	v23 =	vadd.s32 v4, v21  }
0x4e: {  	v25 =	vand.u32 $0x7F, v26;
	v22 =	vadd.s32 v4, v27;
	v21 =	vadd.s32 v4, v28  }
0x4f: {  	v26 =	vand.u32 $0x7F, v31;
	s20 =	sadd.s32 $0x80, s20;
	v28 =	vand.u32 $0x7F, v29;
	v27 =	vand.u32 $0x7F, v30  }
0x50: {  	v4 =	vor.u32 v16, v15;
	vm1 =	vge.f32 v7, $0.0e+00  }
0x51: {  	v7 =	vor.u32 v25, v19;
	vm2 =	vge.f32 v1, $0.0e+00  }
0x52: {  	v1 =	vor.u32 v28, v24;
	vm3 =	vge.f32 v2, $0.0e+00  }
0x53: {  	v2 =	vor.u32 v27, v23;
	vm4 =	vge.f32 v3, $0.0e+00  }
0x54: {  	v3 =	vand.u32 $0x7F, v18;
	v15 =	vor.u32 v26, v20;
	vm5 =	vge.f32 v5, $0.0e+00  }
0x55: {  	v5 =	vand.u32 $0x7F, v17;
	vm6 =	vge.f32 v6, $0.0e+00;
	v3 =	vor.u32 v3, v22;
	[tilespmem:v4+s12+$0x0] =	vst.idx.msk vm0, v14  }
0x56: {  	v4 =	vor.u32 v5, v21;
	[tilespmem:v7+s12+$0x0] =	vst.idx.msk vm1, v11  }
0x57: {  	[tilespmem:v1+s12+$0x0] =	vst.idx.msk vm2, v12  }
0x58: {  	[tilespmem:v2+s12+$0x0] =	vst.idx.msk vm3, v13  }
0x59: {  	p0 =	seq.s32 s16, $0xF;
	[tilespmem:v15+s12+$0x0] =	vst.idx.msk vm4, v8  }
0x5a: {  	s31 =	simm.s32 $0x3000;
	s18 =	sadd.s32 @!p0 $0x2, s18;
	[tilespmem:v3+s12+$0x0] =	vst.idx.msk vm5, v9  }
0x5b: {  	s20 =	simm.s32 @!p0 $0x400;
	s21 =	simm.s32 @!p0 $0x0;
	s19 =	sshll.u32 @!p0 s18, $0x4;
	[tilespmem:v4+s12+$0x0] =	vst.idx.msk vm6, v10  }
0x5c: {  	s18 =	sshll.u32 @!p0 s18, $0xA;
	s19 =	sand.u32 @!p0 $0x60, s19;
	_ =	swait.ge [sflag:s13], $0x2000  }
0x5d: {  	s18 =	sand.u32 @!p0 $0xFFFE000, s18;
	s19 =	sadd.s32 @!p0 s4, s19;
	[sflag:s13] =	ssyncset.done $0x0  }
0x5e: {  	s18 =	sadd.s32 @!p0 s18, s19;
	s19 =	simm.s32 @!p0 $0x80;
	[sflag:s13] =	ssyncadd.s32 $0xFFFFE000  }
0x5f: {  	[tilespmem:s21], [sflag:$0x1] =	stream.strided.gather @!p0 [hbm4b:s18+s19], $0x2000, s20, s19, $0x38;
	[tilespmem:$0x5000] =	vst v63  }
0x60: {  	v8 =	vld [tilespmem:s31+$0x70]  }
0x61: {  	v5 =	vld [tilespmem:s31+$0x0]  }
0x62: {  	v7 =	vld [tilespmem:s31+$0x10];
	_ =	sdelay $0x1  }
0x63: {  	v1 =	vld [tilespmem:s31+$0x20]  }
0x64: {  	s17 =	sshll.u32 s17, $0x7;
	v2 =	vld [tilespmem:s31+$0x30]  }
0x65: {  	v4 =	vmov s17;
	v3 =	vld [tilespmem:s31+$0x40];
	v6 =	vmax.f32 v8, $0.0e+00  }
0x66: {  	vm0 =	vge.f32 v5, $0.0e+00;
	v9 =	vmax.f32 v5, $0.0e+00;
	v5 =	vld [tilespmem:s31+$0x50];
	v11 =	vmax.f32 v7, $0.0e+00  }
0x67: {  	vm1 =	vge.f32 v8, $0.0e+00;
	v10 =	vtrunc.f32 v6;
	v9 =	vtrunc.f32 v9  }
0x68: {  	v6 =	vld [tilespmem:s31+$0x60];
	v12 =	vtrunc.f32 v11;
	v11 =	vmax.f32 v1, $0.0e+00;
	v10 =	vcvt.f32.s32 v10  }
0x69: {  	v9 =	vcvt.f32.s32 v9;
	v13 =	vtrunc.f32 v11;
	v11 =	vmax.f32 v2, $0.0e+00  }
0x6a: {  	v27 =	vcvt.f32.s32 v13;
	v14 =	vand.u32 $0xFFFFFF80, v10;
	v8 =	vand.u32 $0x7F, v10  }
0x6b: {  	v10 =	vadd.s32 v4, v14;
	v14 =	vmax.f32 v3, $0.0e+00;
	v15 =	vmax.f32 v5, $0.0e+00  }
0x6c: {  	v26 =	vor.u32 v8, v10;
	v8 =	vtrunc.f32 v11;
	v10 =	vtrunc.f32 v14  }
0x6d: {  	v11 =	vmax.f32 v6, $0.0e+00;
	v14 =	vand.u32 $0xFFFFFF80, v9;
	v17 =	vtrunc.f32 v15  }
0x6e: {  	v28 =	vld [tilespmem:s31+$0xFFFFF070];
	v19 =	vtrunc.f32 v11;
	v15 =	vadd.s32 v4, v14;
	v14 =	vcvt.f32.s32 v12  }
0x6f: {  	v13 =	vld [tilespmem:s31+$0xFFFFF030];
	v16 =	vand.u32 $0x7F, v9;
	v29 =	vcvt.f32.s32 v8;
	v30 =	vcvt.f32.s32 v10  }
0x70: {  	v11 =	vld [tilespmem:s31+$0xFFFFF010];
	v18 =	vcvt.f32.s32 v17;
	v10 =	vand.u32 $0xFFFFFF80, v27;
	v17 =	vcvt.f32.s32 v19  }
0x71: {  	v12 =	vld [tilespmem:s31+$0xFFFFF020];
	v24 =	vadd.s32 v4, v10;
	v9 =	vand.u32 $0xFFFFFF80, v14;
	v20 =	vand.u32 $0xFFFFFF80, v29  }
0x72: {  	v8 =	vld [tilespmem:s31+$0xFFFFF040];
	v21 =	vand.u32 $0xFFFFFF80, v30;
	v22 =	vand.u32 $0xFFFFFF80, v18;
	v25 =	vand.u32 $0x7F, v14  }
0x73: {  	v10 =	vld [tilespmem:s31+$0xFFFFF060];
	v19 =	vadd.s32 v4, v9;
	v31 =	vand.u32 $0xFFFFFF80, v17;
	v23 =	vadd.s32 v4, v20  }
0x74: {  	v14 =	vld [tilespmem:s31+$0xFFFFF000];
	v20 =	vadd.s32 v4, v21;
	v22 =	vadd.s32 v4, v22;
	v21 =	vadd.s32 v4, v31  }
0x75: {  	s17 =	simm.s32 $0x0;
	s18 =	simm.s32 $0x3080;
	v9 =	vld [tilespmem:s31+$0xFFFFF050];
	[tilespmem:v26+s12+$0x0] =	vst.idx.msk vm1, v28;
	v28 =	vand.u32 $0x7F, v27;
	v27 =	vand.u32 $0x7F, v29;
	v26 =	vand.u32 $0x7F, v30  }
.LBB2_7:
0x76: {  	v29 =	vld [tilespmem:s18+$0x70];
	s17 =	sadd.s32 $0x8, s17;
	v15 =	vor.u32 v16, v15;
	v16 =	vand.u32 $0x7F, v18;
	v17 =	vand.u32 $0x7F, v17  }
0x77: {  	v19 =	vor.u32 v25, v19;
	v24 =	vor.u32 v28, v24;
	v23 =	vor.u32 v27, v23;
	v18 =	vld [tilespmem:s18+$0x0];
	p0 =	slt.u32 s17, $0xF8  }
0x78: {  	v20 =	vor.u32 v26, v20;
	v16 =	vor.u32 v16, v22;
	v17 =	vor.u32 v17, v21;
	v25 =	vld [tilespmem:s18+$0x10]  }
0x79: {  	vm5 =	vge.f32 v7, $0.0e+00;
	vm6 =	vge.f32 v1, $0.0e+00;
	vm4 =	vge.f32 v2, $0.0e+00;
	v1 =	vld [tilespmem:s18+$0x20]  }
0x7a: {  	vm3 =	vge.f32 v3, $0.0e+00;
	vm2 =	vge.f32 v5, $0.0e+00;
	vm1 =	vge.f32 v6, $0.0e+00;
	v2 =	vld [tilespmem:s18+$0x30]  }
0x7b: {  	v3 =	vld [tilespmem:s18+$0x40];
	v6 =	vmax.f32 v29, $0.0e+00;
	[tilespmem:v15+s12+$0x0] =	vst.idx.msk vm0, v14  }
0x7c: {  	vm0 =	vge.f32 v18, $0.0e+00;
	v21 =	vmax.f32 v18, $0.0e+00;
	v5 =	vld [tilespmem:s18+$0x50];
	v14 =	vtrunc.f32 v6  }
0x7d: {  	v15 =	vtrunc.f32 v21;
	v18 =	vmax.f32 v25, $0.0e+00;
	v6 =	vld [tilespmem:s18+$0x60];
	v14 =	vcvt.f32.s32 v14;
	v7 =	vmovc v25  }
0x7e: {  	v21 =	vcvt.f32.s32 v15;
	v15 =	vld [tilespmem:s18+$0xFFFFF010];
	v18 =	vtrunc.f32 v18;
	v22 =	vmax.f32 v1, $0.0e+00  }
0x7f: {  	v25 =	vld [tilespmem:s18+$0xFFFFF020];
	v22 =	vtrunc.f32 v22;
	v26 =	vmax.f32 v2, $0.0e+00;
	v27 =	vand.u32 $0xFFFFFF80, v14;
	[tilespmem:v19+s12+$0x0] =	vst.idx.msk vm5, v11  }
0x80: {  	vm5 =	vge.f32 v29, $0.0e+00;
	v11 =	vand.u32 $0x7F, v14;
	v19 =	vld [tilespmem:s18+$0xFFFFF030];
	v14 =	vadd.s32 v4, v27;
	[tilespmem:v24+s12+$0x0] =	vst.idx.msk vm6, v12  }
0x81: {  	v12 =	vmax.f32 v3, $0.0e+00;
	v24 =	vmax.f32 v5, $0.0e+00;
	v27 =	vld [tilespmem:s18+$0xFFFFF070];
	v28 =	vor.u32 v11, v14;
	[tilespmem:v23+s12+$0x0] =	vst.idx.msk vm4, v13  }
0x82: {  	v13 =	vtrunc.f32 v26;
	v23 =	vtrunc.f32 v12;
	v14 =	vmax.f32 v6, $0.0e+00;
	[tilespmem:v20+s12+$0x0] =	vst.idx.msk vm3, v8;
	v8 =	vld [tilespmem:s18+$0xFFFFF040]  }
0x83: {  	v30 =	vand.u32 $0xFFFFFF80, v21;
	v20 =	vtrunc.f32 v24;
	v24 =	vtrunc.f32 v14;
	[tilespmem:v16+s12+$0x0] =	vst.idx.msk vm2, v9;
	v9 =	vld [tilespmem:s18+$0xFFFFF050];
	v11 =	vmovc v15  }
0x84: {  	v29 =	vcvt.f32.s32 v22;
	v26 =	vcvt.f32.s32 v18;
	v15 =	vadd.s32 v4, v30;
	[tilespmem:v17+s12+$0x0] =	vst.idx.msk vm1, v10;
	v10 =	vld [tilespmem:s18+$0xFFFFF060];
	v12 =	vmovc v25  }
0x85: {  	v31 =	vcvt.f32.s32 v23;
	v16 =	vand.u32 $0x7F, v21;
	v30 =	vcvt.f32.s32 v13;
	v14 =	vld [tilespmem:s18+$0xFFFFF000];
	v13 =	vmovc v19  }
0x86: {  	v18 =	vcvt.f32.s32 v20;
	v17 =	vcvt.f32.s32 v24;
	v19 =	vand.u32 $0xFFFFFF80, v26;
	[tilespmem:v28+s12+$0x0] =	vst.idx.msk vm5, v27  }
.Ltmp2:
0x87: {  	v20 =	vand.u32 $0xFFFFFF80, v29;
	v22 =	vand.u32 $0xFFFFFF80, v31;
	v21 =	vand.u32 $0xFFFFFF80, v30;
	(pc) =	sbr.rel @p0 .LBB2_7-.Ltmp2, $4  }
0x88: {  	v19 =	vadd.s32 v4, v19;
	v27 =	vand.u32 $0xFFFFFF80, v18;
	v28 =	vand.u32 $0xFFFFFF80, v17  }
0x89: {  	v24 =	vadd.s32 v4, v20;
	v20 =	vadd.s32 v4, v22;
	v23 =	vadd.s32 v4, v21  }
0x8a: {  	v25 =	vand.u32 $0x7F, v26;
	v22 =	vadd.s32 v4, v27;
	v21 =	vadd.s32 v4, v28  }
0x8b: {  	v26 =	vand.u32 $0x7F, v31;
	s18 =	sadd.s32 $0x80, s18;
	v28 =	vand.u32 $0x7F, v29;
	v27 =	vand.u32 $0x7F, v30  }
0x8c: {  	v4 =	vor.u32 v16, v15;
	vm1 =	vge.f32 v7, $0.0e+00  }
0x8d: {  	v60 =	vor.u32 v25, v19;
	vm2 =	vge.f32 v1, $0.0e+00  }
0x8e: {  	v1 =	vor.u32 v28, v24;
	vm3 =	vge.f32 v2, $0.0e+00  }
0x8f: {  	v2 =	vor.u32 v27, v23;
	vm4 =	vge.f32 v3, $0.0e+00  }
0x90: {  	v3 =	vand.u32 $0x7F, v18;
	v61 =	vor.u32 v26, v20;
	vm5 =	vge.f32 v5, $0.0e+00  }
0x91: {  	v62 =	vand.u32 $0x7F, v17;
	vm6 =	vge.f32 v6, $0.0e+00;
	s16 =	sadd.s32 $0x1, s16;
	v3 =	vor.u32 v3, v22;
	[tilespmem:v4+s12+$0x0] =	vst.idx.msk vm0, v14  }
0x92: {  	v63 =	vor.u32 v62, v21;
	p0 =	sne.s32 s16, $0x10;
	[tilespmem:v60+s12+$0x0] =	vst.idx.msk vm1, v11  }
.Ltmp3:
0x93: {  	[tilespmem:v1+s12+$0x0] =	vst.idx.msk vm2, v12;
	(pc) =	sbr.rel @p0 .LBB2_4-.Ltmp3, $4  }
0x94: {  	[tilespmem:v2+s12+$0x0] =	vst.idx.msk vm3, v13  }
0x95: {  	[tilespmem:v61+s12+$0x0] =	vst.idx.msk vm4, v8  }
0x96: {  	[tilespmem:v3+s12+$0x0] =	vst.idx.msk vm5, v9  }
0x97: {  	[tilespmem:v63+s12+$0x0] =	vst.idx.msk vm6, v10  }
0x98: {  	s15 =	sadd.s32 $0x1, s15  }
0x99: {  	p0 =	sne.s32 s15, s7  }
.Ltmp4:
0x9a: {  	_ = 	snop;
	(pc) =	sbr.rel @p0 .LBB2_1-.Ltmp4, $4  }
0x9b: {  	[hbm4b:s6+s2] =	stream.linear.scatter [tilespmem:s12], [sflag:$0x3], $0x1000, $0x38;
	[tilespmem:$0x5000] =	vst v63  }
0x9c: {  	_ =	swait.ge [sflag:s14], $0x1000  }
0x9d: {  	[sflag:s14] =	ssyncset.done $0x0  }
0x9e: {  	[sflag:s14] =	ssyncadd.s32 $0xFFFFF000  }
0x9f: {  	_ =	sfence.sel $0x180000  }
0xa0: {  	[bflag:$0x0] =	sbarrier.arrive $0xFFFF  }
0xa1: {  	p0 =	sne.s32 s1, $0x0;
	_ =	strace $0x9000004D  }
0xa2: {  	s0 =	sadd.s32 @!p0 $0x100000, s0;
	[bflag:$0x2] =	sbarrier.arrive $0xFFFF  }
0xa3: {  	[sflag:s0] =	ssyncadd.tile.s32 @!p0 $0x1;
	_ =	shalt  }
.Lfunc_end2:
_tile_overlayer_lowered:
.L_overlay_start_2:
0xa4: {  	(tag) =	ssettag $0x2  }
0xa5: {  	s0 =	rddreg [dreg:$0x0];
	s2 =	stileid.u32  }
0xa6: {  	s1 =	rddreg [dreg:$0x1];
	p0 =	sne.s32 s2, $0x0  }
0xa7: {  	s3 =	rddreg [dreg:$0x2];
	[bflag:$0x3] =	sbarrier.arrive $0xFFFF;
	s2 =	simm.s32 @!p0 $0x1C03  }
0xa8: {  	[timem:s3], [sflag:s2] =	dma.local @!p0 [hbm:s0], s1  }
0xa9: {  	s0 =	simm.s32 @!p0 $0x3  }
0xaa: {  	_ =	swait.ge @!p0 [sflag:s0], s1  }
0xab: {  	s1 =	ssub.s32 @!p0 $0x0, s1;
	[sflag:s0] =	ssyncset.done @!p0 $0x0  }
0xac: {  	[sflag:s0] =	ssyncadd.s32 @!p0 s1  }
0xad: {  	[bflag:$0x3] =	sbarrier.arrive $0xFFFF  }
0xae: {  	_ =	shalt  }

// kernel: kernel.20.cloned.1.call-start
scs
__scs_entry_jumppad:
0x0: {  	(pc) =	sbr.rel $0x88, $3  }
0x1: {  	(tag) =	ssettag $0x0;
	lr =	simm.s32 $0x1  }
0x2: {  	[smem:$0x3F9F] =	sst lr;
	_ =	strace $0xD0000000  }
0x3: {  	_ = 	snop  }
0x4: {  	_ = 	snop  }
0x5: {  	_ = 	snop  }
0x6: {  	_ = 	snop  }
0x7: {  	_ = 	snop  }
__scs_overlays_trampoline_lowered:
0x8: {  	[smem:$0x3FAE] =	sst s0  }
0x9: {  	[smem:$0x3FAF] =	sst s1  }
0xa: {  	[smem:$0x3FB0] =	sst s2  }
0xb: {  	[smem:$0x3FB1] =	sst s3  }
0xc: {  	[smem:$0x3FB2] =	sst s4  }
0xd: {  	[smem:$0x3FB3] =	sst s5  }
0xe: {  	[smem:$0x3FB4] =	sst s6  }
0xf: {  	[smem:$0x3FB5] =	sst s7  }
0x10: {  	[smem:$0x3FB6] =	sst s8  }
0x11: {  	[smem:$0x3FB7] =	sst s9;
	s0 =	simm.s32 @!p0 $0x0  }
0x12: {  	s1 =	sld [smem:$0x3F9D];
	s0 =	simm.s32 @p0 $0x1  }
0x13: {  	[smem:$0x3FB8] =	sst s0;
	s0 =	simm.s32 @!p1 $0x0  }
0x14: {  	s2 =	sld [smem:$0x3F9C];
	s0 =	simm.s32 @p1 $0x1  }
0x15: {  	[smem:$0x3FB9] =	sst s0;
	s0 =	simm.s32 @!p2 $0x0  }
0x16: {  	s3 =	sld [smem:$0x3FDB];
	s0 =	simm.s32 @p2 $0x1  }
0x17: {  	s4 =	simm.s32 $0x1BF5;
	[smem:$0x3FBB] =	sst s0  }
0x18: {  	s0 =	sld [smem:$0x3F9E];
	_ =	swait.ge [sflag:s4], $0x0  }
0x19: {  	s7 =	sld [smem:$0x3F9F]  }
0x1a: {  	s8 =	sadd.s32 $0xFFFFE003, lr  }
0x1b: {  	s9 =	sadd.s32 $0xFFFFFEF7, lr;
	s5 =	simm.s32 $0xFFFFFFFF;
	p2 =	slt.u32 s8, $0xFFFFF086  }
0x1c: {  	p1 =	slt.u32 s9, $0xF7A;
	s5 =	simm.s32 @!p2 $0x0  }
0x1d: {  	s5 =	simm.s32 @p1 $0x1;
	p0 =	seq.s32 s7, s2  }
0x1e: {  	s7 =	smul.u32 @!p0 $0xF7A, s2;
	p2 =	seq.s32 @!p0 s5, $0x0  }
0x1f: {  	s9 =	smul.u32 $0xF7A, s1;
	s8 =	simm.s32 @!p0 $0x1BF5;
	p2 =	por !p2, p0  }
0x20: {  	[sflag:s8] =	ssyncset.s32 @!p0 $0xFFFFF086;
	s6 =	sadd.s32 @!p0 s3, s7;
	s7 =	simm.s32 @!p0 $0x108  }
0x21: {  	s3 =	sadd.s32 s3, s9;
	s6 =	sadd.s32 @!p0 $0x88, s6;
	s7 =	simm.s32 @p2 $0x1082  }
0x22: {  	[simem:s7], [sflag:s8] =	dma.local @!p0 [hbm:s6], $0xF7A  }
0x23: {  	s9 =	sor.u32 $0xD0000000, s2;
	s6 =	simm.s32 $0x108;
	_ =	swait.ge @!p0 [sflag:s8], $0x0  }
0x24: {  	s3 =	sadd.s32 $0x88, s3;
	s6 =	simm.s32 @!p1 $0x1082;
	[sflag:s4] =	ssyncset.s32 $0xFFFFF086  }
0x25: {  	[simem:s6], [sflag:s4] =	dma.local [hbm:s3], $0xF7A  }
0x26: {  	[smem:$0x3F9F] =	sst s1;
	(tag) =	ssettag s2;
	_ =	strace s9  }
0x27: {  	s1 =	sld [smem:$0x3FAF]  }
0x28: {  	s2 =	sld [smem:$0x3FB0]  }
0x29: {  	s4 =	sld [smem:$0x3FB2]  }
0x2a: {  	p0 =	seq.s32 s5, $0x0;
	s5 =	sld [smem:$0x3FB3]  }
0x2b: {  	s6 =	sld [smem:$0x3FB4]  }
0x2c: {  	s7 =	sld [smem:$0x3FB5]  }
0x2d: {  	s3 =	simm.s32 $0x108;
	s8 =	sld [smem:$0x3FB6]  }
0x2e: {  	s3 =	simm.s32 @!p0 $0x1082;
	s9 =	sld [smem:$0x3FB7]  }
0x2f: {  	lr =	sadd.s32 s0, s3;
	s0 =	sld [smem:$0x3FAE]  }
0x30: {  	s3 =	sld [smem:$0x3FB1]  }
0x31: {  	[smem:$0x3FBA] =	sst s10  }
0x32: {  	s10 =	sld [smem:$0x3FB8];
	_ =	sdelay $0x3  }
0x33: {  	p0 =	seq.s32 s10, $0x1;
	s10 =	sld [smem:$0x3FBA];
	_ =	sdelay $0x3  }
0x34: {  	[smem:$0x3FBA] =	sst s10  }
0x35: {  	s10 =	sld [smem:$0x3FB9];
	_ =	sdelay $0x3  }
0x36: {  	p1 =	seq.s32 s10, $0x1;
	s10 =	sld [smem:$0x3FBA];
	_ =	sdelay $0x3  }
0x37: {  	[smem:$0x3FBA] =	sst s10  }
0x38: {  	s10 =	sld [smem:$0x3FBB]  }
0x39: {  	_ = 	snop;
	(pc) =	sbr.ind lr, $3  }
0x3a: {  	_ = 	snop  }
0x3b: {  	_ = 	snop  }
0x3c: {  	p2 =	seq.s32 s10, $0x1;
	s10 =	sld [smem:$0x3FBA]  }
0x3d: {  	_ =	shalt  }
0x3e: {  	_ =	shalt  }
0x3f: {  	_ =	shalt  }
0x40: {  	_ =	shalt  }
0x41: {  	_ =	shalt  }
0x42: {  	_ =	shalt  }
0x43: {  	_ =	shalt  }
0x44: {  	_ =	shalt  }
0x45: {  	_ =	shalt  }
0x46: {  	_ =	shalt  }
0x47: {  	_ =	shalt  }
0x48: {  	_ =	shalt  }
0x49: {  	_ =	shalt  }
0x4a: {  	_ =	shalt  }
0x4b: {  	_ =	shalt  }
0x4c: {  	_ =	shalt  }
0x4d: {  	_ =	shalt  }
0x4e: {  	_ =	shalt  }
0x4f: {  	_ =	shalt  }
0x50: {  	_ =	shalt  }
0x51: {  	_ =	shalt  }
0x52: {  	_ =	shalt  }
0x53: {  	_ =	shalt  }
0x54: {  	_ =	shalt  }
0x55: {  	_ =	shalt  }
0x56: {  	_ =	shalt  }
0x57: {  	_ =	shalt  }
0x58: {  	_ =	shalt  }
0x59: {  	_ =	shalt  }
0x5a: {  	_ =	shalt  }
0x5b: {  	_ =	shalt  }
0x5c: {  	_ =	shalt  }
0x5d: {  	_ =	shalt  }
0x5e: {  	_ =	shalt  }
0x5f: {  	_ =	shalt  }
0x60: {  	_ =	shalt  }
0x61: {  	_ =	shalt  }
0x62: {  	_ =	shalt  }
0x63: {  	_ =	shalt  }
0x64: {  	_ =	shalt  }
0x65: {  	_ =	shalt  }
0x66: {  	_ =	shalt  }
0x67: {  	_ =	shalt  }
0x68: {  	_ =	shalt  }
0x69: {  	_ =	shalt  }
0x6a: {  	_ =	shalt  }
0x6b: {  	_ =	shalt  }
0x6c: {  	_ =	shalt  }
0x6d: {  	_ =	shalt  }
0x6e: {  	_ =	shalt  }
0x6f: {  	_ =	shalt  }
0x70: {  	_ =	shalt  }
0x71: {  	_ =	shalt  }
0x72: {  	_ =	shalt  }
0x73: {  	_ =	shalt  }
0x74: {  	_ =	shalt  }
0x75: {  	_ =	shalt  }
0x76: {  	_ =	shalt  }
0x77: {  	_ =	shalt  }
0x78: {  	_ =	shalt  }
0x79: {  	_ =	shalt  }
0x7a: {  	_ =	shalt  }
0x7b: {  	_ =	shalt  }
0x7c: {  	_ =	shalt  }
0x7d: {  	_ =	shalt  }
0x7e: {  	_ =	shalt  }
0x7f: {  	_ =	shalt  }
0x80: {  	_ =	shalt  }
0x81: {  	_ =	shalt  }
0x82: {  	_ =	shalt  }
0x83: {  	_ =	shalt  }
0x84: {  	_ =	shalt  }
0x85: {  	_ =	shalt  }
0x86: {  	_ =	shalt  }
0x87: {  	_ =	shalt  }
.Lfunc_end0:
.L_simem_size_0:
called_computation.2_lowered:
.L_overlay_start_0:
0x88: {  	s2 =	sld [smem:$0x3FD9]  }
0x89: {  	s3 =	sld [smem:$0x3FFE];
	_ =	sdelay $0x1  }
0x8a: {  	s1 =	srdreg.scid  }
0x8b: {  	s0 =	sand.u32 $0x1, s1  }
0x8c: {  	s17 =	sshll.u32 s0, $0xA;
	s2 =	sadd.s32 s3, s2  }
0x8d: {  	s2 =	sadd.s32 s2, s17  }
0x8e: {  	[smem:$0x3FC6] =	sst s2  }
0x8f: {  	_ = 	snop  }
0x90: {  	(tm) =	ssettm $0x1  }
0x91: {  	s18 =	sld [smem:$0x3FFB];
	_ =	sdelay $0x3  }
0x92: {  	_ =	strace s18  }
0x93: {  	s2 =	sld [smem:$0x3FFC];
	_ =	sdelay $0x3  }
0x94: {  	_ =	strace s2  }
0x95: {  	s2 =	sld [smem:$0x3FFD];
	_ =	sdelay $0x3  }
0x96: {  	_ =	strace s2  }
0x97: {  	_ =	strace $0x8FFFFFFF  }
0x98: {  	s19 =	sld [smem:$0x3FDB];
	_ =	sdelay $0x1  }
0x99: {  	s20 =	simm.s32 $_scs_section_size  }
0x9a: {  	s4 =	simm.s32 $_size__tile_overlayer_lowered;
	s5 =	simm.s32 $_tile_overlayer_lowered  }
0x9b: {  	s6 =	simm.s32 $0x1BFF;
	s21 =	sshll.u32 s5, $0x1;
	s3 =	sadd.s32 s20, s19  }
0x9c: {  	s22 =	simm.s32 $0x0;
	s4 =	sshll.u32 s4, $0x1;
	s5 =	sadd.s32 s21, s3  }
0x9d: {  	[timem:s22], [sflag:s6] =	dma.local [hbm:s5], s4  }
0x9e: {  	_ =	swait.ge [sflag:s6], s4  }
0x9f: {  	s4 =	ssub.s32 $0x0, s4;
	[sflag:s6] =	ssyncset.done $0x0  }
0xa0: {  	[sflag:s6] =	ssyncadd.s32 s4;
	_ =	sdelay $0x1  }
0xa1: {  	s23 =	simm.s32 $0x1B8B  }
0xa2: {  	_ =	swait.ge [sflag:s23], $0x1  }
0xa3: {  	[sflag:s23] =	ssyncset.done $0x0  }
0xa4: {  	[sflag:s23] =	ssyncadd.s32 $0xFFFFFFFF  }
0xa5: {  	s4 =	sld [smem:$0x0]  }
0xa6: {  	s5 =	sand.u32 $0xFFFFFFFE, s1  }
0xa7: {  	p0 =	sne.s32 s1, s5  }
0xa8: {  	s5 =	sshll.u32 @p0 s5, $0xE  }
0xa9: {  	s5 =	sadd.s32 @p0 $0x11B8D, s5;
	s6 =	sshll.u32 @p0 s4, $0x11  }
0xaa: {  	s5 =	sor.u32 @p0 s6, s5  }
0xab: {  	[sflag:s5] =	ssyncadd.remote.s32 @p0 $0x1;
	_ =	sdelay $0x1  }
0xac: {  	s5 =	simm.s32 @p0 $0x1B8D  }
0xad: {  	_ =	swait.eq @p0 [sflag:s5], $0x1  }
0xae: {  	[sflag:s5] =	ssyncadd.s32 @p0 $0xFFFFFFFF  }
0xaf: {  	s6 =	sshll.u32 @!p0 s1, $0xE  }
0xb0: {  	s6 =	sor.u32 @!p0 $0x4000, s6;
	s5 =	simm.s32 @!p0 $0x1B8D  }
0xb1: {  	s4 =	sshll.u32 @!p0 s4, $0x11;
	s6 =	sadd.s32 @!p0 $0x11B8D, s6;
	_ =	swait.eq @!p0 [sflag:s5], $0x1  }
0xb2: {  	s4 =	sor.u32 @!p0 s4, s6;
	[sflag:s5] =	ssyncadd.s32 @!p0 $0xFFFFFFFF  }
0xb3: {  	s25 =	simm.s32 $0x1B8E;
	s24 =	sld [smem:$0x3FFE];
	[sflag:s4] =	ssyncadd.remote.s32 @!p0 $0x1  }
0xb4: {  	s26 =	simm.s32 $execute0_lowered;
	[smem:$0x3FD2] =	sst s25  }
0xb5: {  	s5 =	sshll.u32 s26, $0x1;
	_ =	strace $0x80000049;
	[dreg:$0x1] =	wrdreg $0xFFFFFFFF  }
0xb6: {  	s28 =	simm.s32 $_size_execute0_lowered;
	s3 =	sadd.s32 s3, s5;
	[dreg:$0x0] =	wrdreg $0x0  }
0xb7: {  	s5 =	sshll.u32 s28, $0x1;
	[dreg:$0x2] =	wrdreg s3  }
0xb8: {  	[dreg:$0x3] =	wrdreg s5  }
0xb9: {  	[dreg:$0x4] =	wrdreg $0xC0  }
0xba: {  	_ =	task [dreg:s22], $0x5FFFF  }
0xbb: {  	[dreg:$0x1] =	wrdreg $0xFFFFFFFF  }
0xbc: {  	[dreg:$0x0] =	wrdreg $0x60  }
0xbd: {  	[dreg:$0x2] =	wrdreg s24  }
0xbe: {  	[dreg:$0x3] =	wrdreg $0xB  }
0xbf: {  	_ =	task.clear_ibuf [dreg:s22], $0x4FFFF;
	_ =	strace $0x90000049  }
0xc0: {  	s29 =	simm.s32 $0xB;
	_ =	strace $0x8000004B  }
0xc1: {  	_ =	swait.ge [sflag:s29], $0x1  }
0xc2: {  	[sflag:s29] =	ssyncadd.s32 $0xFFFFFFFF  }
0xc3: {  	_ =	strace $0x9000004B  }
0xc4: {  	_ =	sfence  }
0xc5: {  	s30 =	sld [smem:$0x0];
	_ =	sdelay $0x2  }
0xc6: {  	s31 =	sshll.u32 s1, $0xD;
	s1 =	sshrl.u32 s1, $0x2  }
0xc7: {  	s4 =	sand.u32 $0x4000, s31;
	s1 =	sadd.s32 s1, s30  }
0xc8: {  	s0 =	sor.u32 s4, s0;
	s1 =	sshll.u32 s1, $0x11  }
0xc9: {  	s0 =	sor.u32 s1, s0  }
0xca: {  	s0 =	sadd.s32 $0x8F2B, s0  }
0xcb: {  	[sflag:s0] =	ssyncadd.remote.s32 $0x1  }
0xcc: {  	_ =	sfence.sel $0xFFFF  }
0xcd: {  	[dreg:$0x0] =	wrdreg $0xFFFFFFFF;
	(pc) =	sbr.abs _section_cstart, $3  }
0xce: {  	[dreg:$0x1] =	wrdreg $0xFFFFFFFF  }
0xcf: {  	_ =	task.clear_ibuf [dreg:s22], $0x2FFFF;
	_ =	strace $0x9FFFFFFF  }
0xd0: {  	(tm) =	ssettm $0x7FFFFFFF  }
0xd1: {  	_ =	shalt  }
tec
execute0_lowered:
.L_overlay_start_1:
0x0: {  	(tag) =	ssettag $0x1  }
0x1: {  	s5 =	rddreg [dreg:$0x0]  }
0x2: {  	s0 =	rddreg [dreg:$0x1]  }
0x3: {  	s3 =	srdreg.scid;
	s2 =	simm.s32 $0x0;
	s1 =	stileid.u32  }
0x4: {  	s10 =	simm.s32 $0x1;
	s11 =	simm.s32 $0x2000;
	s12 =	simm.s32 $0x4000  }
0x5: {  	s13 =	simm.s32 $0x2;
	s14 =	simm.s32 $0x3;
	s15 =	simm.s32 $0x0  }
0x6: {  	s6 =	sand.u32 $0x1, s3;
	[smem:$0x7FF] =	sst s2;
	s30 =	sshll.u32 s1, $0x6  }
0x7: {  	s4 =	sshll.u32 s6, $0x5;
	_ =	strace $0x8000004A;
	s6 =	ssub.s32 $0x2, s6  }
0x8: {  	s3 =	sor.u32 s4, s30;
	s4 =	sadd.s32 $0x105C00, s5;
	s31 =	sshrl.u32 s6, $0x1  }
0x9: {  	s7 =	sshll.u32 s3, $0x4;
	s8 =	sshll.u32 s3, $0xA;
	s9 =	ssub.s32 s6, s31  }
0xa: {  	s7 =	sadd.s32 s7, s5;
	s5 =	sadd.s32 s4, s8;
	s8 =	simm.s32 $0x80  }
0xb: {  	v0 =	vimm.f32 $9.999999680e+37;
	s6 =	sadd.s32 $0x205C00, s7;
	s7 =	smax.u32 s9, $0x1;
	s9 =	simm.s32 $0x400  }
.LBB2_1:
0xc: {  	s16 =	simm.s32 $0x0;
	s17 =	simm.s32 $0x200  }
.LBB2_2:
0xd: {  	p0 =	sne.s32 s17, $0x3E00;
	[tilespmem:s16+$0x4070] =	vst v0  }
0xe: {  	[tilespmem:s16+$0x4000] =	vst v0  }
0xf: {  	[tilespmem:s16+$0x4010] =	vst v0  }
.Ltmp0:
0x10: {  	[tilespmem:s16+$0x4020] =	vst v0;
	(pc) =	sbr.rel @p0 .LBB2_2-.Ltmp0, $4  }
0x11: {  	[tilespmem:s16+$0x4030] =	vst v0  }
0x12: {  	[tilespmem:s16+$0x4040] =	vst v0  }
0x13: {  	[tilespmem:s16+$0x4050] =	vst v0  }
0x14: {  	[tilespmem:s16+$0x4060] =	vst v0;
	s16 =	sshra.s32 s17, $0x2;
	s17 =	sadd.s32 $0x200, s17  }
0x15: {  	[tilespmem:s16+$0x4070] =	vst v0  }
0x16: {  	[tilespmem:s16+$0x4000] =	vst v0  }
0x17: {  	[tilespmem:s16+$0x4010] =	vst v0  }
0x18: {  	[tilespmem:s16+$0x4020] =	vst v0  }
0x19: {  	[tilespmem:s16+$0x4030] =	vst v0  }
0x1a: {  	[tilespmem:s16+$0x4040] =	vst v0  }
0x1b: {  	[tilespmem:s16+$0x4050] =	vst v0  }
0x1c: {  	[tilespmem:s16+$0x4060] =	vst v0;
	s16 =	simm.s32 $0x0  }
0x1d: {  	[tilespmem:s16], [sflag:$0x1] =	stream.strided.gather [hbm4b:s5+s8], $0x2000, s9, s8, $0x38;
	[tilespmem:$0x5000] =	vst v63  }
.LBB2_4:
0x1e: {  	s18 =	sshll.u32 s16, $0x1;
	s17 =	sshllo.u32 s16, $0x1  }
0x1f: {  	s18 =	sor.u32 s3, s18;
	s19 =	sshll.u32 s17, $0x4  }
0x20: {  	_ =	swait.ge [sflag:s10], $0x2000;
	s20 =	sshll.u32 s18, $0xA;
	s19 =	sand.u32 $0x70, s19  }
0x21: {  	[sflag:s10] =	ssyncset.done $0x0;
	s20 =	sand.u32 $0xFE000, s20;
	s19 =	sadd.s32 s4, s19  }
0x22: {  	s30 =	simm.s32 $0x1000;
	[sflag:s10] =	ssyncadd.s32 $0xFFFFE000;
	s19 =	sadd.s32 s20, s19  }
0x23: {  	[tilespmem:s11], [sflag:$0x2] =	stream.strided.gather [hbm4b:s19+s8], $0x2000, s9, s8, $0x38;
	[tilespmem:$0x5000] =	vst v63  }
0x24: {  	v8 =	vld [tilespmem:s30+$0x70]  }
0x25: {  	v5 =	vld [tilespmem:s30+$0x0]  }
0x26: {  	v7 =	vld [tilespmem:s30+$0x10];
	_ =	sdelay $0x1  }
0x27: {  	v1 =	vld [tilespmem:s30+$0x20]  }
0x28: {  	s31 =	sshll.u32 s16, $0x8;
	v2 =	vld [tilespmem:s30+$0x30]  }
0x29: {  	v4 =	vmov s31;
	v3 =	vld [tilespmem:s30+$0x40];
	v6 =	vmax.f32 v8, $0.0e+00  }
0x2a: {  	vm0 =	vge.f32 v5, $0.0e+00;
	v9 =	vmax.f32 v5, $0.0e+00;
	v5 =	vld [tilespmem:s30+$0x50];
	v11 =	vmax.f32 v7, $0.0e+00  }
0x2b: {  	vm1 =	vge.f32 v8, $0.0e+00;
	v10 =	vtrunc.f32 v6;
	v9 =	vtrunc.f32 v9  }
0x2c: {  	v6 =	vld [tilespmem:s30+$0x60];
	v12 =	vtrunc.f32 v11;
	v11 =	vmax.f32 v1, $0.0e+00;
	v10 =	vcvt.f32.s32 v10  }
0x2d: {  	v9 =	vcvt.f32.s32 v9;
	v13 =	vtrunc.f32 v11;
	v11 =	vmax.f32 v2, $0.0e+00  }
0x2e: {  	v27 =	vcvt.f32.s32 v13;
	v14 =	vand.u32 $0xFFFFFF80, v10;
	v8 =	vand.u32 $0x7F, v10  }
0x2f: {  	v10 =	vadd.s32 v4, v14;
	v14 =	vmax.f32 v3, $0.0e+00;
	v15 =	vmax.f32 v5, $0.0e+00  }
0x30: {  	v26 =	vor.u32 v8, v10;
	v8 =	vtrunc.f32 v11;
	v10 =	vtrunc.f32 v14  }
0x31: {  	v11 =	vmax.f32 v6, $0.0e+00;
	v14 =	vand.u32 $0xFFFFFF80, v9;
	v17 =	vtrunc.f32 v15  }
0x32: {  	v28 =	vld [tilespmem:s30+$0xFFFFF070];
	v19 =	vtrunc.f32 v11;
	v15 =	vadd.s32 v4, v14;
	v14 =	vcvt.f32.s32 v12  }
0x33: {  	v13 =	vld [tilespmem:s30+$0xFFFFF030];
	v16 =	vand.u32 $0x7F, v9;
	v29 =	vcvt.f32.s32 v8;
	v30 =	vcvt.f32.s32 v10  }
0x34: {  	v11 =	vld [tilespmem:s30+$0xFFFFF010];
	v18 =	vcvt.f32.s32 v17;
	v10 =	vand.u32 $0xFFFFFF80, v27;
	v17 =	vcvt.f32.s32 v19  }
0x35: {  	v12 =	vld [tilespmem:s30+$0xFFFFF020];
	v24 =	vadd.s32 v4, v10;
	v9 =	vand.u32 $0xFFFFFF80, v14;
	v20 =	vand.u32 $0xFFFFFF80, v29  }
0x36: {  	v8 =	vld [tilespmem:s30+$0xFFFFF040];
	v21 =	vand.u32 $0xFFFFFF80, v30;
	v22 =	vand.u32 $0xFFFFFF80, v18;
	v25 =	vand.u32 $0x7F, v14  }
0x37: {  	v10 =	vld [tilespmem:s30+$0xFFFFF060];
	v19 =	vadd.s32 v4, v9;
	v31 =	vand.u32 $0xFFFFFF80, v17;
	v23 =	vadd.s32 v4, v20  }
0x38: {  	v14 =	vld [tilespmem:s30+$0xFFFFF000];
	v20 =	vadd.s32 v4, v21;
	v22 =	vadd.s32 v4, v22;
	v21 =	vadd.s32 v4, v31  }
0x39: {  	s20 =	simm.s32 $0x1080;
	s19 =	simm.s32 $0x0;
	v9 =	vld [tilespmem:s30+$0xFFFFF050];
	[tilespmem:v26+s12+$0x0] =	vst.idx.msk vm1, v28;
	v28 =	vand.u32 $0x7F, v27;
	v27 =	vand.u32 $0x7F, v29;
	v26 =	vand.u32 $0x7F, v30  }
.LBB2_5:
0x3a: {  	v29 =	vld [tilespmem:s20+$0x70];
	s19 =	sadd.s32 $0x8, s19;
	v15 =	vor.u32 v16, v15;
	v16 =	vand.u32 $0x7F, v18;
	v17 =	vand.u32 $0x7F, v17  }
0x3b: {  	v19 =	vor.u32 v25, v19;
	v24 =	vor.u32 v28, v24;
	v23 =	vor.u32 v27, v23;
	v18 =	vld [tilespmem:s20+$0x0];
	p0 =	slt.u32 s19, $0xF8  }
0x3c: {  	v20 =	vor.u32 v26, v20;
	v16 =	vor.u32 v16, v22;
	v17 =	vor.u32 v17, v21;
	v25 =	vld [tilespmem:s20+$0x10]  }
0x3d: {  	vm5 =	vge.f32 v7, $0.0e+00;
	vm6 =	vge.f32 v1, $0.0e+00;
	vm4 =	vge.f32 v2, $0.0e+00;
	v1 =	vld [tilespmem:s20+$0x20]  }
0x3e: {  	vm3 =	vge.f32 v3, $0.0e+00;
	vm2 =	vge.f32 v5, $0.0e+00;
	vm1 =	vge.f32 v6, $0.0e+00;
	v2 =	vld [tilespmem:s20+$0x30]  }
0x3f: {  	v3 =	vld [tilespmem:s20+$0x40];
	v6 =	vmax.f32 v29, $0.0e+00;
	[tilespmem:v15+s12+$0x0] =	vst.idx.msk vm0, v14  }
0x40: {  	vm0 =	vge.f32 v18, $0.0e+00;
	v21 =	vmax.f32 v18, $0.0e+00;
	v5 =	vld [tilespmem:s20+$0x50];
	v14 =	vtrunc.f32 v6  }
0x41: {  	v15 =	vtrunc.f32 v21;
	v18 =	vmax.f32 v25, $0.0e+00;
	v6 =	vld [tilespmem:s20+$0x60];
	v14 =	vcvt.f32.s32 v14;
	v7 =	vmovc v25  }
0x42: {  	v21 =	vcvt.f32.s32 v15;
	v15 =	vld [tilespmem:s20+$0xFFFFF010];
	v18 =	vtrunc.f32 v18;
	v22 =	vmax.f32 v1, $0.0e+00  }
0x43: {  	v25 =	vld [tilespmem:s20+$0xFFFFF020];
	v22 =	vtrunc.f32 v22;
	v26 =	vmax.f32 v2, $0.0e+00;
	v27 =	vand.u32 $0xFFFFFF80, v14;
	[tilespmem:v19+s12+$0x0] =	vst.idx.msk vm5, v11  }
0x44: {  	vm5 =	vge.f32 v29, $0.0e+00;
	v11 =	vand.u32 $0x7F, v14;
	v19 =	vld [tilespmem:s20+$0xFFFFF030];
	v14 =	vadd.s32 v4, v27;
	[tilespmem:v24+s12+$0x0] =	vst.idx.msk vm6, v12  }
0x45: {  	v12 =	vmax.f32 v3, $0.0e+00;
	v24 =	vmax.f32 v5, $0.0e+00;
	v27 =	vld [tilespmem:s20+$0xFFFFF070];
	v28 =	vor.u32 v11, v14;
	[tilespmem:v23+s12+$0x0] =	vst.idx.msk vm4, v13  }
0x46: {  	v13 =	vtrunc.f32 v26;
	v23 =	vtrunc.f32 v12;
	v14 =	vmax.f32 v6, $0.0e+00;
	[tilespmem:v20+s12+$0x0] =	vst.idx.msk vm3, v8;
	v8 =	vld [tilespmem:s20+$0xFFFFF040]  }
0x47: {  	v30 =	vand.u32 $0xFFFFFF80, v21;
	v20 =	vtrunc.f32 v24;
	v24 =	vtrunc.f32 v14;
	[tilespmem:v16+s12+$0x0] =	vst.idx.msk vm2, v9;
	v9 =	vld [tilespmem:s20+$0xFFFFF050];
	v11 =	vmovc v15  }
0x48: {  	v29 =	vcvt.f32.s32 v22;
	v26 =	vcvt.f32.s32 v18;
	v15 =	vadd.s32 v4, v30;
	[tilespmem:v17+s12+$0x0] =	vst.idx.msk vm1, v10;
	v10 =	vld [tilespmem:s20+$0xFFFFF060];
	v12 =	vmovc v25  }
0x49: {  	v31 =	vcvt.f32.s32 v23;
	v16 =	vand.u32 $0x7F, v21;
	v30 =	vcvt.f32.s32 v13;
	v14 =	vld [tilespmem:s20+$0xFFFFF000];
	v13 =	vmovc v19  }
0x4a: {  	v18 =	vcvt.f32.s32 v20;
	v17 =	vcvt.f32.s32 v24;
	v19 =	vand.u32 $0xFFFFFF80, v26;
	[tilespmem:v28+s12+$0x0] =	vst.idx.msk vm5, v27  }
.Ltmp1:
0x4b: {  	v20 =	vand.u32 $0xFFFFFF80, v29;
	v22 =	vand.u32 $0xFFFFFF80, v31;
	v21 =	vand.u32 $0xFFFFFF80, v30;
	(pc) =	sbr.rel @p0 .LBB2_5-.Ltmp1, $4  }
0x4c: {  	v19 =	vadd.s32 v4, v19;
	v27 =	vand.u32 $0xFFFFFF80, v18;
	v28 =	vand.u32 $0xFFFFFF80, v17  }
0x4d: {  	v24 =	vadd.s32 v4, v20;
	v20 =	vadd.s32 v4, v22;
	v23 =	vadd.s32 v4, v21  }
0x4e: {  	v25 =	vand.u32 $0x7F, v26;
	v22 =	vadd.s32 v4, v27;
	v21 =	vadd.s32 v4, v28  }
0x4f: {  	v26 =	vand.u32 $0x7F, v31;
	s20 =	sadd.s32 $0x80, s20;
	v28 =	vand.u32 $0x7F, v29;
	v27 =	vand.u32 $0x7F, v30  }
0x50: {  	v4 =	vor.u32 v16, v15;
	vm1 =	vge.f32 v7, $0.0e+00  }
0x51: {  	v7 =	vor.u32 v25, v19;
	vm2 =	vge.f32 v1, $0.0e+00  }
0x52: {  	v1 =	vor.u32 v28, v24;
	vm3 =	vge.f32 v2, $0.0e+00  }
0x53: {  	v2 =	vor.u32 v27, v23;
	vm4 =	vge.f32 v3, $0.0e+00  }
0x54: {  	v3 =	vand.u32 $0x7F, v18;
	v15 =	vor.u32 v26, v20;
	vm5 =	vge.f32 v5, $0.0e+00  }
0x55: {  	v5 =	vand.u32 $0x7F, v17;
	vm6 =	vge.f32 v6, $0.0e+00;
	v3 =	vor.u32 v3, v22;
	[tilespmem:v4+s12+$0x0] =	vst.idx.msk vm0, v14  }
0x56: {  	v4 =	vor.u32 v5, v21;
	[tilespmem:v7+s12+$0x0] =	vst.idx.msk vm1, v11  }
0x57: {  	[tilespmem:v1+s12+$0x0] =	vst.idx.msk vm2, v12  }
0x58: {  	[tilespmem:v2+s12+$0x0] =	vst.idx.msk vm3, v13  }
0x59: {  	p0 =	seq.s32 s16, $0xF;
	[tilespmem:v15+s12+$0x0] =	vst.idx.msk vm4, v8  }
0x5a: {  	s31 =	simm.s32 $0x3000;
	s18 =	sadd.s32 @!p0 $0x2, s18;
	[tilespmem:v3+s12+$0x0] =	vst.idx.msk vm5, v9  }
0x5b: {  	s20 =	simm.s32 @!p0 $0x400;
	s21 =	simm.s32 @!p0 $0x0;
	s19 =	sshll.u32 @!p0 s18, $0x4;
	[tilespmem:v4+s12+$0x0] =	vst.idx.msk vm6, v10  }
0x5c: {  	s18 =	sshll.u32 @!p0 s18, $0xA;
	s19 =	sand.u32 @!p0 $0x60, s19;
	_ =	swait.ge [sflag:s13], $0x2000  }
0x5d: {  	s18 =	sand.u32 @!p0 $0xFFFE000, s18;
	s19 =	sadd.s32 @!p0 s4, s19;
	[sflag:s13] =	ssyncset.done $0x0  }
0x5e: {  	s18 =	sadd.s32 @!p0 s18, s19;
	s19 =	simm.s32 @!p0 $0x80;
	[sflag:s13] =	ssyncadd.s32 $0xFFFFE000  }
0x5f: {  	[tilespmem:s21], [sflag:$0x1] =	stream.strided.gather @!p0 [hbm4b:s18+s19], $0x2000, s20, s19, $0x38;
	[tilespmem:$0x5000] =	vst v63  }
0x60: {  	v8 =	vld [tilespmem:s31+$0x70]  }
0x61: {  	v5 =	vld [tilespmem:s31+$0x0]  }
0x62: {  	v7 =	vld [tilespmem:s31+$0x10];
	_ =	sdelay $0x1  }
0x63: {  	v1 =	vld [tilespmem:s31+$0x20]  }
0x64: {  	s17 =	sshll.u32 s17, $0x7;
	v2 =	vld [tilespmem:s31+$0x30]  }
0x65: {  	v4 =	vmov s17;
	v3 =	vld [tilespmem:s31+$0x40];
	v6 =	vmax.f32 v8, $0.0e+00  }
0x66: {  	vm0 =	vge.f32 v5, $0.0e+00;
	v9 =	vmax.f32 v5, $0.0e+00;
	v5 =	vld [tilespmem:s31+$0x50];
	v11 =	vmax.f32 v7, $0.0e+00  }
0x67: {  	vm1 =	vge.f32 v8, $0.0e+00;
	v10 =	vtrunc.f32 v6;
	v9 =	vtrunc.f32 v9  }
0x68: {  	v6 =	vld [tilespmem:s31+$0x60];
	v12 =	vtrunc.f32 v11;
	v11 =	vmax.f32 v1, $0.0e+00;
	v10 =	vcvt.f32.s32 v10  }
0x69: {  	v9 =	vcvt.f32.s32 v9;
	v13 =	vtrunc.f32 v11;
	v11 =	vmax.f32 v2, $0.0e+00  }
0x6a: {  	v27 =	vcvt.f32.s32 v13;
	v14 =	vand.u32 $0xFFFFFF80, v10;
	v8 =	vand.u32 $0x7F, v10  }
0x6b: {  	v10 =	vadd.s32 v4, v14;
	v14 =	vmax.f32 v3, $0.0e+00;
	v15 =	vmax.f32 v5, $0.0e+00  }
0x6c: {  	v26 =	vor.u32 v8, v10;
	v8 =	vtrunc.f32 v11;
	v10 =	vtrunc.f32 v14  }
0x6d: {  	v11 =	vmax.f32 v6, $0.0e+00;
	v14 =	vand.u32 $0xFFFFFF80, v9;
	v17 =	vtrunc.f32 v15  }
0x6e: {  	v28 =	vld [tilespmem:s31+$0xFFFFF070];
	v19 =	vtrunc.f32 v11;
	v15 =	vadd.s32 v4, v14;
	v14 =	vcvt.f32.s32 v12  }
0x6f: {  	v13 =	vld [tilespmem:s31+$0xFFFFF030];
	v16 =	vand.u32 $0x7F, v9;
	v29 =	vcvt.f32.s32 v8;
	v30 =	vcvt.f32.s32 v10  }
0x70: {  	v11 =	vld [tilespmem:s31+$0xFFFFF010];
	v18 =	vcvt.f32.s32 v17;
	v10 =	vand.u32 $0xFFFFFF80, v27;
	v17 =	vcvt.f32.s32 v19  }
0x71: {  	v12 =	vld [tilespmem:s31+$0xFFFFF020];
	v24 =	vadd.s32 v4, v10;
	v9 =	vand.u32 $0xFFFFFF80, v14;
	v20 =	vand.u32 $0xFFFFFF80, v29  }
0x72: {  	v8 =	vld [tilespmem:s31+$0xFFFFF040];
	v21 =	vand.u32 $0xFFFFFF80, v30;
	v22 =	vand.u32 $0xFFFFFF80, v18;
	v25 =	vand.u32 $0x7F, v14  }
0x73: {  	v10 =	vld [tilespmem:s31+$0xFFFFF060];
	v19 =	vadd.s32 v4, v9;
	v31 =	vand.u32 $0xFFFFFF80, v17;
	v23 =	vadd.s32 v4, v20  }
0x74: {  	v14 =	vld [tilespmem:s31+$0xFFFFF000];
	v20 =	vadd.s32 v4, v21;
	v22 =	vadd.s32 v4, v22;
	v21 =	vadd.s32 v4, v31  }
0x75: {  	s17 =	simm.s32 $0x0;
	s18 =	simm.s32 $0x3080;
	v9 =	vld [tilespmem:s31+$0xFFFFF050];
	[tilespmem:v26+s12+$0x0] =	vst.idx.msk vm1, v28;
	v28 =	vand.u32 $0x7F, v27;
	v27 =	vand.u32 $0x7F, v29;
	v26 =	vand.u32 $0x7F, v30  }
.LBB2_7:
0x76: {  	v29 =	vld [tilespmem:s18+$0x70];
	s17 =	sadd.s32 $0x8, s17;
	v15 =	vor.u32 v16, v15;
	v16 =	vand.u32 $0x7F, v18;
	v17 =	vand.u32 $0x7F, v17  }
0x77: {  	v19 =	vor.u32 v25, v19;
	v24 =	vor.u32 v28, v24;
	v23 =	vor.u32 v27, v23;
	v18 =	vld [tilespmem:s18+$0x0];
	p0 =	slt.u32 s17, $0xF8  }
0x78: {  	v20 =	vor.u32 v26, v20;
	v16 =	vor.u32 v16, v22;
	v17 =	vor.u32 v17, v21;
	v25 =	vld [tilespmem:s18+$0x10]  }
0x79: {  	vm5 =	vge.f32 v7, $0.0e+00;
	vm6 =	vge.f32 v1, $0.0e+00;
	vm4 =	vge.f32 v2, $0.0e+00;
	v1 =	vld [tilespmem:s18+$0x20]  }
0x7a: {  	vm3 =	vge.f32 v3, $0.0e+00;
	vm2 =	vge.f32 v5, $0.0e+00;
	vm1 =	vge.f32 v6, $0.0e+00;
	v2 =	vld [tilespmem:s18+$0x30]  }
0x7b: {  	v3 =	vld [tilespmem:s18+$0x40];
	v6 =	vmax.f32 v29, $0.0e+00;
	[tilespmem:v15+s12+$0x0] =	vst.idx.msk vm0, v14  }
0x7c: {  	vm0 =	vge.f32 v18, $0.0e+00;
	v21 =	vmax.f32 v18, $0.0e+00;
	v5 =	vld [tilespmem:s18+$0x50];
	v14 =	vtrunc.f32 v6  }
0x7d: {  	v15 =	vtrunc.f32 v21;
	v18 =	vmax.f32 v25, $0.0e+00;
	v6 =	vld [tilespmem:s18+$0x60];
	v14 =	vcvt.f32.s32 v14;
	v7 =	vmovc v25  }
0x7e: {  	v21 =	vcvt.f32.s32 v15;
	v15 =	vld [tilespmem:s18+$0xFFFFF010];
	v18 =	vtrunc.f32 v18;
	v22 =	vmax.f32 v1, $0.0e+00  }
0x7f: {  	v25 =	vld [tilespmem:s18+$0xFFFFF020];
	v22 =	vtrunc.f32 v22;
	v26 =	vmax.f32 v2, $0.0e+00;
	v27 =	vand.u32 $0xFFFFFF80, v14;
	[tilespmem:v19+s12+$0x0] =	vst.idx.msk vm5, v11  }
0x80: {  	vm5 =	vge.f32 v29, $0.0e+00;
	v11 =	vand.u32 $0x7F, v14;
	v19 =	vld [tilespmem:s18+$0xFFFFF030];
	v14 =	vadd.s32 v4, v27;
	[tilespmem:v24+s12+$0x0] =	vst.idx.msk vm6, v12  }
0x81: {  	v12 =	vmax.f32 v3, $0.0e+00;
	v24 =	vmax.f32 v5, $0.0e+00;
	v27 =	vld [tilespmem:s18+$0xFFFFF070];
	v28 =	vor.u32 v11, v14;
	[tilespmem:v23+s12+$0x0] =	vst.idx.msk vm4, v13  }
0x82: {  	v13 =	vtrunc.f32 v26;
	v23 =	vtrunc.f32 v12;
	v14 =	vmax.f32 v6, $0.0e+00;
	[tilespmem:v20+s12+$0x0] =	vst.idx.msk vm3, v8;
	v8 =	vld [tilespmem:s18+$0xFFFFF040]  }
0x83: {  	v30 =	vand.u32 $0xFFFFFF80, v21;
	v20 =	vtrunc.f32 v24;
	v24 =	vtrunc.f32 v14;
	[tilespmem:v16+s12+$0x0] =	vst.idx.msk vm2, v9;
	v9 =	vld [tilespmem:s18+$0xFFFFF050];
	v11 =	vmovc v15  }
0x84: {  	v29 =	vcvt.f32.s32 v22;
	v26 =	vcvt.f32.s32 v18;
	v15 =	vadd.s32 v4, v30;
	[tilespmem:v17+s12+$0x0] =	vst.idx.msk vm1, v10;
	v10 =	vld [tilespmem:s18+$0xFFFFF060];
	v12 =	vmovc v25  }
0x85: {  	v31 =	vcvt.f32.s32 v23;
	v16 =	vand.u32 $0x7F, v21;
	v30 =	vcvt.f32.s32 v13;
	v14 =	vld [tilespmem:s18+$0xFFFFF000];
	v13 =	vmovc v19  }
0x86: {  	v18 =	vcvt.f32.s32 v20;
	v17 =	vcvt.f32.s32 v24;
	v19 =	vand.u32 $0xFFFFFF80, v26;
	[tilespmem:v28+s12+$0x0] =	vst.idx.msk vm5, v27  }
.Ltmp2:
0x87: {  	v20 =	vand.u32 $0xFFFFFF80, v29;
	v22 =	vand.u32 $0xFFFFFF80, v31;
	v21 =	vand.u32 $0xFFFFFF80, v30;
	(pc) =	sbr.rel @p0 .LBB2_7-.Ltmp2, $4  }
0x88: {  	v19 =	vadd.s32 v4, v19;
	v27 =	vand.u32 $0xFFFFFF80, v18;
	v28 =	vand.u32 $0xFFFFFF80, v17  }
0x89: {  	v24 =	vadd.s32 v4, v20;
	v20 =	vadd.s32 v4, v22;
	v23 =	vadd.s32 v4, v21  }
0x8a: {  	v25 =	vand.u32 $0x7F, v26;
	v22 =	vadd.s32 v4, v27;
	v21 =	vadd.s32 v4, v28  }
0x8b: {  	v26 =	vand.u32 $0x7F, v31;
	s18 =	sadd.s32 $0x80, s18;
	v28 =	vand.u32 $0x7F, v29;
	v27 =	vand.u32 $0x7F, v30  }
0x8c: {  	v4 =	vor.u32 v16, v15;
	vm1 =	vge.f32 v7, $0.0e+00  }
0x8d: {  	v60 =	vor.u32 v25, v19;
	vm2 =	vge.f32 v1, $0.0e+00  }
0x8e: {  	v1 =	vor.u32 v28, v24;
	vm3 =	vge.f32 v2, $0.0e+00  }
0x8f: {  	v2 =	vor.u32 v27, v23;
	vm4 =	vge.f32 v3, $0.0e+00  }
0x90: {  	v3 =	vand.u32 $0x7F, v18;
	v61 =	vor.u32 v26, v20;
	vm5 =	vge.f32 v5, $0.0e+00  }
0x91: {  	v62 =	vand.u32 $0x7F, v17;
	vm6 =	vge.f32 v6, $0.0e+00;
	s16 =	sadd.s32 $0x1, s16;
	v3 =	vor.u32 v3, v22;
	[tilespmem:v4+s12+$0x0] =	vst.idx.msk vm0, v14  }
0x92: {  	v63 =	vor.u32 v62, v21;
	p0 =	sne.s32 s16, $0x10;
	[tilespmem:v60+s12+$0x0] =	vst.idx.msk vm1, v11  }
.Ltmp3:
0x93: {  	[tilespmem:v1+s12+$0x0] =	vst.idx.msk vm2, v12;
	(pc) =	sbr.rel @p0 .LBB2_4-.Ltmp3, $4  }
0x94: {  	[tilespmem:v2+s12+$0x0] =	vst.idx.msk vm3, v13  }
0x95: {  	[tilespmem:v61+s12+$0x0] =	vst.idx.msk vm4, v8  }
0x96: {  	[tilespmem:v3+s12+$0x0] =	vst.idx.msk vm5, v9  }
0x97: {  	[tilespmem:v63+s12+$0x0] =	vst.idx.msk vm6, v10  }
0x98: {  	s15 =	sadd.s32 $0x1, s15  }
0x99: {  	p0 =	sne.s32 s15, s7  }
.Ltmp4:
0x9a: {  	_ = 	snop;
	(pc) =	sbr.rel @p0 .LBB2_1-.Ltmp4, $4  }
0x9b: {  	[hbm4b:s6+s2] =	stream.linear.scatter [tilespmem:s12], [sflag:$0x3], $0x1000, $0x38;
	[tilespmem:$0x5000] =	vst v63  }
0x9c: {  	_ =	swait.ge [sflag:s14], $0x1000  }
0x9d: {  	[sflag:s14] =	ssyncset.done $0x0  }
0x9e: {  	[sflag:s14] =	ssyncadd.s32 $0xFFFFF000  }
0x9f: {  	_ =	sfence.sel $0x180000  }
0xa0: {  	[bflag:$0x0] =	sbarrier.arrive $0xFFFF  }
0xa1: {  	p0 =	sne.s32 s1, $0x0;
	_ =	strace $0x9000004A  }
0xa2: {  	s0 =	sadd.s32 @!p0 $0x100000, s0;
	[bflag:$0x2] =	sbarrier.arrive $0xFFFF  }
0xa3: {  	[sflag:s0] =	ssyncadd.tile.s32 @!p0 $0x1;
	_ =	shalt  }
.Lfunc_end2:
_tile_overlayer_lowered:
.L_overlay_start_2:
0xa4: {  	(tag) =	ssettag $0x2  }
0xa5: {  	s0 =	rddreg [dreg:$0x0];
	s2 =	stileid.u32  }
0xa6: {  	s1 =	rddreg [dreg:$0x1];
	p0 =	sne.s32 s2, $0x0  }
0xa7: {  	s3 =	rddreg [dreg:$0x2];
	[bflag:$0x3] =	sbarrier.arrive $0xFFFF;
	s2 =	simm.s32 @!p0 $0x1C03  }
0xa8: {  	[timem:s3], [sflag:s2] =	dma.local @!p0 [hbm:s0], s1  }
0xa9: {  	s0 =	simm.s32 @!p0 $0x3  }
0xaa: {  	_ =	swait.ge @!p0 [sflag:s0], s1  }
0xab: {  	s1 =	ssub.s32 @!p0 $0x0, s1;
	[sflag:s0] =	ssyncset.done @!p0 $0x0  }
0xac: {  	[sflag:s0] =	ssyncadd.s32 @!p0 s1  }
0xad: {  	[bflag:$0x3] =	sbarrier.arrive $0xFFFF  }
0xae: {  	_ =	shalt  }

// kernel: kernel.23.cloned.1.call-start
scs
__scs_entry_jumppad:
0x0: {  	(pc) =	sbr.rel $0x88, $3  }
0x1: {  	(tag) =	ssettag $0x0;
	lr =	simm.s32 $0x1  }
0x2: {  	[smem:$0x3F9F] =	sst lr;
	_ =	strace $0xD0000000  }
0x3: {  	_ = 	snop  }
0x4: {  	_ = 	snop  }
0x5: {  	_ = 	snop  }
0x6: {  	_ = 	snop  }
0x7: {  	_ = 	snop  }
__scs_overlays_trampoline_lowered:
0x8: {  	[smem:$0x3FAE] =	sst s0  }
0x9: {  	[smem:$0x3FAF] =	sst s1  }
0xa: {  	[smem:$0x3FB0] =	sst s2  }
0xb: {  	[smem:$0x3FB1] =	sst s3  }
0xc: {  	[smem:$0x3FB2] =	sst s4  }
0xd: {  	[smem:$0x3FB3] =	sst s5  }
0xe: {  	[smem:$0x3FB4] =	sst s6  }
0xf: {  	[smem:$0x3FB5] =	sst s7  }
0x10: {  	[smem:$0x3FB6] =	sst s8  }
0x11: {  	[smem:$0x3FB7] =	sst s9;
	s0 =	simm.s32 @!p0 $0x0  }
0x12: {  	s1 =	sld [smem:$0x3F9D];
	s0 =	simm.s32 @p0 $0x1  }
0x13: {  	[smem:$0x3FB8] =	sst s0;
	s0 =	simm.s32 @!p1 $0x0  }
0x14: {  	s2 =	sld [smem:$0x3F9C];
	s0 =	simm.s32 @p1 $0x1  }
0x15: {  	[smem:$0x3FB9] =	sst s0;
	s0 =	simm.s32 @!p2 $0x0  }
0x16: {  	s3 =	sld [smem:$0x3FDB];
	s0 =	simm.s32 @p2 $0x1  }
0x17: {  	s4 =	simm.s32 $0x1BF5;
	[smem:$0x3FBB] =	sst s0  }
0x18: {  	s0 =	sld [smem:$0x3F9E];
	_ =	swait.ge [sflag:s4], $0x0  }
0x19: {  	s7 =	sld [smem:$0x3F9F]  }
0x1a: {  	s8 =	sadd.s32 $0xFFFFE003, lr  }
0x1b: {  	s9 =	sadd.s32 $0xFFFFFEF7, lr;
	s5 =	simm.s32 $0xFFFFFFFF;
	p2 =	slt.u32 s8, $0xFFFFF086  }
0x1c: {  	p1 =	slt.u32 s9, $0xF7A;
	s5 =	simm.s32 @!p2 $0x0  }
0x1d: {  	s5 =	simm.s32 @p1 $0x1;
	p0 =	seq.s32 s7, s2  }
0x1e: {  	s7 =	smul.u32 @!p0 $0xF7A, s2;
	p2 =	seq.s32 @!p0 s5, $0x0  }
0x1f: {  	s9 =	smul.u32 $0xF7A, s1;
	s8 =	simm.s32 @!p0 $0x1BF5;
	p2 =	por !p2, p0  }
0x20: {  	[sflag:s8] =	ssyncset.s32 @!p0 $0xFFFFF086;
	s6 =	sadd.s32 @!p0 s3, s7;
	s7 =	simm.s32 @!p0 $0x108  }
0x21: {  	s3 =	sadd.s32 s3, s9;
	s6 =	sadd.s32 @!p0 $0x88, s6;
	s7 =	simm.s32 @p2 $0x1082  }
0x22: {  	[simem:s7], [sflag:s8] =	dma.local @!p0 [hbm:s6], $0xF7A  }
0x23: {  	s9 =	sor.u32 $0xD0000000, s2;
	s6 =	simm.s32 $0x108;
	_ =	swait.ge @!p0 [sflag:s8], $0x0  }
0x24: {  	s3 =	sadd.s32 $0x88, s3;
	s6 =	simm.s32 @!p1 $0x1082;
	[sflag:s4] =	ssyncset.s32 $0xFFFFF086  }
0x25: {  	[simem:s6], [sflag:s4] =	dma.local [hbm:s3], $0xF7A  }
0x26: {  	[smem:$0x3F9F] =	sst s1;
	(tag) =	ssettag s2;
	_ =	strace s9  }
0x27: {  	s1 =	sld [smem:$0x3FAF]  }
0x28: {  	s2 =	sld [smem:$0x3FB0]  }
0x29: {  	s4 =	sld [smem:$0x3FB2]  }
0x2a: {  	p0 =	seq.s32 s5, $0x0;
	s5 =	sld [smem:$0x3FB3]  }
0x2b: {  	s6 =	sld [smem:$0x3FB4]  }
0x2c: {  	s7 =	sld [smem:$0x3FB5]  }
0x2d: {  	s3 =	simm.s32 $0x108;
	s8 =	sld [smem:$0x3FB6]  }
0x2e: {  	s3 =	simm.s32 @!p0 $0x1082;
	s9 =	sld [smem:$0x3FB7]  }
0x2f: {  	lr =	sadd.s32 s0, s3;
	s0 =	sld [smem:$0x3FAE]  }
0x30: {  	s3 =	sld [smem:$0x3FB1]  }
0x31: {  	[smem:$0x3FBA] =	sst s10  }
0x32: {  	s10 =	sld [smem:$0x3FB8];
	_ =	sdelay $0x3  }
0x33: {  	p0 =	seq.s32 s10, $0x1;
	s10 =	sld [smem:$0x3FBA];
	_ =	sdelay $0x3  }
0x34: {  	[smem:$0x3FBA] =	sst s10  }
0x35: {  	s10 =	sld [smem:$0x3FB9];
	_ =	sdelay $0x3  }
0x36: {  	p1 =	seq.s32 s10, $0x1;
	s10 =	sld [smem:$0x3FBA];
	_ =	sdelay $0x3  }
0x37: {  	[smem:$0x3FBA] =	sst s10  }
0x38: {  	s10 =	sld [smem:$0x3FBB]  }
0x39: {  	_ = 	snop;
	(pc) =	sbr.ind lr, $3  }
0x3a: {  	_ = 	snop  }
0x3b: {  	_ = 	snop  }
0x3c: {  	p2 =	seq.s32 s10, $0x1;
	s10 =	sld [smem:$0x3FBA]  }
0x3d: {  	_ =	shalt  }
0x3e: {  	_ =	shalt  }
0x3f: {  	_ =	shalt  }
0x40: {  	_ =	shalt  }
0x41: {  	_ =	shalt  }
0x42: {  	_ =	shalt  }
0x43: {  	_ =	shalt  }
0x44: {  	_ =	shalt  }
0x45: {  	_ =	shalt  }
0x46: {  	_ =	shalt  }
0x47: {  	_ =	shalt  }
0x48: {  	_ =	shalt  }
0x49: {  	_ =	shalt  }
0x4a: {  	_ =	shalt  }
0x4b: {  	_ =	shalt  }
0x4c: {  	_ =	shalt  }
0x4d: {  	_ =	shalt  }
0x4e: {  	_ =	shalt  }
0x4f: {  	_ =	shalt  }
0x50: {  	_ =	shalt  }
0x51: {  	_ =	shalt  }
0x52: {  	_ =	shalt  }
0x53: {  	_ =	shalt  }
0x54: {  	_ =	shalt  }
0x55: {  	_ =	shalt  }
0x56: {  	_ =	shalt  }
0x57: {  	_ =	shalt  }
0x58: {  	_ =	shalt  }
0x59: {  	_ =	shalt  }
0x5a: {  	_ =	shalt  }
0x5b: {  	_ =	shalt  }
0x5c: {  	_ =	shalt  }
0x5d: {  	_ =	shalt  }
0x5e: {  	_ =	shalt  }
0x5f: {  	_ =	shalt  }
0x60: {  	_ =	shalt  }
0x61: {  	_ =	shalt  }
0x62: {  	_ =	shalt  }
0x63: {  	_ =	shalt  }
0x64: {  	_ =	shalt  }
0x65: {  	_ =	shalt  }
0x66: {  	_ =	shalt  }
0x67: {  	_ =	shalt  }
0x68: {  	_ =	shalt  }
0x69: {  	_ =	shalt  }
0x6a: {  	_ =	shalt  }
0x6b: {  	_ =	shalt  }
0x6c: {  	_ =	shalt  }
0x6d: {  	_ =	shalt  }
0x6e: {  	_ =	shalt  }
0x6f: {  	_ =	shalt  }
0x70: {  	_ =	shalt  }
0x71: {  	_ =	shalt  }
0x72: {  	_ =	shalt  }
0x73: {  	_ =	shalt  }
0x74: {  	_ =	shalt  }
0x75: {  	_ =	shalt  }
0x76: {  	_ =	shalt  }
0x77: {  	_ =	shalt  }
0x78: {  	_ =	shalt  }
0x79: {  	_ =	shalt  }
0x7a: {  	_ =	shalt  }
0x7b: {  	_ =	shalt  }
0x7c: {  	_ =	shalt  }
0x7d: {  	_ =	shalt  }
0x7e: {  	_ =	shalt  }
0x7f: {  	_ =	shalt  }
0x80: {  	_ =	shalt  }
0x81: {  	_ =	shalt  }
0x82: {  	_ =	shalt  }
0x83: {  	_ =	shalt  }
0x84: {  	_ =	shalt  }
0x85: {  	_ =	shalt  }
0x86: {  	_ =	shalt  }
0x87: {  	_ =	shalt  }
.Lfunc_end0:
.L_simem_size_0:
called_computation.3_lowered:
.L_overlay_start_0:
0x88: {  	s2 =	sld [smem:$0x3FD9]  }
0x89: {  	s3 =	sld [smem:$0x3FFE];
	_ =	sdelay $0x1  }
0x8a: {  	s1 =	srdreg.scid  }
0x8b: {  	s0 =	sand.u32 $0x1, s1  }
0x8c: {  	s16 =	sshll.u32 s0, $0xA;
	s2 =	sadd.s32 s3, s2  }
0x8d: {  	s2 =	sadd.s32 s2, s16  }
0x8e: {  	[smem:$0x3FC6] =	sst s2  }
0x8f: {  	_ = 	snop  }
0x90: {  	(tm) =	ssettm $0x1  }
0x91: {  	s17 =	sld [smem:$0x3FFB];
	_ =	sdelay $0x3  }
0x92: {  	_ =	strace s17  }
0x93: {  	s2 =	sld [smem:$0x3FFC];
	_ =	sdelay $0x3  }
0x94: {  	_ =	strace s2  }
0x95: {  	s2 =	sld [smem:$0x3FFD];
	_ =	sdelay $0x3  }
0x96: {  	_ =	strace s2  }
0x97: {  	_ =	strace $0x8FFFFFFF  }
0x98: {  	s18 =	sld [smem:$0x3FDB];
	_ =	sdelay $0x1  }
0x99: {  	s19 =	simm.s32 $_scs_section_size  }
0x9a: {  	s4 =	simm.s32 $_size__tile_overlayer_lowered;
	s5 =	simm.s32 $_tile_overlayer_lowered  }
0x9b: {  	s22 =	simm.s32 $0x1BFF;
	s21 =	sshll.u32 s5, $0x1;
	s2 =	sadd.s32 s19, s18  }
0x9c: {  	s6 =	simm.s32 $0x0;
	s20 =	sshll.u32 s4, $0x1;
	s4 =	sadd.s32 s21, s2  }
0x9d: {  	[timem:s6], [sflag:s22] =	dma.local [hbm:s4], s20  }
0x9e: {  	_ =	swait.ge [sflag:s22], s20  }
0x9f: {  	s3 =	ssub.s32 $0x0, s20;
	[sflag:s22] =	ssyncset.done $0x0  }
0xa0: {  	[sflag:s22] =	ssyncadd.s32 s3;
	_ =	sdelay $0x1  }
0xa1: {  	s23 =	simm.s32 $0x1B8B  }
0xa2: {  	_ =	swait.ge [sflag:s23], $0x1  }
0xa3: {  	[sflag:s23] =	ssyncset.done $0x0  }
0xa4: {  	s25 =	simm.s32 $0x1B8E;
	s24 =	sld [smem:$0x3FFE];
	[sflag:s23] =	ssyncadd.s32 $0xFFFFFFFF  }
0xa5: {  	s26 =	simm.s32 $execute0_lowered;
	[smem:$0x3FD2] =	sst s25  }
0xa6: {  	s4 =	sshll.u32 s26, $0x1;
	_ =	strace $0x80000046;
	[dreg:$0x1] =	wrdreg $0xFFFFFFFF  }
0xa7: {  	s28 =	simm.s32 $_size_execute0_lowered;
	s2 =	sadd.s32 s2, s4;
	[dreg:$0x0] =	wrdreg $0x0  }
0xa8: {  	s4 =	sshll.u32 s28, $0x1;
	[dreg:$0x2] =	wrdreg s2  }
0xa9: {  	[dreg:$0x3] =	wrdreg s4  }
0xaa: {  	[dreg:$0x4] =	wrdreg $0xC0  }
0xab: {  	_ =	task [dreg:s6], $0x5FFFF  }
0xac: {  	[dreg:$0x1] =	wrdreg $0xFFFFFFFF  }
0xad: {  	[dreg:$0x0] =	wrdreg $0x60  }
0xae: {  	[dreg:$0x2] =	wrdreg s24  }
0xaf: {  	[dreg:$0x3] =	wrdreg $0xC  }
0xb0: {  	_ =	task.clear_ibuf [dreg:s6], $0x4FFFF;
	_ =	strace $0x90000046  }
0xb1: {  	s29 =	simm.s32 $0xC;
	_ =	strace $0x80000048  }
0xb2: {  	_ =	swait.ge [sflag:s29], $0x1  }
0xb3: {  	[sflag:s29] =	ssyncadd.s32 $0xFFFFFFFF  }
0xb4: {  	_ =	strace $0x90000048  }
0xb5: {  	_ =	sfence  }
0xb6: {  	s30 =	sld [smem:$0x0];
	_ =	sdelay $0x2  }
0xb7: {  	s31 =	sshll.u32 s1, $0xD;
	s1 =	sshrl.u32 s1, $0x2  }
0xb8: {  	s3 =	sand.u32 $0x4000, s31;
	s1 =	sadd.s32 s1, s30  }
0xb9: {  	s0 =	sor.u32 s3, s0;
	s1 =	sshll.u32 s1, $0x11  }
0xba: {  	s0 =	sor.u32 s1, s0  }
0xbb: {  	s0 =	sadd.s32 $0x8F2B, s0  }
0xbc: {  	[sflag:s0] =	ssyncadd.remote.s32 $0x1  }
0xbd: {  	_ =	sfence.sel $0xFFFF  }
0xbe: {  	[dreg:$0x0] =	wrdreg $0xFFFFFFFF;
	(pc) =	sbr.abs _section_cstart, $3  }
0xbf: {  	[dreg:$0x1] =	wrdreg $0xFFFFFFFF  }
0xc0: {  	_ =	task.clear_ibuf [dreg:s6], $0x2FFFF;
	_ =	strace $0x9FFFFFFF  }
0xc1: {  	(tm) =	ssettm $0x7FFFFFFF  }
tec
execute0_lowered:
.L_overlay_start_1:
0x0: {  	(tag) =	ssettag $0x1  }
0x1: {  	s5 =	rddreg [dreg:$0x0]  }
0x2: {  	s0 =	rddreg [dreg:$0x1]  }
0x3: {  	s3 =	srdreg.scid;
	s2 =	simm.s32 $0x0;
	s1 =	stileid.u32  }
0x4: {  	s10 =	simm.s32 $0x1;
	s11 =	simm.s32 $0x2000;
	s12 =	simm.s32 $0x4000  }
0x5: {  	s13 =	simm.s32 $0x2;
	s14 =	simm.s32 $0x3;
	s15 =	simm.s32 $0x0  }
0x6: {  	s6 =	sand.u32 $0x1, s3;
	[smem:$0x7FF] =	sst s2;
	s30 =	sshll.u32 s1, $0x6  }
0x7: {  	s4 =	sshll.u32 s6, $0x5;
	_ =	strace $0x80000047;
	s6 =	ssub.s32 $0x2, s6  }
0x8: {  	s3 =	sor.u32 s4, s30;
	s4 =	sadd.s32 $0x1C00, s5;
	s31 =	sshrl.u32 s6, $0x1  }
0x9: {  	s7 =	sshll.u32 s3, $0x4;
	s8 =	sshll.u32 s3, $0xA;
	s9 =	ssub.s32 s6, s31  }
0xa: {  	s7 =	sadd.s32 s7, s5;
	s5 =	sadd.s32 s4, s8;
	s8 =	simm.s32 $0x80  }
0xb: {  	v0 =	vimm.f32 $9.999999680e+37;
	s6 =	sadd.s32 $0x101C00, s7;
	s7 =	smax.u32 s9, $0x1;
	s9 =	simm.s32 $0x400  }
.LBB2_1:
0xc: {  	s16 =	simm.s32 $0x0;
	s17 =	simm.s32 $0x200  }
.LBB2_2:
0xd: {  	p0 =	sne.s32 s17, $0x3E00;
	[tilespmem:s16+$0x4070] =	vst v0  }
0xe: {  	[tilespmem:s16+$0x4000] =	vst v0  }
0xf: {  	[tilespmem:s16+$0x4010] =	vst v0  }
.Ltmp0:
0x10: {  	[tilespmem:s16+$0x4020] =	vst v0;
	(pc) =	sbr.rel @p0 .LBB2_2-.Ltmp0, $4  }
0x11: {  	[tilespmem:s16+$0x4030] =	vst v0  }
0x12: {  	[tilespmem:s16+$0x4040] =	vst v0  }
0x13: {  	[tilespmem:s16+$0x4050] =	vst v0  }
0x14: {  	[tilespmem:s16+$0x4060] =	vst v0;
	s16 =	sshra.s32 s17, $0x2;
	s17 =	sadd.s32 $0x200, s17  }
0x15: {  	[tilespmem:s16+$0x4070] =	vst v0  }
0x16: {  	[tilespmem:s16+$0x4000] =	vst v0  }
0x17: {  	[tilespmem:s16+$0x4010] =	vst v0  }
0x18: {  	[tilespmem:s16+$0x4020] =	vst v0  }
0x19: {  	[tilespmem:s16+$0x4030] =	vst v0  }
0x1a: {  	[tilespmem:s16+$0x4040] =	vst v0  }
0x1b: {  	[tilespmem:s16+$0x4050] =	vst v0  }
0x1c: {  	[tilespmem:s16+$0x4060] =	vst v0;
	s16 =	simm.s32 $0x0  }
0x1d: {  	[tilespmem:s16], [sflag:$0x1] =	stream.strided.gather [hbm4b:s5+s8], $0x2000, s9, s8, $0x38;
	[tilespmem:$0x5000] =	vst v63  }
.LBB2_4:
0x1e: {  	s18 =	sshll.u32 s16, $0x1;
	s17 =	sshllo.u32 s16, $0x1  }
0x1f: {  	s18 =	sor.u32 s3, s18;
	s19 =	sshll.u32 s17, $0x4  }
0x20: {  	_ =	swait.ge [sflag:s10], $0x2000;
	s20 =	sshll.u32 s18, $0xA;
	s19 =	sand.u32 $0x70, s19  }
0x21: {  	[sflag:s10] =	ssyncset.done $0x0;
	s20 =	sand.u32 $0xFE000, s20;
	s19 =	sadd.s32 s4, s19  }
0x22: {  	s30 =	simm.s32 $0x1000;
	[sflag:s10] =	ssyncadd.s32 $0xFFFFE000;
	s19 =	sadd.s32 s20, s19  }
0x23: {  	[tilespmem:s11], [sflag:$0x2] =	stream.strided.gather [hbm4b:s19+s8], $0x2000, s9, s8, $0x38;
	[tilespmem:$0x5000] =	vst v63  }
0x24: {  	v8 =	vld [tilespmem:s30+$0x70]  }
0x25: {  	v5 =	vld [tilespmem:s30+$0x0]  }
0x26: {  	v7 =	vld [tilespmem:s30+$0x10];
	_ =	sdelay $0x1  }
0x27: {  	v1 =	vld [tilespmem:s30+$0x20]  }
0x28: {  	s31 =	sshll.u32 s16, $0x8;
	v2 =	vld [tilespmem:s30+$0x30]  }
0x29: {  	v4 =	vmov s31;
	v3 =	vld [tilespmem:s30+$0x40];
	v6 =	vmax.f32 v8, $0.0e+00  }
0x2a: {  	vm0 =	vge.f32 v5, $0.0e+00;
	v9 =	vmax.f32 v5, $0.0e+00;
	v5 =	vld [tilespmem:s30+$0x50];
	v11 =	vmax.f32 v7, $0.0e+00  }
0x2b: {  	vm1 =	vge.f32 v8, $0.0e+00;
	v10 =	vtrunc.f32 v6;
	v9 =	vtrunc.f32 v9  }
0x2c: {  	v6 =	vld [tilespmem:s30+$0x60];
	v12 =	vtrunc.f32 v11;
	v11 =	vmax.f32 v1, $0.0e+00;
	v10 =	vcvt.f32.s32 v10  }
0x2d: {  	v9 =	vcvt.f32.s32 v9;
	v13 =	vtrunc.f32 v11;
	v11 =	vmax.f32 v2, $0.0e+00  }
0x2e: {  	v27 =	vcvt.f32.s32 v13;
	v14 =	vand.u32 $0xFFFFFF80, v10;
	v8 =	vand.u32 $0x7F, v10  }
0x2f: {  	v10 =	vadd.s32 v4, v14;
	v14 =	vmax.f32 v3, $0.0e+00;
	v15 =	vmax.f32 v5, $0.0e+00  }
0x30: {  	v26 =	vor.u32 v8, v10;
	v8 =	vtrunc.f32 v11;
	v10 =	vtrunc.f32 v14  }
0x31: {  	v11 =	vmax.f32 v6, $0.0e+00;
	v14 =	vand.u32 $0xFFFFFF80, v9;
	v17 =	vtrunc.f32 v15  }
0x32: {  	v28 =	vld [tilespmem:s30+$0xFFFFF070];
	v19 =	vtrunc.f32 v11;
	v15 =	vadd.s32 v4, v14;
	v14 =	vcvt.f32.s32 v12  }
0x33: {  	v13 =	vld [tilespmem:s30+$0xFFFFF030];
	v16 =	vand.u32 $0x7F, v9;
	v29 =	vcvt.f32.s32 v8;
	v30 =	vcvt.f32.s32 v10  }
0x34: {  	v11 =	vld [tilespmem:s30+$0xFFFFF010];
	v18 =	vcvt.f32.s32 v17;
	v10 =	vand.u32 $0xFFFFFF80, v27;
	v17 =	vcvt.f32.s32 v19  }
0x35: {  	v12 =	vld [tilespmem:s30+$0xFFFFF020];
	v24 =	vadd.s32 v4, v10;
	v9 =	vand.u32 $0xFFFFFF80, v14;
	v20 =	vand.u32 $0xFFFFFF80, v29  }
0x36: {  	v8 =	vld [tilespmem:s30+$0xFFFFF040];
	v21 =	vand.u32 $0xFFFFFF80, v30;
	v22 =	vand.u32 $0xFFFFFF80, v18;
	v25 =	vand.u32 $0x7F, v14  }
0x37: {  	v10 =	vld [tilespmem:s30+$0xFFFFF060];
	v19 =	vadd.s32 v4, v9;
	v31 =	vand.u32 $0xFFFFFF80, v17;
	v23 =	vadd.s32 v4, v20  }
0x38: {  	v14 =	vld [tilespmem:s30+$0xFFFFF000];
	v20 =	vadd.s32 v4, v21;
	v22 =	vadd.s32 v4, v22;
	v21 =	vadd.s32 v4, v31  }
0x39: {  	s20 =	simm.s32 $0x1080;
	s19 =	simm.s32 $0x0;
	v9 =	vld [tilespmem:s30+$0xFFFFF050];
	[tilespmem:v26+s12+$0x0] =	vst.idx.msk vm1, v28;
	v28 =	vand.u32 $0x7F, v27;
	v27 =	vand.u32 $0x7F, v29;
	v26 =	vand.u32 $0x7F, v30  }
.LBB2_5:
0x3a: {  	v29 =	vld [tilespmem:s20+$0x70];
	s19 =	sadd.s32 $0x8, s19;
	v15 =	vor.u32 v16, v15;
	v16 =	vand.u32 $0x7F, v18;
	v17 =	vand.u32 $0x7F, v17  }
0x3b: {  	v19 =	vor.u32 v25, v19;
	v24 =	vor.u32 v28, v24;
	v23 =	vor.u32 v27, v23;
	v18 =	vld [tilespmem:s20+$0x0];
	p0 =	slt.u32 s19, $0xF8  }
0x3c: {  	v20 =	vor.u32 v26, v20;
	v16 =	vor.u32 v16, v22;
	v17 =	vor.u32 v17, v21;
	v25 =	vld [tilespmem:s20+$0x10]  }
0x3d: {  	vm5 =	vge.f32 v7, $0.0e+00;
	vm6 =	vge.f32 v1, $0.0e+00;
	vm4 =	vge.f32 v2, $0.0e+00;
	v1 =	vld [tilespmem:s20+$0x20]  }
0x3e: {  	vm3 =	vge.f32 v3, $0.0e+00;
	vm2 =	vge.f32 v5, $0.0e+00;
	vm1 =	vge.f32 v6, $0.0e+00;
	v2 =	vld [tilespmem:s20+$0x30]  }
0x3f: {  	v3 =	vld [tilespmem:s20+$0x40];
	v6 =	vmax.f32 v29, $0.0e+00;
	[tilespmem:v15+s12+$0x0] =	vst.idx.msk vm0, v14  }
0x40: {  	vm0 =	vge.f32 v18, $0.0e+00;
	v21 =	vmax.f32 v18, $0.0e+00;
	v5 =	vld [tilespmem:s20+$0x50];
	v14 =	vtrunc.f32 v6  }
0x41: {  	v15 =	vtrunc.f32 v21;
	v18 =	vmax.f32 v25, $0.0e+00;
	v6 =	vld [tilespmem:s20+$0x60];
	v14 =	vcvt.f32.s32 v14;
	v7 =	vmovc v25  }
0x42: {  	v21 =	vcvt.f32.s32 v15;
	v15 =	vld [tilespmem:s20+$0xFFFFF010];
	v18 =	vtrunc.f32 v18;
	v22 =	vmax.f32 v1, $0.0e+00  }
0x43: {  	v25 =	vld [tilespmem:s20+$0xFFFFF020];
	v22 =	vtrunc.f32 v22;
	v26 =	vmax.f32 v2, $0.0e+00;
	v27 =	vand.u32 $0xFFFFFF80, v14;
	[tilespmem:v19+s12+$0x0] =	vst.idx.msk vm5, v11  }
0x44: {  	vm5 =	vge.f32 v29, $0.0e+00;
	v11 =	vand.u32 $0x7F, v14;
	v19 =	vld [tilespmem:s20+$0xFFFFF030];
	v14 =	vadd.s32 v4, v27;
	[tilespmem:v24+s12+$0x0] =	vst.idx.msk vm6, v12  }
0x45: {  	v12 =	vmax.f32 v3, $0.0e+00;
	v24 =	vmax.f32 v5, $0.0e+00;
	v27 =	vld [tilespmem:s20+$0xFFFFF070];
	v28 =	vor.u32 v11, v14;
	[tilespmem:v23+s12+$0x0] =	vst.idx.msk vm4, v13  }
0x46: {  	v13 =	vtrunc.f32 v26;
	v23 =	vtrunc.f32 v12;
	v14 =	vmax.f32 v6, $0.0e+00;
	[tilespmem:v20+s12+$0x0] =	vst.idx.msk vm3, v8;
	v8 =	vld [tilespmem:s20+$0xFFFFF040]  }
0x47: {  	v30 =	vand.u32 $0xFFFFFF80, v21;
	v20 =	vtrunc.f32 v24;
	v24 =	vtrunc.f32 v14;
	[tilespmem:v16+s12+$0x0] =	vst.idx.msk vm2, v9;
	v9 =	vld [tilespmem:s20+$0xFFFFF050];
	v11 =	vmovc v15  }
0x48: {  	v29 =	vcvt.f32.s32 v22;
	v26 =	vcvt.f32.s32 v18;
	v15 =	vadd.s32 v4, v30;
	[tilespmem:v17+s12+$0x0] =	vst.idx.msk vm1, v10;
	v10 =	vld [tilespmem:s20+$0xFFFFF060];
	v12 =	vmovc v25  }
0x49: {  	v31 =	vcvt.f32.s32 v23;
	v16 =	vand.u32 $0x7F, v21;
	v30 =	vcvt.f32.s32 v13;
	v14 =	vld [tilespmem:s20+$0xFFFFF000];
	v13 =	vmovc v19  }
0x4a: {  	v18 =	vcvt.f32.s32 v20;
	v17 =	vcvt.f32.s32 v24;
	v19 =	vand.u32 $0xFFFFFF80, v26;
	[tilespmem:v28+s12+$0x0] =	vst.idx.msk vm5, v27  }
.Ltmp1:
0x4b: {  	v20 =	vand.u32 $0xFFFFFF80, v29;
	v22 =	vand.u32 $0xFFFFFF80, v31;
	v21 =	vand.u32 $0xFFFFFF80, v30;
	(pc) =	sbr.rel @p0 .LBB2_5-.Ltmp1, $4  }
0x4c: {  	v19 =	vadd.s32 v4, v19;
	v27 =	vand.u32 $0xFFFFFF80, v18;
	v28 =	vand.u32 $0xFFFFFF80, v17  }
0x4d: {  	v24 =	vadd.s32 v4, v20;
	v20 =	vadd.s32 v4, v22;
	v23 =	vadd.s32 v4, v21  }
0x4e: {  	v25 =	vand.u32 $0x7F, v26;
	v22 =	vadd.s32 v4, v27;
	v21 =	vadd.s32 v4, v28  }
0x4f: {  	v26 =	vand.u32 $0x7F, v31;
	s20 =	sadd.s32 $0x80, s20;
	v28 =	vand.u32 $0x7F, v29;
	v27 =	vand.u32 $0x7F, v30  }
0x50: {  	v4 =	vor.u32 v16, v15;
	vm1 =	vge.f32 v7, $0.0e+00  }
0x51: {  	v7 =	vor.u32 v25, v19;
	vm2 =	vge.f32 v1, $0.0e+00  }
0x52: {  	v1 =	vor.u32 v28, v24;
	vm3 =	vge.f32 v2, $0.0e+00  }
0x53: {  	v2 =	vor.u32 v27, v23;
	vm4 =	vge.f32 v3, $0.0e+00  }
0x54: {  	v3 =	vand.u32 $0x7F, v18;
	v15 =	vor.u32 v26, v20;
	vm5 =	vge.f32 v5, $0.0e+00  }
0x55: {  	v5 =	vand.u32 $0x7F, v17;
	vm6 =	vge.f32 v6, $0.0e+00;
	v3 =	vor.u32 v3, v22;
	[tilespmem:v4+s12+$0x0] =	vst.idx.msk vm0, v14  }
0x56: {  	v4 =	vor.u32 v5, v21;
	[tilespmem:v7+s12+$0x0] =	vst.idx.msk vm1, v11  }
0x57: {  	[tilespmem:v1+s12+$0x0] =	vst.idx.msk vm2, v12  }
0x58: {  	[tilespmem:v2+s12+$0x0] =	vst.idx.msk vm3, v13  }
0x59: {  	p0 =	seq.s32 s16, $0xF;
	[tilespmem:v15+s12+$0x0] =	vst.idx.msk vm4, v8  }
0x5a: {  	s31 =	simm.s32 $0x3000;
	s18 =	sadd.s32 @!p0 $0x2, s18;
	[tilespmem:v3+s12+$0x0] =	vst.idx.msk vm5, v9  }
0x5b: {  	s20 =	simm.s32 @!p0 $0x400;
	s21 =	simm.s32 @!p0 $0x0;
	s19 =	sshll.u32 @!p0 s18, $0x4;
	[tilespmem:v4+s12+$0x0] =	vst.idx.msk vm6, v10  }
0x5c: {  	s18 =	sshll.u32 @!p0 s18, $0xA;
	s19 =	sand.u32 @!p0 $0x60, s19;
	_ =	swait.ge [sflag:s13], $0x2000  }
0x5d: {  	s18 =	sand.u32 @!p0 $0xFFFE000, s18;
	s19 =	sadd.s32 @!p0 s4, s19;
	[sflag:s13] =	ssyncset.done $0x0  }
0x5e: {  	s18 =	sadd.s32 @!p0 s18, s19;
	s19 =	simm.s32 @!p0 $0x80;
	[sflag:s13] =	ssyncadd.s32 $0xFFFFE000  }
0x5f: {  	[tilespmem:s21], [sflag:$0x1] =	stream.strided.gather @!p0 [hbm4b:s18+s19], $0x2000, s20, s19, $0x38;
	[tilespmem:$0x5000] =	vst v63  }
0x60: {  	v8 =	vld [tilespmem:s31+$0x70]  }
0x61: {  	v5 =	vld [tilespmem:s31+$0x0]  }
0x62: {  	v7 =	vld [tilespmem:s31+$0x10];
	_ =	sdelay $0x1  }
0x63: {  	v1 =	vld [tilespmem:s31+$0x20]  }
0x64: {  	s17 =	sshll.u32 s17, $0x7;
	v2 =	vld [tilespmem:s31+$0x30]  }
0x65: {  	v4 =	vmov s17;
	v3 =	vld [tilespmem:s31+$0x40];
	v6 =	vmax.f32 v8, $0.0e+00  }
0x66: {  	vm0 =	vge.f32 v5, $0.0e+00;
	v9 =	vmax.f32 v5, $0.0e+00;
	v5 =	vld [tilespmem:s31+$0x50];
	v11 =	vmax.f32 v7, $0.0e+00  }
0x67: {  	vm1 =	vge.f32 v8, $0.0e+00;
	v10 =	vtrunc.f32 v6;
	v9 =	vtrunc.f32 v9  }
0x68: {  	v6 =	vld [tilespmem:s31+$0x60];
	v12 =	vtrunc.f32 v11;
	v11 =	vmax.f32 v1, $0.0e+00;
	v10 =	vcvt.f32.s32 v10  }
0x69: {  	v9 =	vcvt.f32.s32 v9;
	v13 =	vtrunc.f32 v11;
	v11 =	vmax.f32 v2, $0.0e+00  }
0x6a: {  	v27 =	vcvt.f32.s32 v13;
	v14 =	vand.u32 $0xFFFFFF80, v10;
	v8 =	vand.u32 $0x7F, v10  }
0x6b: {  	v10 =	vadd.s32 v4, v14;
	v14 =	vmax.f32 v3, $0.0e+00;
	v15 =	vmax.f32 v5, $0.0e+00  }
0x6c: {  	v26 =	vor.u32 v8, v10;
	v8 =	vtrunc.f32 v11;
	v10 =	vtrunc.f32 v14  }
0x6d: {  	v11 =	vmax.f32 v6, $0.0e+00;
	v14 =	vand.u32 $0xFFFFFF80, v9;
	v17 =	vtrunc.f32 v15  }
0x6e: {  	v28 =	vld [tilespmem:s31+$0xFFFFF070];
	v19 =	vtrunc.f32 v11;
	v15 =	vadd.s32 v4, v14;
	v14 =	vcvt.f32.s32 v12  }
0x6f: {  	v13 =	vld [tilespmem:s31+$0xFFFFF030];
	v16 =	vand.u32 $0x7F, v9;
	v29 =	vcvt.f32.s32 v8;
	v30 =	vcvt.f32.s32 v10  }
0x70: {  	v11 =	vld [tilespmem:s31+$0xFFFFF010];
	v18 =	vcvt.f32.s32 v17;
	v10 =	vand.u32 $0xFFFFFF80, v27;
	v17 =	vcvt.f32.s32 v19  }
0x71: {  	v12 =	vld [tilespmem:s31+$0xFFFFF020];
	v24 =	vadd.s32 v4, v10;
	v9 =	vand.u32 $0xFFFFFF80, v14;
	v20 =	vand.u32 $0xFFFFFF80, v29  }
0x72: {  	v8 =	vld [tilespmem:s31+$0xFFFFF040];
	v21 =	vand.u32 $0xFFFFFF80, v30;
	v22 =	vand.u32 $0xFFFFFF80, v18;
	v25 =	vand.u32 $0x7F, v14  }
0x73: {  	v10 =	vld [tilespmem:s31+$0xFFFFF060];
	v19 =	vadd.s32 v4, v9;
	v31 =	vand.u32 $0xFFFFFF80, v17;
	v23 =	vadd.s32 v4, v20  }
0x74: {  	v14 =	vld [tilespmem:s31+$0xFFFFF000];
	v20 =	vadd.s32 v4, v21;
	v22 =	vadd.s32 v4, v22;
	v21 =	vadd.s32 v4, v31  }
0x75: {  	s17 =	simm.s32 $0x0;
	s18 =	simm.s32 $0x3080;
	v9 =	vld [tilespmem:s31+$0xFFFFF050];
	[tilespmem:v26+s12+$0x0] =	vst.idx.msk vm1, v28;
	v28 =	vand.u32 $0x7F, v27;
	v27 =	vand.u32 $0x7F, v29;
	v26 =	vand.u32 $0x7F, v30  }
.LBB2_7:
0x76: {  	v29 =	vld [tilespmem:s18+$0x70];
	s17 =	sadd.s32 $0x8, s17;
	v15 =	vor.u32 v16, v15;
	v16 =	vand.u32 $0x7F, v18;
	v17 =	vand.u32 $0x7F, v17  }
0x77: {  	v19 =	vor.u32 v25, v19;
	v24 =	vor.u32 v28, v24;
	v23 =	vor.u32 v27, v23;
	v18 =	vld [tilespmem:s18+$0x0];
	p0 =	slt.u32 s17, $0xF8  }
0x78: {  	v20 =	vor.u32 v26, v20;
	v16 =	vor.u32 v16, v22;
	v17 =	vor.u32 v17, v21;
	v25 =	vld [tilespmem:s18+$0x10]  }
0x79: {  	vm5 =	vge.f32 v7, $0.0e+00;
	vm6 =	vge.f32 v1, $0.0e+00;
	vm4 =	vge.f32 v2, $0.0e+00;
	v1 =	vld [tilespmem:s18+$0x20]  }
0x7a: {  	vm3 =	vge.f32 v3, $0.0e+00;
	vm2 =	vge.f32 v5, $0.0e+00;
	vm1 =	vge.f32 v6, $0.0e+00;
	v2 =	vld [tilespmem:s18+$0x30]  }
0x7b: {  	v3 =	vld [tilespmem:s18+$0x40];
	v6 =	vmax.f32 v29, $0.0e+00;
	[tilespmem:v15+s12+$0x0] =	vst.idx.msk vm0, v14  }
0x7c: {  	vm0 =	vge.f32 v18, $0.0e+00;
	v21 =	vmax.f32 v18, $0.0e+00;
	v5 =	vld [tilespmem:s18+$0x50];
	v14 =	vtrunc.f32 v6  }
0x7d: {  	v15 =	vtrunc.f32 v21;
	v18 =	vmax.f32 v25, $0.0e+00;
	v6 =	vld [tilespmem:s18+$0x60];
	v14 =	vcvt.f32.s32 v14;
	v7 =	vmovc v25  }
0x7e: {  	v21 =	vcvt.f32.s32 v15;
	v15 =	vld [tilespmem:s18+$0xFFFFF010];
	v18 =	vtrunc.f32 v18;
	v22 =	vmax.f32 v1, $0.0e+00  }
0x7f: {  	v25 =	vld [tilespmem:s18+$0xFFFFF020];
	v22 =	vtrunc.f32 v22;
	v26 =	vmax.f32 v2, $0.0e+00;
	v27 =	vand.u32 $0xFFFFFF80, v14;
	[tilespmem:v19+s12+$0x0] =	vst.idx.msk vm5, v11  }
0x80: {  	vm5 =	vge.f32 v29, $0.0e+00;
	v11 =	vand.u32 $0x7F, v14;
	v19 =	vld [tilespmem:s18+$0xFFFFF030];
	v14 =	vadd.s32 v4, v27;
	[tilespmem:v24+s12+$0x0] =	vst.idx.msk vm6, v12  }
0x81: {  	v12 =	vmax.f32 v3, $0.0e+00;
	v24 =	vmax.f32 v5, $0.0e+00;
	v27 =	vld [tilespmem:s18+$0xFFFFF070];
	v28 =	vor.u32 v11, v14;
	[tilespmem:v23+s12+$0x0] =	vst.idx.msk vm4, v13  }
0x82: {  	v13 =	vtrunc.f32 v26;
	v23 =	vtrunc.f32 v12;
	v14 =	vmax.f32 v6, $0.0e+00;
	[tilespmem:v20+s12+$0x0] =	vst.idx.msk vm3, v8;
	v8 =	vld [tilespmem:s18+$0xFFFFF040]  }
0x83: {  	v30 =	vand.u32 $0xFFFFFF80, v21;
	v20 =	vtrunc.f32 v24;
	v24 =	vtrunc.f32 v14;
	[tilespmem:v16+s12+$0x0] =	vst.idx.msk vm2, v9;
	v9 =	vld [tilespmem:s18+$0xFFFFF050];
	v11 =	vmovc v15  }
0x84: {  	v29 =	vcvt.f32.s32 v22;
	v26 =	vcvt.f32.s32 v18;
	v15 =	vadd.s32 v4, v30;
	[tilespmem:v17+s12+$0x0] =	vst.idx.msk vm1, v10;
	v10 =	vld [tilespmem:s18+$0xFFFFF060];
	v12 =	vmovc v25  }
0x85: {  	v31 =	vcvt.f32.s32 v23;
	v16 =	vand.u32 $0x7F, v21;
	v30 =	vcvt.f32.s32 v13;
	v14 =	vld [tilespmem:s18+$0xFFFFF000];
	v13 =	vmovc v19  }
0x86: {  	v18 =	vcvt.f32.s32 v20;
	v17 =	vcvt.f32.s32 v24;
	v19 =	vand.u32 $0xFFFFFF80, v26;
	[tilespmem:v28+s12+$0x0] =	vst.idx.msk vm5, v27  }
.Ltmp2:
0x87: {  	v20 =	vand.u32 $0xFFFFFF80, v29;
	v22 =	vand.u32 $0xFFFFFF80, v31;
	v21 =	vand.u32 $0xFFFFFF80, v30;
	(pc) =	sbr.rel @p0 .LBB2_7-.Ltmp2, $4  }
0x88: {  	v19 =	vadd.s32 v4, v19;
	v27 =	vand.u32 $0xFFFFFF80, v18;
	v28 =	vand.u32 $0xFFFFFF80, v17  }
0x89: {  	v24 =	vadd.s32 v4, v20;
	v20 =	vadd.s32 v4, v22;
	v23 =	vadd.s32 v4, v21  }
0x8a: {  	v25 =	vand.u32 $0x7F, v26;
	v22 =	vadd.s32 v4, v27;
	v21 =	vadd.s32 v4, v28  }
0x8b: {  	v26 =	vand.u32 $0x7F, v31;
	s18 =	sadd.s32 $0x80, s18;
	v28 =	vand.u32 $0x7F, v29;
	v27 =	vand.u32 $0x7F, v30  }
0x8c: {  	v4 =	vor.u32 v16, v15;
	vm1 =	vge.f32 v7, $0.0e+00  }
0x8d: {  	v60 =	vor.u32 v25, v19;
	vm2 =	vge.f32 v1, $0.0e+00  }
0x8e: {  	v1 =	vor.u32 v28, v24;
	vm3 =	vge.f32 v2, $0.0e+00  }
0x8f: {  	v2 =	vor.u32 v27, v23;
	vm4 =	vge.f32 v3, $0.0e+00  }
0x90: {  	v3 =	vand.u32 $0x7F, v18;
	v61 =	vor.u32 v26, v20;
	vm5 =	vge.f32 v5, $0.0e+00  }
0x91: {  	v62 =	vand.u32 $0x7F, v17;
	vm6 =	vge.f32 v6, $0.0e+00;
	s16 =	sadd.s32 $0x1, s16;
	v3 =	vor.u32 v3, v22;
	[tilespmem:v4+s12+$0x0] =	vst.idx.msk vm0, v14  }
0x92: {  	v63 =	vor.u32 v62, v21;
	p0 =	sne.s32 s16, $0x10;
	[tilespmem:v60+s12+$0x0] =	vst.idx.msk vm1, v11  }
.Ltmp3:
0x93: {  	[tilespmem:v1+s12+$0x0] =	vst.idx.msk vm2, v12;
	(pc) =	sbr.rel @p0 .LBB2_4-.Ltmp3, $4  }
0x94: {  	[tilespmem:v2+s12+$0x0] =	vst.idx.msk vm3, v13  }
0x95: {  	[tilespmem:v61+s12+$0x0] =	vst.idx.msk vm4, v8  }
0x96: {  	[tilespmem:v3+s12+$0x0] =	vst.idx.msk vm5, v9  }
0x97: {  	[tilespmem:v63+s12+$0x0] =	vst.idx.msk vm6, v10  }
0x98: {  	s15 =	sadd.s32 $0x1, s15  }
0x99: {  	p0 =	sne.s32 s15, s7  }
.Ltmp4:
0x9a: {  	_ = 	snop;
	(pc) =	sbr.rel @p0 .LBB2_1-.Ltmp4, $4  }
0x9b: {  	[hbm4b:s6+s2] =	stream.linear.scatter [tilespmem:s12], [sflag:$0x3], $0x1000, $0x38;
	[tilespmem:$0x5000] =	vst v63  }
0x9c: {  	_ =	swait.ge [sflag:s14], $0x1000  }
0x9d: {  	[sflag:s14] =	ssyncset.done $0x0  }
0x9e: {  	[sflag:s14] =	ssyncadd.s32 $0xFFFFF000  }
0x9f: {  	_ =	sfence.sel $0x180000  }
0xa0: {  	[bflag:$0x0] =	sbarrier.arrive $0xFFFF  }
0xa1: {  	p0 =	sne.s32 s1, $0x0;
	_ =	strace $0x90000047  }
0xa2: {  	s0 =	sadd.s32 @!p0 $0x100000, s0;
	[bflag:$0x2] =	sbarrier.arrive $0xFFFF  }
0xa3: {  	[sflag:s0] =	ssyncadd.tile.s32 @!p0 $0x1;
	_ =	shalt  }
.Lfunc_end2:
_tile_overlayer_lowered:
.L_overlay_start_2:
0xa4: {  	(tag) =	ssettag $0x2  }
0xa5: {  	s0 =	rddreg [dreg:$0x0];
	s2 =	stileid.u32  }
0xa6: {  	s1 =	rddreg [dreg:$0x1];
	p0 =	sne.s32 s2, $0x0  }
0xa7: {  	s3 =	rddreg [dreg:$0x2];
	[bflag:$0x3] =	sbarrier.arrive $0xFFFF;
	s2 =	simm.s32 @!p0 $0x1C03  }
0xa8: {  	[timem:s3], [sflag:s2] =	dma.local @!p0 [hbm:s0], s1  }
0xa9: {  	s0 =	simm.s32 @!p0 $0x3  }
0xaa: {  	_ =	swait.ge @!p0 [sflag:s0], s1  }
0xab: {  	s1 =	ssub.s32 @!p0 $0x0, s1;
	[sflag:s0] =	ssyncset.done @!p0 $0x0  }
0xac: {  	[sflag:s0] =	ssyncadd.s32 @!p0 s1  }
0xad: {  	[bflag:$0x3] =	sbarrier.arrive $0xFFFF  }
0xae: {  	_ =	shalt  }

</sc_bundles>
